<compile_context>
chip_gen: v7x
topology: tpu7x:2x2x1
jax: 0.10.2.dev20260603
libtpu: 0.0.44.dev20260713+nightly
codegen_flags: <defaults>
</compile_context>

<pallas_src>
import numpy as np
import jax
import jax.numpy as jnp
from jax import lax
from functools import partial
from jax.experimental import pallas as pl
from jax.experimental.pallas import tpu as pltpu
from jax.experimental.pallas import tpu_sc as plsc

_TEMPERATURE = 0.12
_MAX_STEP_SIZE = 0.18
_MOMENTUM = 0.45
_EXPLORATION_RATE = 0.45

_R1 = (13, 15, 26, 6)
_R2 = (17, 29, 16, 24)
_TINY = np.float32(np.finfo(np.float32).tiny)



def _threefry2x32(k0, k1, x0, x1):
    signed = np.dtype(x1.dtype).kind == "i"

    def cst(v):
        v &= 0xFFFFFFFF
        return np.uint32(v).astype(np.int32) if signed else np.uint32(v)

    if isinstance(x1, (np.ndarray, np.generic)):
        shrl = lambda x, r: x >> np.uint32(r)
    else:
        shrl = lambda x, r: lax.shift_right_logical(x, cst(r))

    C0 = int(k0) & 0xFFFFFFFF
    C1 = int(k1) & 0xFFFFFFFF
    C2 = C0 ^ C1 ^ 0x1BD11BDA
    ks0, ks1, ks2 = cst(C0), cst(C1), cst(C2)

    def rnds(x0, x1, rots):
        for r in rots:
            x0 = x0 + x1
            x1 = (x1 << cst(r)) | shrl(x1, 32 - r)
            x1 = x1 ^ x0
        return x0, x1

    x0 = x0 + ks0
    x1 = x1 + ks1
    x0, x1 = rnds(x0, x1, _R1)
    x0 = x0 + ks1
    x1 = x1 + cst(C2 + 1)
    x0, x1 = rnds(x0, x1, _R2)
    x0 = x0 + ks2
    x1 = x1 + cst(C0 + 2)
    x0, x1 = rnds(x0, x1, _R1)
    x0 = x0 + ks0
    x1 = x1 + cst(C1 + 3)
    x0, x1 = rnds(x0, x1, _R2)
    x0 = x0 + ks1
    x1 = x1 + cst(C2 + 4)
    x0, x1 = rnds(x0, x1, _R1)
    x0 = x0 + ks2
    x1 = x1 + cst(C0 + 5)
    return x0, x1


def _np_threefry2x32(k0, k1, x0, x1):
    old = np.seterr(over="ignore")
    try:
        out = _threefry2x32(
            np.uint32(k0), np.uint32(k1), np.uint32(x0), np.uint32(x1)
        )
    finally:
        np.seterr(**old)
    return out


_KS_DATA = np.asarray(_np_threefry2x32(0, 42, 0, 1), dtype=np.uint32)


def _sample_kernel(sal_ref, out_ref, idx_ref, *, k0, k1, H, W, CH):
    b = pl.program_id(0)
    n_chunks = H // CH
    base = jnp.uint32(H * W) * jnp.uint32(b)
    jrow = lax.broadcasted_iota(jnp.uint32, (CH, W), 0) * jnp.uint32(W)
    jcol = lax.broadcasted_iota(jnp.uint32, (CH, W), 1)
    jloc = jrow + jcol

    def body(i, carry):
        vmax, vidx = carry
        sal = sal_ref[0, pl.ds(i * CH, CH), :]
        j = jnp.uint32(CH * W) * i.astype(jnp.uint32) + jloc
        p = base + j
        x0, x1 = _threefry2x32(k0, k1, jnp.zeros_like(p), p)
        bits = x0 ^ x1
        fb = (bits >> np.uint32(9)) | np.uint32(0x3F800000)
        f = lax.bitcast_convert_type(fb, jnp.float32) - np.float32(1.0)
        u = jnp.maximum(_TINY, f * (np.float32(1.0) - _TINY) + _TINY)
        g = -jnp.log(-jnp.log(u))
        score = sal / np.float32(_TEMPERATURE) + g
        take = score > vmax
        vmax = jnp.where(take, score, vmax)
        vidx = jnp.where(take, j.astype(jnp.int32), vidx)
        return vmax, vidx

    vmax0 = jnp.full((CH, W), -jnp.inf, dtype=jnp.float32)
    vidx0 = jnp.zeros((CH, W), dtype=jnp.int32)
    vmax, vidx = lax.fori_loop(0, n_chunks, body, (vmax0, vidx0), unroll=4)
    out_ref[0] = vmax
    idx_ref[0] = vidx


_LN2 = np.float32(0.6931471805599453)
_SQRT2 = np.float32(1.4142135623730951)


def _neg_log(u):
    bits = lax.bitcast_convert_type(u, jnp.int32)
    e = (bits >> np.int32(23)) - np.int32(127)
    mbits = (bits & np.int32(0x7FFFFF)) | np.int32(0x3F800000)
    m = lax.bitcast_convert_type(mbits, jnp.float32)
    big = m > _SQRT2
    m = jnp.where(big, m * np.float32(0.5), m)
    k = (e + jnp.where(big, np.int32(1), np.int32(0))).astype(jnp.float32)
    z = (m - np.float32(1.0)) / (m + np.float32(1.0))
    z2 = z * z
    q = z2 * (
        np.float32(1 / 3)
        + z2
        * (
            np.float32(1 / 5)
            + z2 * (np.float32(1 / 7) + z2 * np.float32(1 / 9))
        )
    )
    t2z = z + z
    lnm = t2z + t2z * q
    return (-_LN2) * k - lnm


def _sc_sample_kernel(sal_hbm, omin_hbm, oidx_hbm, buf_ref, ovecf_ref, oveci_ref, *, k0, k1, HW, row0, rpw, chunk, U):
    wid = lax.axis_index("s") * 2 + lax.axis_index("c")
    lane = lax.broadcasted_iota(jnp.int32, (16,), 0)
    n_chunks = HW // chunk
    n_iters = chunk // (16 * U)
    inv_t = np.float32(1.0 / _TEMPERATURE)

    R = rpw
    for rr in range((R + 31) // 32):
        lrow = np.int32(rr * 32) + wid

        @pl.when(lrow < R)
        def _process_row():
            row = np.int32(row0) + lrow
            p_row = np.int32(HW) * row

            def chunk_body(c, carry):
                vmin, vidx = carry
                pltpu.sync_copy(
                    sal_hbm.at[pl.ds(p_row + c * chunk, chunk)], buf_ref
                )
                cbase = c * chunk

                def it_body(i, carry2):
                    vmin2, vidx2 = carry2
                    for s in range(U):
                        off = i * (16 * U) + s * 16
                        sal = buf_ref[pl.ds(off, 16)]
                        j = cbase + off + lane
                        p = p_row + j
                        x0, x1 = _threefry2x32(k0, k1, jnp.zeros_like(p), p)
                        bits = x0 ^ x1
                        fb = lax.shift_right_logical(
                            bits, np.int32(9)
                        ) | np.int32(0x3F800000)
                        f = lax.bitcast_convert_type(fb, jnp.float32) - np.float32(
                            1.0
                        )
                        u = jnp.maximum(
                            _TINY, f * (np.float32(1.0) - _TINY) + _TINY
                        )
                        en = _neg_log(u)
                        w = jnp.exp(sal * (-inv_t))
                        s_sc = en * w
                        take = s_sc < vmin2
                        vmin2 = jnp.where(take, s_sc, vmin2)
                        vidx2 = jnp.where(take, j, vidx2)
                    return vmin2, vidx2

                return lax.fori_loop(0, n_iters, it_body, (vmin, vidx))

            vmin0 = jnp.full((16,), jnp.inf, dtype=jnp.float32)
            vidx0 = jnp.zeros((16,), dtype=jnp.int32)
            vmin, vidx = lax.fori_loop(0, n_chunks, chunk_body, (vmin0, vidx0))
            ovecf_ref[...] = vmin
            oveci_ref[...] = vidx
            pltpu.sync_copy(ovecf_ref, omin_hbm.at[lrow])
            pltpu.sync_copy(oveci_ref, oidx_hbm.at[lrow])


def _sc_sample_rows(sal1d, HW, row0, R):
    rpw = R
    mesh = plsc.VectorSubcoreMesh(core_axis_name="c", subcore_axis_name="s")
    chunk = 16384
    kern = partial(
        _sc_sample_kernel,
        k0=int(_KS_DATA[0]),
        k1=int(_KS_DATA[1]),
        HW=HW,
        row0=row0,
        rpw=rpw,
        chunk=chunk,
        U=4,
    )
    f = pl.kernel(
        kern,
        out_type=[
            jax.ShapeDtypeStruct((R, 16), jnp.float32),
            jax.ShapeDtypeStruct((R, 16), jnp.int32),
        ],
        mesh=mesh,
        scratch_types=[
            pltpu.VMEM((chunk,), jnp.float32),
            pltpu.VMEM((16,), jnp.float32),
            pltpu.VMEM((16,), jnp.int32),
        ],
        compiler_params=pltpu.CompilerParams(use_tc_tiling_on_sc=True),
    )
    return f(sal1d)


def _finalize_kernel(vmax_ref, vidx_ref, scmin_ref, scidx_ref, pos_ref, *, H, W):
    v = vmax_ref[...]
    vidx = vidx_ref[...]
    m = jnp.max(v, axis=1, keepdims=True)
    cand = jnp.where(v == m, vidx, jnp.int32(0x7FFFFFFF))
    idx_tc = jnp.min(cand, axis=1)
    sv = scmin_ref[...]
    sidx = scidx_ref[...]
    sm = jnp.min(sv, axis=1, keepdims=True)
    scand = jnp.where(sv == sm, sidx, jnp.int32(0x7FFFFFFF))
    idx_sc = jnp.min(scand, axis=1)
    idx = jnp.concatenate([idx_tc, idx_sc], axis=0)
    y = (idx // W).astype(jnp.float32) / np.float32(max(H - 1, 1))
    x = (idx % W).astype(jnp.float32) / np.float32(max(W - 1, 1))
    pos_ref[...] = jnp.concatenate([x[:, None], y[:, None]], axis=1)


_SC_ROWS = 32


def _sample_positions(sal3):
    B, H, W = sal3.shape
    CH = 16
    B_tc = B - _SC_ROWS
    sc_min, sc_idx = _sc_sample_rows(
        sal3.reshape(B * H * W), HW=H * W, row0=B_tc, R=_SC_ROWS
    )
    kern = partial(
        _sample_kernel,
        k0=int(_KS_DATA[0]),
        k1=int(_KS_DATA[1]),
        H=H,
        W=W,
        CH=CH,
    )
    vmax, vidx = pl.pallas_call(
        kern,
        grid=(B_tc,),
        in_specs=[pl.BlockSpec((1, H, W), lambda b: (b, 0, 0))],
        out_specs=[
            pl.BlockSpec((1, CH, W), lambda b: (b, 0, 0)),
            pl.BlockSpec((1, CH, W), lambda b: (b, 0, 0)),
        ],
        out_shape=[
            jax.ShapeDtypeStruct((B_tc, CH, W), jnp.float32),
            jax.ShapeDtypeStruct((B_tc, CH, W), jnp.int32),
        ],
    )(sal3[:B_tc])
    vmax = vmax.reshape(B_tc, CH * W)
    vidx = vidx.reshape(B_tc, CH * W)
    pos = pl.pallas_call(
        partial(_finalize_kernel, H=H, W=W),
        out_shape=jax.ShapeDtypeStruct((B, 2), jnp.float32),
    )(vmax, vidx, sc_min, sc_idx)
    return pos


def kernel(saliency_map, prev_pos, prev_direction, step, seq_len):
    B, _, H, W = saliency_map.shape
    rk = jax.random.key(42)
    kc1, ks, kr, kc2 = jax.random.split(rk, 4)
    sal_pos = _sample_positions(saliency_map.reshape(B, H, W))
    rand_pos = jax.random.uniform(kr, (B, 2), dtype=jnp.float32)
    explore = jax.random.uniform(kc1, ()) < _EXPLORATION_RATE
    base_pos = jnp.where(explore, rand_pos, sal_pos)
    momentum_pos = jnp.clip(prev_pos + prev_direction * _MAX_STEP_SIZE, 0.0, 1.0)
    use_mom = jax.random.uniform(kc2, ()) > _EXPLORATION_RATE
    mixed = (1.0 - _MOMENTUM) * base_pos + _MOMENTUM * momentum_pos
    base_pos = jnp.where(use_mom, mixed, base_pos)
    return base_pos

# --- scband reference (transcript-rebuilt; emitter-appended) ---
"""Pipeline reference for scband-fixed-rate-sampler-79422535238093 (READ-ONLY COPY).

The authoritative reference and input builder live on the scoring server;
editing this copy changes nothing except your own understanding.
"""

import jax, jax.numpy as jnp
import numpy as np

TEMPERATURE = 0.12
MAX_STEP_SIZE = 0.18
MOMENTUM = 0.45
EXPLORATION_RATE = 0.45


def setup_inputs(seed: int = 0):
    key = jax.random.key(seed)
    k1, k2, k3 = jax.random.split(key, 3)
    saliency_map = jax.random.uniform(k1, (128, 1, 512, 512), dtype=jnp.float32)
    prev_pos = jax.random.uniform(k2, (128, 2), dtype=jnp.float32)
    prev_direction = jax.random.normal(k3, (128, 2), dtype=jnp.float32)
    return {"saliency_map": saliency_map, "prev_pos": prev_pos, "prev_direction": prev_direction, "step": 5, "seq_len": 16}


def reference(saliency_map, prev_pos, prev_direction, step, seq_len):
    B, _, H, W = saliency_map.shape
    rk = jax.random.key(42)
    kc1, ks, kr, kc2 = jax.random.split(rk, 4)
    # sample_from_saliency: softmax(saliency/T) then multinomial -> categorical on logits
    sal_flat = saliency_map.reshape(B, -1)
    logits = sal_flat / TEMPERATURE
    indices = jax.random.categorical(ks, logits, axis=-1)
    y = (indices // W).astype(jnp.float32) / max(H - 1, 1)
    x = (indices % W).astype(jnp.float32) / max(W - 1, 1)
    sal_pos = jnp.stack([x, y], axis=-1)
    rand_pos = jax.random.uniform(kr, (B, 2), dtype=jnp.float32)
    explore = jax.random.uniform(kc1, ()) < EXPLORATION_RATE
    base_pos = jnp.where(explore, rand_pos, sal_pos)
    # momentum blending branch (prev_direction is not None)
    momentum_pos = jnp.clip(prev_pos + prev_direction * MAX_STEP_SIZE, 0.0, 1.0)
    use_mom = jax.random.uniform(kc2, ()) > EXPLORATION_RATE
    mixed = (1.0 - MOMENTUM) * base_pos + MOMENTUM * momentum_pos
    base_pos = jnp.where(use_mom, mixed, base_pos)
    return base_pos

if __name__ == "__main__":
    import jax
    _d = setup_inputs()
    print(jax.jit(kernel)(*tuple(_d.values())))

</pallas_src>

<mosaic_0001>
#map = affine_map<(d0, d1) -> (0)>
#map1 = affine_map<(d0, d1) -> (0, 0)>
module attributes {stable_mosaic.version = 14 : i64} {
  func.func @_sc_sample_kernel(%arg0: i32, %arg1: i32, %arg2: memref<33554432xf32, #tpu.memory_space<hbm>>, %arg3: memref<32x16xf32, #tpu.memory_space<hbm>>, %arg4: memref<32x16xi32, #tpu.memory_space<hbm>>, %arg5: memref<16384xf32, #tpu.memory_space<vmem>>, %arg6: memref<16xf32, #tpu.memory_space<vmem>>, %arg7: memref<16xi32, #tpu.memory_space<vmem>>) attributes {dimension_semantics = [#tpu.dimension_semantics<core_parallel>, #tpu.dimension_semantics<subcore_parallel>], iteration_bounds = array<i64: 2, 16>, scalar_prefetch = 0 : i64, scratch_operands = 3 : i64, tpu.core_type = #tpu.core_type<sc_vector_subcore>, window_params = [{transform_indices = #map}, {transform_indices = #map1}, {transform_indices = #map1}]} {
    %mul3A = arith.constant 2 : i32
    %mul3A_0 = arith.muli %arg1, %mul3A : i32
    %add3A = arith.addi %mul3A_0, %arg0 : i32
    %iota3A = tpu.iota {dimensions = array<i32: 0>} : vector<16xi32>
    %add3A_1 = arith.constant 0 : i32
    %add3A_2 = arith.addi %add3A_1, %add3A : i32
    %lt3A = arith.constant 32 : i32
    %lt3A_3 = arith.cmpi slt, %add3A_2, %lt3A : i32
    %convert_element_type3A = arith.extui %lt3A_3 : i1 to i32
    %cond3A = arith.constant 0 : i32
    %cond3A_4 = arith.cmpi ne, %convert_element_type3A, %cond3A : i32
    scf.if %cond3A_4 {
      %add3A_5 = arith.constant 96 : i32
      %add3A_6 = arith.addi %add3A_5, %add3A_2 : i32
      %mul3A_7 = arith.constant 262144 : i32
      %mul3A_8 = arith.muli %mul3A_7, %add3A_6 : i32
      %broadcast_in_dim3A = arith.constant 0x7F800000 : f32
      %broadcast_in_dim3A_9 = vector.broadcast %broadcast_in_dim3A : f32 to vector<16xf32>
      %broadcast_in_dim3A_10 = arith.constant 0 : i32
      %broadcast_in_dim3A_11 = vector.broadcast %broadcast_in_dim3A_10 : i32 to vector<16xi32>
      %scan3A = arith.constant 0 : i32
      %scan3A_12 = arith.constant 16 : i32
      %scan3A_13 = arith.addi %scan3A, %scan3A_12 : i32
      %scan3A_14 = arith.constant 1 : i32
      %scan3A_15:2 = scf.for %scan3A_24 = %scan3A to %scan3A_13 step %scan3A_14 iter_args(%scan3A_25 = %broadcast_in_dim3A_9, %scan3A_26 = %broadcast_in_dim3A_11) -> (vector<16xf32>, vector<16xi32>)  : i32 {
        %mul3A_27 = arith.constant 16384 : i32
        %mul3A_28 = arith.muli %scan3A_24, %mul3A_27 : i32
        %add3A_29 = arith.addi %mul3A_8, %mul3A_28 : i32
        "tpu.region"() ({
          %run_scoped3A = tpu.sem_alloc : memref<!tpu.dma_semaphore, #tpu.memory_space<semaphore_mem>>
          %dma_start3A = tpu.memref_slice %arg2[%add3A_29] : memref<33554432xf32, #tpu.memory_space<hbm>> -> memref<16384xf32, #tpu.memory_space<hbm>>
          %dma_start3A_38 = tpu.memref_slice %arg2[%add3A_29] : memref<33554432xf32, #tpu.memory_space<hbm>> -> memref<16384xf32, #tpu.memory_space<hbm>>
          tpu.enqueue_dma source(%dma_start3A_38 : memref<16384xf32, #tpu.memory_space<hbm>>) target(%arg5 : memref<16384xf32, #tpu.memory_space<vmem>>) target_semaphore(%run_scoped3A : memref<!tpu.dma_semaphore, #tpu.memory_space<semaphore_mem>>)
          %dma_wait3A = tpu.memref_slice %arg2[%add3A_29] : memref<33554432xf32, #tpu.memory_space<hbm>> -> memref<16384xf32, #tpu.memory_space<hbm>>
          %dma_wait3A_39 = tpu.memref_slice %arg2[%add3A_29] : memref<33554432xf32, #tpu.memory_space<hbm>> -> memref<16384xf32, #tpu.memory_space<hbm>>
          tpu.wait_dma2 semaphore(%run_scoped3A : memref<!tpu.dma_semaphore, #tpu.memory_space<semaphore_mem>>) src(%dma_wait3A_39 : memref<16384xf32, #tpu.memory_space<hbm>>) dst(%arg5 : memref<16384xf32, #tpu.memory_space<vmem>>)
          tpu.yield
        }) : () -> ()
        %mul3A_30 = arith.constant 16384 : i32
        %mul3A_31 = arith.muli %scan3A_24, %mul3A_30 : i32
        %scan3A_32 = arith.constant 0 : i32
        %scan3A_33 = arith.constant 256 : i32
        %scan3A_34 = arith.addi %scan3A_32, %scan3A_33 : i32
        %scan3A_35 = arith.constant 1 : i32
        %scan3A_36:2 = scf.for %scan3A_38 = %scan3A_32 to %scan3A_34 step %scan3A_35 iter_args(%scan3A_39 = %scan3A_25, %scan3A_40 = %scan3A_26) -> (vector<16xf32>, vector<16xi32>)  : i32 {
          %mul3A_41 = arith.constant 64 : i32
          %mul3A_42 = arith.muli %scan3A_38, %mul3A_41 : i32
          %add3A_43 = arith.constant 0 : i32
          %add3A_44 = arith.addi %mul3A_42, %add3A_43 : i32
          %get3A = arith.index_cast %add3A_44 : i32 to index
          %get3A_45 = tpu.vector_load %arg5[%get3A] {strides = array<i32>} : memref<16384xf32, #tpu.memory_space<vmem>>, vector<16xf32>,
          %get3A_46 = vector.shape_cast %get3A_45 : vector<16xf32> to vector<16xf32>
          %add3A_47 = arith.addi %mul3A_31, %add3A_44 : i32
          %add3A_48 = vector.broadcast %add3A_47 : i32 to vector<16xi32>
          %add3A_49 = arith.addi %add3A_48, %iota3A : vector<16xi32>
          %add3A_50 = vector.broadcast %mul3A_8 : i32 to vector<16xi32>
          %add3A_51 = arith.addi %add3A_50, %add3A_49 : vector<16xi32>
          %broadcast_in_dim3A_52 = arith.constant 0 : i32
          %broadcast_in_dim3A_53 = vector.broadcast %broadcast_in_dim3A_52 : i32 to vector<16xi32>
          %add3A_54 = arith.constant 64467757 : i32
          %add3A_55 = vector.broadcast %add3A_54 : i32 to vector<16xi32>
          %add3A_56 = arith.addi %broadcast_in_dim3A_53, %add3A_55 : vector<16xi32>
          %add3A_57 = arith.constant -1378843660 : i32
          %add3A_58 = vector.broadcast %add3A_57 : i32 to vector<16xi32>
          %add3A_59 = arith.addi %add3A_51, %add3A_58 : vector<16xi32>
          %add3A_60 = arith.addi %add3A_56, %add3A_59 : vector<16xi32>
          %shift_left3A = arith.constant 13 : i32
          %shift_left3A_61 = vector.broadcast %shift_left3A : i32 to vector<16xi32>
          %shift_left3A_62 = arith.shli %add3A_59, %shift_left3A_61 : vector<16xi32>
          %shift_right_logical3A = arith.constant 19 : i32
          %shift_right_logical3A_63 = vector.broadcast %shift_right_logical3A : i32 to vector<16xi32>
          %shift_right_logical3A_64 = arith.shrui %add3A_59, %shift_right_logical3A_63 : vector<16xi32>
          %or3A = arith.ori %shift_left3A_62, %shift_right_logical3A_64 : vector<16xi32>
          %xor3A = arith.xori %or3A, %add3A_60 : vector<16xi32>
          %add3A_65 = arith.addi %add3A_60, %xor3A : vector<16xi32>
          %shift_left3A_66 = arith.constant 15 : i32
          %shift_left3A_67 = vector.broadcast %shift_left3A_66 : i32 to vector<16xi32>
          %shift_left3A_68 = arith.shli %xor3A, %shift_left3A_67 : vector<16xi32>
          %shift_right_logical3A_69 = arith.constant 17 : i32
          %shift_right_logical3A_70 = vector.broadcast %shift_right_logical3A_69 : i32 to vector<16xi32>
          %shift_right_logical3A_71 = arith.shrui %xor3A, %shift_right_logical3A_70 : vector<16xi32>
          %or3A_72 = arith.ori %shift_left3A_68, %shift_right_logical3A_71 : vector<16xi32>
          %xor3A_73 = arith.xori %or3A_72, %add3A_65 : vector<16xi32>
          %add3A_74 = arith.addi %add3A_65, %xor3A_73 : vector<16xi32>
          %shift_left3A_75 = arith.constant 26 : i32
          %shift_left3A_76 = vector.broadcast %shift_left3A_75 : i32 to vector<16xi32>
          %shift_left3A_77 = arith.shli %xor3A_73, %shift_left3A_76 : vector<16xi32>
          %shift_right_logical3A_78 = arith.constant 6 : i32
          %shift_right_logical3A_79 = vector.broadcast %shift_right_logical3A_78 : i32 to vector<16xi32>
          %shift_right_logical3A_80 = arith.shrui %xor3A_73, %shift_right_logical3A_79 : vector<16xi32>
          %or3A_81 = arith.ori %shift_left3A_77, %shift_right_logical3A_80 : vector<16xi32>
          %xor3A_82 = arith.xori %or3A_81, %add3A_74 : vector<16xi32>
          %add3A_83 = arith.addi %add3A_74, %xor3A_82 : vector<16xi32>
          %shift_left3A_84 = arith.constant 6 : i32
          %shift_left3A_85 = vector.broadcast %shift_left3A_84 : i32 to vector<16xi32>
          %shift_left3A_86 = arith.shli %xor3A_82, %shift_left3A_85 : vector<16xi32>
          %shift_right_logical3A_87 = arith.constant 26 : i32
          %shift_right_logical3A_88 = vector.broadcast %shift_right_logical3A_87 : i32 to vector<16xi32>
          %shift_right_logical3A_89 = arith.shrui %xor3A_82, %shift_right_logical3A_88 : vector<16xi32>
          %or3A_90 = arith.ori %shift_left3A_86, %shift_right_logical3A_89 : vector<16xi32>
          %xor3A_91 = arith.xori %or3A_90, %add3A_83 : vector<16xi32>
          %add3A_92 = arith.constant -1378843660 : i32
          %add3A_93 = vector.broadcast %add3A_92 : i32 to vector<16xi32>
          %add3A_94 = arith.addi %add3A_83, %add3A_93 : vector<16xi32>
          %add3A_95 = arith.constant -1244255484 : i32
          %add3A_96 = vector.broadcast %add3A_95 : i32 to vector<16xi32>
          %add3A_97 = arith.addi %xor3A_91, %add3A_96 : vector<16xi32>
          %add3A_98 = arith.addi %add3A_94, %add3A_97 : vector<16xi32>
          %shift_left3A_99 = arith.constant 17 : i32
          %shift_left3A_100 = vector.broadcast %shift_left3A_99 : i32 to vector<16xi32>
          %shift_left3A_101 = arith.shli %add3A_97, %shift_left3A_100 : vector<16xi32>
          %shift_right_logical3A_102 = arith.constant 15 : i32
          %shift_right_logical3A_103 = vector.broadcast %shift_right_logical3A_102 : i32 to vector<16xi32>
          %shift_right_logical3A_104 = arith.shrui %add3A_97, %shift_right_logical3A_103 : vector<16xi32>
          %or3A_105 = arith.ori %shift_left3A_101, %shift_right_logical3A_104 : vector<16xi32>
          %xor3A_106 = arith.xori %or3A_105, %add3A_98 : vector<16xi32>
          %add3A_107 = arith.addi %add3A_98, %xor3A_106 : vector<16xi32>
          %shift_left3A_108 = arith.constant 29 : i32
          %shift_left3A_109 = vector.broadcast %shift_left3A_108 : i32 to vector<16xi32>
          %shift_left3A_110 = arith.shli %xor3A_106, %shift_left3A_109 : vector<16xi32>
          %shift_right_logical3A_111 = arith.constant 3 : i32
          %shift_right_logical3A_112 = vector.broadcast %shift_right_logical3A_111 : i32 to vector<16xi32>
          %shift_right_logical3A_113 = arith.shrui %xor3A_106, %shift_right_logical3A_112 : vector<16xi32>
          %or3A_114 = arith.ori %shift_left3A_110, %shift_right_logical3A_113 : vector<16xi32>
          %xor3A_115 = arith.xori %or3A_114, %add3A_107 : vector<16xi32>
          %add3A_116 = arith.addi %add3A_107, %xor3A_115 : vector<16xi32>
          %shift_left3A_117 = arith.constant 16 : i32
          %shift_left3A_118 = vector.broadcast %shift_left3A_117 : i32 to vector<16xi32>
          %shift_left3A_119 = arith.shli %xor3A_115, %shift_left3A_118 : vector<16xi32>
          %shift_right_logical3A_120 = arith.constant 16 : i32
          %shift_right_logical3A_121 = vector.broadcast %shift_right_logical3A_120 : i32 to vector<16xi32>
          %shift_right_logical3A_122 = arith.shrui %xor3A_115, %shift_right_logical3A_121 : vector<16xi32>
          %or3A_123 = arith.ori %shift_left3A_119, %shift_right_logical3A_122 : vector<16xi32>
          %xor3A_124 = arith.xori %or3A_123, %add3A_116 : vector<16xi32>
          %add3A_125 = arith.addi %add3A_116, %xor3A_124 : vector<16xi32>
          %shift_left3A_126 = arith.constant 24 : i32
          %shift_left3A_127 = vector.broadcast %shift_left3A_126 : i32 to vector<16xi32>
          %shift_left3A_128 = arith.shli %xor3A_124, %shift_left3A_127 : vector<16xi32>
          %shift_right_logical3A_129 = arith.constant 8 : i32
          %shift_right_logical3A_130 = vector.broadcast %shift_right_logical3A_129 : i32 to vector<16xi32>
          %shift_right_logical3A_131 = arith.shrui %xor3A_124, %shift_right_logical3A_130 : vector<16xi32>
          %or3A_132 = arith.ori %shift_left3A_128, %shift_right_logical3A_131 : vector<16xi32>
          %xor3A_133 = arith.xori %or3A_132, %add3A_125 : vector<16xi32>
          %add3A_134 = arith.constant -1244255485 : i32
          %add3A_135 = vector.broadcast %add3A_134 : i32 to vector<16xi32>
          %add3A_136 = arith.addi %add3A_125, %add3A_135 : vector<16xi32>
          %add3A_137 = arith.constant 64467759 : i32
          %add3A_138 = vector.broadcast %add3A_137 : i32 to vector<16xi32>
          %add3A_139 = arith.addi %xor3A_133, %add3A_138 : vector<16xi32>
          %add3A_140 = arith.addi %add3A_136, %add3A_139 : vector<16xi32>
          %shift_left3A_141 = arith.constant 13 : i32
          %shift_left3A_142 = vector.broadcast %shift_left3A_141 : i32 to vector<16xi32>
          %shift_left3A_143 = arith.shli %add3A_139, %shift_left3A_142 : vector<16xi32>
          %shift_right_logical3A_144 = arith.constant 19 : i32
          %shift_right_logical3A_145 = vector.broadcast %shift_right_logical3A_144 : i32 to vector<16xi32>
          %shift_right_logical3A_146 = arith.shrui %add3A_139, %shift_right_logical3A_145 : vector<16xi32>
          %or3A_147 = arith.ori %shift_left3A_143, %shift_right_logical3A_146 : vector<16xi32>
          %xor3A_148 = arith.xori %or3A_147, %add3A_140 : vector<16xi32>
          %add3A_149 = arith.addi %add3A_140, %xor3A_148 : vector<16xi32>
          %shift_left3A_150 = arith.constant 15 : i32
          %shift_left3A_151 = vector.broadcast %shift_left3A_150 : i32 to vector<16xi32>
          %shift_left3A_152 = arith.shli %xor3A_148, %shift_left3A_151 : vector<16xi32>
          %shift_right_logical3A_153 = arith.constant 17 : i32
          %shift_right_logical3A_154 = vector.broadcast %shift_right_logical3A_153 : i32 to vector<16xi32>
          %shift_right_logical3A_155 = arith.shrui %xor3A_148, %shift_right_logical3A_154 : vector<16xi32>
          %or3A_156 = arith.ori %shift_left3A_152, %shift_right_logical3A_155 : vector<16xi32>
          %xor3A_157 = arith.xori %or3A_156, %add3A_149 : vector<16xi32>
          %add3A_158 = arith.addi %add3A_149, %xor3A_157 : vector<16xi32>
          %shift_left3A_159 = arith.constant 26 : i32
          %shift_left3A_160 = vector.broadcast %shift_left3A_159 : i32 to vector<16xi32>
          %shift_left3A_161 = arith.shli %xor3A_157, %shift_left3A_160 : vector<16xi32>
          %shift_right_logical3A_162 = arith.constant 6 : i32
          %shift_right_logical3A_163 = vector.broadcast %shift_right_logical3A_162 : i32 to vector<16xi32>
          %shift_right_logical3A_164 = arith.shrui %xor3A_157, %shift_right_logical3A_163 : vector<16xi32>
          %or3A_165 = arith.ori %shift_left3A_161, %shift_right_logical3A_164 : vector<16xi32>
          %xor3A_166 = arith.xori %or3A_165, %add3A_158 : vector<16xi32>
          %add3A_167 = arith.addi %add3A_158, %xor3A_166 : vector<16xi32>
          %shift_left3A_168 = arith.constant 6 : i32
          %shift_left3A_169 = vector.broadcast %shift_left3A_168 : i32 to vector<16xi32>
          %shift_left3A_170 = arith.shli %xor3A_166, %shift_left3A_169 : vector<16xi32>
          %shift_right_logical3A_171 = arith.constant 26 : i32
          %shift_right_logical3A_172 = vector.broadcast %shift_right_logical3A_171 : i32 to vector<16xi32>
          %shift_right_logical3A_173 = arith.shrui %xor3A_166, %shift_right_logical3A_172 : vector<16xi32>
          %or3A_174 = arith.ori %shift_left3A_170, %shift_right_logical3A_173 : vector<16xi32>
          %xor3A_175 = arith.xori %or3A_174, %add3A_167 : vector<16xi32>
          %add3A_176 = arith.constant 64467757 : i32
          %add3A_177 = vector.broadcast %add3A_176 : i32 to vector<16xi32>
          %add3A_178 = arith.addi %add3A_167, %add3A_177 : vector<16xi32>
          %add3A_179 = arith.constant -1378843657 : i32
          %add3A_180 = vector.broadcast %add3A_179 : i32 to vector<16xi32>
          %add3A_181 = arith.addi %xor3A_175, %add3A_180 : vector<16xi32>
          %add3A_182 = arith.addi %add3A_178, %add3A_181 : vector<16xi32>
          %shift_left3A_183 = arith.constant 17 : i32
          %shift_left3A_184 = vector.broadcast %shift_left3A_183 : i32 to vector<16xi32>
          %shift_left3A_185 = arith.shli %add3A_181, %shift_left3A_184 : vector<16xi32>
          %shift_right_logical3A_186 = arith.constant 15 : i32
          %shift_right_logical3A_187 = vector.broadcast %shift_right_logical3A_186 : i32 to vector<16xi32>
          %shift_right_logical3A_188 = arith.shrui %add3A_181, %shift_right_logical3A_187 : vector<16xi32>
          %or3A_189 = arith.ori %shift_left3A_185, %shift_right_logical3A_188 : vector<16xi32>
          %xor3A_190 = arith.xori %or3A_189, %add3A_182 : vector<16xi32>
          %add3A_191 = arith.addi %add3A_182, %xor3A_190 : vector<16xi32>
          %shift_left3A_192 = arith.constant 29 : i32
          %shift_left3A_193 = vector.broadcast %shift_left3A_192 : i32 to vector<16xi32>
          %shift_left3A_194 = arith.shli %xor3A_190, %shift_left3A_193 : vector<16xi32>
          %shift_right_logical3A_195 = arith.constant 3 : i32
          %shift_right_logical3A_196 = vector.broadcast %shift_right_logical3A_195 : i32 to vector<16xi32>
          %shift_right_logical3A_197 = arith.shrui %xor3A_190, %shift_right_logical3A_196 : vector<16xi32>
          %or3A_198 = arith.ori %shift_left3A_194, %shift_right_logical3A_197 : vector<16xi32>
          %xor3A_199 = arith.xori %or3A_198, %add3A_191 : vector<16xi32>
          %add3A_200 = arith.addi %add3A_191, %xor3A_199 : vector<16xi32>
          %shift_left3A_201 = arith.constant 16 : i32
          %shift_left3A_202 = vector.broadcast %shift_left3A_201 : i32 to vector<16xi32>
          %shift_left3A_203 = arith.shli %xor3A_199, %shift_left3A_202 : vector<16xi32>
          %shift_right_logical3A_204 = arith.constant 16 : i32
          %shift_right_logical3A_205 = vector.broadcast %shift_right_logical3A_204 : i32 to vector<16xi32>
          %shift_right_logical3A_206 = arith.shrui %xor3A_199, %shift_right_logical3A_205 : vector<16xi32>
          %or3A_207 = arith.ori %shift_left3A_203, %shift_right_logical3A_206 : vector<16xi32>
          %xor3A_208 = arith.xori %or3A_207, %add3A_200 : vector<16xi32>
          %add3A_209 = arith.addi %add3A_200, %xor3A_208 : vector<16xi32>
          %shift_left3A_210 = arith.constant 24 : i32
          %shift_left3A_211 = vector.broadcast %shift_left3A_210 : i32 to vector<16xi32>
          %shift_left3A_212 = arith.shli %xor3A_208, %shift_left3A_211 : vector<16xi32>
          %shift_right_logical3A_213 = arith.constant 8 : i32
          %shift_right_logical3A_214 = vector.broadcast %shift_right_logical3A_213 : i32 to vector<16xi32>
          %shift_right_logical3A_215 = arith.shrui %xor3A_208, %shift_right_logical3A_214 : vector<16xi32>
          %or3A_216 = arith.ori %shift_left3A_212, %shift_right_logical3A_215 : vector<16xi32>
          %xor3A_217 = arith.xori %or3A_216, %add3A_209 : vector<16xi32>
          %add3A_218 = arith.constant -1378843660 : i32
          %add3A_219 = vector.broadcast %add3A_218 : i32 to vector<16xi32>
          %add3A_220 = arith.addi %add3A_209, %add3A_219 : vector<16xi32>
          %add3A_221 = arith.constant -1244255481 : i32
          %add3A_222 = vector.broadcast %add3A_221 : i32 to vector<16xi32>
          %add3A_223 = arith.addi %xor3A_217, %add3A_222 : vector<16xi32>
          %add3A_224 = arith.addi %add3A_220, %add3A_223 : vector<16xi32>
          %shift_left3A_225 = arith.constant 13 : i32
          %shift_left3A_226 = vector.broadcast %shift_left3A_225 : i32 to vector<16xi32>
          %shift_left3A_227 = arith.shli %add3A_223, %shift_left3A_226 : vector<16xi32>
          %shift_right_logical3A_228 = arith.constant 19 : i32
          %shift_right_logical3A_229 = vector.broadcast %shift_right_logical3A_228 : i32 to vector<16xi32>
          %shift_right_logical3A_230 = arith.shrui %add3A_223, %shift_right_logical3A_229 : vector<16xi32>
          %or3A_231 = arith.ori %shift_left3A_227, %shift_right_logical3A_230 : vector<16xi32>
          %xor3A_232 = arith.xori %or3A_231, %add3A_224 : vector<16xi32>
          %add3A_233 = arith.addi %add3A_224, %xor3A_232 : vector<16xi32>
          %shift_left3A_234 = arith.constant 15 : i32
          %shift_left3A_235 = vector.broadcast %shift_left3A_234 : i32 to vector<16xi32>
          %shift_left3A_236 = arith.shli %xor3A_232, %shift_left3A_235 : vector<16xi32>
          %shift_right_logical3A_237 = arith.constant 17 : i32
          %shift_right_logical3A_238 = vector.broadcast %shift_right_logical3A_237 : i32 to vector<16xi32>
          %shift_right_logical3A_239 = arith.shrui %xor3A_232, %shift_right_logical3A_238 : vector<16xi32>
          %or3A_240 = arith.ori %shift_left3A_236, %shift_right_logical3A_239 : vector<16xi32>
          %xor3A_241 = arith.xori %or3A_240, %add3A_233 : vector<16xi32>
          %add3A_242 = arith.addi %add3A_233, %xor3A_241 : vector<16xi32>
          %shift_left3A_243 = arith.constant 26 : i32
          %shift_left3A_244 = vector.broadcast %shift_left3A_243 : i32 to vector<16xi32>
          %shift_left3A_245 = arith.shli %xor3A_241, %shift_left3A_244 : vector<16xi32>
          %shift_right_logical3A_246 = arith.constant 6 : i32
          %shift_right_logical3A_247 = vector.broadcast %shift_right_logical3A_246 : i32 to vector<16xi32>
          %shift_right_logical3A_248 = arith.shrui %xor3A_241, %shift_right_logical3A_247 : vector<16xi32>
          %or3A_249 = arith.ori %shift_left3A_245, %shift_right_logical3A_248 : vector<16xi32>
          %xor3A_250 = arith.xori %or3A_249, %add3A_242 : vector<16xi32>
          %add3A_251 = arith.addi %add3A_242, %xor3A_250 : vector<16xi32>
          %shift_left3A_252 = arith.constant 6 : i32
          %shift_left3A_253 = vector.broadcast %shift_left3A_252 : i32 to vector<16xi32>
          %shift_left3A_254 = arith.shli %xor3A_250, %shift_left3A_253 : vector<16xi32>
          %shift_right_logical3A_255 = arith.constant 26 : i32
          %shift_right_logical3A_256 = vector.broadcast %shift_right_logical3A_255 : i32 to vector<16xi32>
          %shift_right_logical3A_257 = arith.shrui %xor3A_250, %shift_right_logical3A_256 : vector<16xi32>
          %or3A_258 = arith.ori %shift_left3A_254, %shift_right_logical3A_257 : vector<16xi32>
          %xor3A_259 = arith.xori %or3A_258, %add3A_251 : vector<16xi32>
          %add3A_260 = arith.constant -1244255485 : i32
          %add3A_261 = vector.broadcast %add3A_260 : i32 to vector<16xi32>
          %add3A_262 = arith.addi %add3A_251, %add3A_261 : vector<16xi32>
          %add3A_263 = arith.constant 64467762 : i32
          %add3A_264 = vector.broadcast %add3A_263 : i32 to vector<16xi32>
          %add3A_265 = arith.addi %xor3A_259, %add3A_264 : vector<16xi32>
          %xor3A_266 = arith.xori %add3A_262, %add3A_265 : vector<16xi32>
          %shift_right_logical3A_267 = arith.constant 9 : i32
          %shift_right_logical3A_268 = vector.broadcast %shift_right_logical3A_267 : i32 to vector<16xi32>
          %shift_right_logical3A_269 = arith.shrui %xor3A_266, %shift_right_logical3A_268 : vector<16xi32>
          %or3A_270 = arith.constant 1065353216 : i32
          %or3A_271 = vector.broadcast %or3A_270 : i32 to vector<16xi32>
          %or3A_272 = arith.ori %shift_right_logical3A_269, %or3A_271 : vector<16xi32>
          %bitcast_convert_type3A = tpu.bitcast %or3A_272 : vector<16xi32> -> vector<16xf32>
          %sub3A = arith.constant 1.000000e+00 : f32
          %sub3A_273 = vector.broadcast %sub3A : f32 to vector<16xf32>
          %sub3A_274 = arith.subf %bitcast_convert_type3A, %sub3A_273 : vector<16xf32>
          %mul3A_275 = arith.constant 1.000000e+00 : f32
          %mul3A_276 = vector.broadcast %mul3A_275 : f32 to vector<16xf32>
          %mul3A_277 = arith.mulf %sub3A_274, %mul3A_276 : vector<16xf32>
          %add3A_278 = arith.constant 1.17549435E-38 : f32
          %add3A_279 = vector.broadcast %add3A_278 : f32 to vector<16xf32>
          %add3A_280 = arith.addf %mul3A_277, %add3A_279 : vector<16xf32>
          %max3A = arith.constant 1.17549435E-38 : f32
          %max3A_281 = vector.broadcast %max3A : f32 to vector<16xf32>
          %max3A_282 = arith.maximumf %max3A_281, %add3A_280 : vector<16xf32>
          %bitcast_convert_type3A_283 = tpu.bitcast %max3A_282 : vector<16xf32> -> vector<16xi32>
          %shift_right_arithmetic3A = arith.constant 23 : i32
          %shift_right_arithmetic3A_284 = vector.broadcast %shift_right_arithmetic3A : i32 to vector<16xi32>
          %shift_right_arithmetic3A_285 = arith.shrsi %bitcast_convert_type3A_283, %shift_right_arithmetic3A_284 : vector<16xi32>
          %sub3A_286 = arith.constant 127 : i32
          %sub3A_287 = vector.broadcast %sub3A_286 : i32 to vector<16xi32>
          %sub3A_288 = arith.subi %shift_right_arithmetic3A_285, %sub3A_287 : vector<16xi32>
          %and3A = arith.constant 8388607 : i32
          %and3A_289 = vector.broadcast %and3A : i32 to vector<16xi32>
          %and3A_290 = arith.andi %bitcast_convert_type3A_283, %and3A_289 : vector<16xi32>
          %or3A_291 = arith.constant 1065353216 : i32
          %or3A_292 = vector.broadcast %or3A_291 : i32 to vector<16xi32>
          %or3A_293 = arith.ori %and3A_290, %or3A_292 : vector<16xi32>
          %bitcast_convert_type3A_294 = tpu.bitcast %or3A_293 : vector<16xi32> -> vector<16xf32>
          %gt3A = arith.constant 1.41421354 : f32
          %gt3A_295 = vector.broadcast %gt3A : f32 to vector<16xf32>
          %gt3A_296 = arith.cmpf ogt, %bitcast_convert_type3A_294, %gt3A_295 : vector<16xf32>
          %mul3A_297 = arith.constant 5.000000e-01 : f32
          %mul3A_298 = vector.broadcast %mul3A_297 : f32 to vector<16xf32>
          %mul3A_299 = arith.mulf %bitcast_convert_type3A_294, %mul3A_298 : vector<16xf32>
          %select_n3A = arith.select %gt3A_296, %mul3A_299, %bitcast_convert_type3A_294 : vector<16xi1>, vector<16xf32>
          %jit3A = arith.constant 1 : i32
          %jit3A_300 = arith.constant 0 : i32
          %broadcast_in_dim3A_301 = vector.broadcast %jit3A : i32 to vector<16xi32>
          %broadcast_in_dim3A_302 = vector.broadcast %jit3A_300 : i32 to vector<16xi32>
          %select_n3A_303 = arith.select %gt3A_296, %broadcast_in_dim3A_301, %broadcast_in_dim3A_302 : vector<16xi1>, vector<16xi32>
          %add3A_304 = arith.addi %sub3A_288, %select_n3A_303 : vector<16xi32>
          %convert_element_type3A_305 = arith.sitofp %add3A_304 : vector<16xi32> to vector<16xf32>
          %sub3A_306 = arith.constant 1.000000e+00 : f32
          %sub3A_307 = vector.broadcast %sub3A_306 : f32 to vector<16xf32>
          %sub3A_308 = arith.subf %select_n3A, %sub3A_307 : vector<16xf32>
          %add3A_309 = arith.constant 1.000000e+00 : f32
          %add3A_310 = vector.broadcast %add3A_309 : f32 to vector<16xf32>
          %add3A_311 = arith.addf %select_n3A, %add3A_310 : vector<16xf32>
          %div3A = arith.divf %sub3A_308, %add3A_311 : vector<16xf32>
          %mul3A_312 = arith.mulf %div3A, %div3A : vector<16xf32>
          %mul3A_313 = arith.constant 0.111111112 : f32
          %mul3A_314 = vector.broadcast %mul3A_313 : f32 to vector<16xf32>
          %mul3A_315 = arith.mulf %mul3A_312, %mul3A_314 : vector<16xf32>
          %add3A_316 = arith.constant 0.142857149 : f32
          %add3A_317 = vector.broadcast %add3A_316 : f32 to vector<16xf32>
          %add3A_318 = arith.addf %add3A_317, %mul3A_315 : vector<16xf32>
          %mul3A_319 = arith.mulf %mul3A_312, %add3A_318 : vector<16xf32>
          %add3A_320 = arith.constant 2.000000e-01 : f32
          %add3A_321 = vector.broadcast %add3A_320 : f32 to vector<16xf32>
          %add3A_322 = arith.addf %add3A_321, %mul3A_319 : vector<16xf32>
          %mul3A_323 = arith.mulf %mul3A_312, %add3A_322 : vector<16xf32>
          %add3A_324 = arith.constant 0.333333343 : f32
          %add3A_325 = vector.broadcast %add3A_324 : f32 to vector<16xf32>
          %add3A_326 = arith.addf %add3A_325, %mul3A_323 : vector<16xf32>
          %mul3A_327 = arith.mulf %mul3A_312, %add3A_326 : vector<16xf32>
          %add3A_328 = arith.addf %div3A, %div3A : vector<16xf32>
          %mul3A_329 = arith.mulf %add3A_328, %mul3A_327 : vector<16xf32>
          %add3A_330 = arith.addf %add3A_328, %mul3A_329 : vector<16xf32>
          %mul3A_331 = arith.constant -0.693147182 : f32
          %mul3A_332 = vector.broadcast %mul3A_331 : f32 to vector<16xf32>
          %mul3A_333 = arith.mulf %mul3A_332, %convert_element_type3A_305 : vector<16xf32>
          %sub3A_334 = arith.subf %mul3A_333, %add3A_330 : vector<16xf32>
          %mul3A_335 = arith.constant -8.33333301 : f32
          %mul3A_336 = vector.broadcast %mul3A_335 : f32 to vector<16xf32>
          %mul3A_337 = arith.mulf %get3A_46, %mul3A_336 : vector<16xf32>
          %exp3A = math.exp %mul3A_337 : vector<16xf32>
          %mul3A_338 = arith.mulf %sub3A_334, %exp3A : vector<16xf32>
          %lt3A_339 = arith.cmpf olt, %mul3A_338, %scan3A_39 : vector<16xf32>
          %select_n3A_340 = arith.select %lt3A_339, %mul3A_338, %scan3A_39 : vector<16xi1>, vector<16xf32>
          %select_n3A_341 = arith.select %lt3A_339, %add3A_49, %scan3A_40 : vector<16xi1>, vector<16xi32>
          %mul3A_342 = arith.constant 64 : i32
          %mul3A_343 = arith.muli %scan3A_38, %mul3A_342 : i32
          %add3A_344 = arith.constant 16 : i32
          %add3A_345 = arith.addi %mul3A_343, %add3A_344 : i32
          %get3A_346 = arith.index_cast %add3A_345 : i32 to index
          %get3A_347 = tpu.vector_load %arg5[%get3A_346] {strides = array<i32>} : memref<16384xf32, #tpu.memory_space<vmem>>, vector<16xf32>,
          %get3A_348 = vector.shape_cast %get3A_347 : vector<16xf32> to vector<16xf32>
          %add3A_349 = arith.addi %mul3A_31, %add3A_345 : i32
          %add3A_350 = vector.broadcast %add3A_349 : i32 to vector<16xi32>
          %add3A_351 = arith.addi %add3A_350, %iota3A : vector<16xi32>
          %add3A_352 = vector.broadcast %mul3A_8 : i32 to vector<16xi32>
          %add3A_353 = arith.addi %add3A_352, %add3A_351 : vector<16xi32>
          %broadcast_in_dim3A_354 = arith.constant 0 : i32
          %broadcast_in_dim3A_355 = vector.broadcast %broadcast_in_dim3A_354 : i32 to vector<16xi32>
          %add3A_356 = arith.constant 64467757 : i32
          %add3A_357 = vector.broadcast %add3A_356 : i32 to vector<16xi32>
          %add3A_358 = arith.addi %broadcast_in_dim3A_355, %add3A_357 : vector<16xi32>
          %add3A_359 = arith.constant -1378843660 : i32
          %add3A_360 = vector.broadcast %add3A_359 : i32 to vector<16xi32>
          %add3A_361 = arith.addi %add3A_353, %add3A_360 : vector<16xi32>
          %add3A_362 = arith.addi %add3A_358, %add3A_361 : vector<16xi32>
          %shift_left3A_363 = arith.constant 13 : i32
          %shift_left3A_364 = vector.broadcast %shift_left3A_363 : i32 to vector<16xi32>
          %shift_left3A_365 = arith.shli %add3A_361, %shift_left3A_364 : vector<16xi32>
          %shift_right_logical3A_366 = arith.constant 19 : i32
          %shift_right_logical3A_367 = vector.broadcast %shift_right_logical3A_366 : i32 to vector<16xi32>
          %shift_right_logical3A_368 = arith.shrui %add3A_361, %shift_right_logical3A_367 : vector<16xi32>
          %or3A_369 = arith.ori %shift_left3A_365, %shift_right_logical3A_368 : vector<16xi32>
          %xor3A_370 = arith.xori %or3A_369, %add3A_362 : vector<16xi32>
          %add3A_371 = arith.addi %add3A_362, %xor3A_370 : vector<16xi32>
          %shift_left3A_372 = arith.constant 15 : i32
          %shift_left3A_373 = vector.broadcast %shift_left3A_372 : i32 to vector<16xi32>
          %shift_left3A_374 = arith.shli %xor3A_370, %shift_left3A_373 : vector<16xi32>
          %shift_right_logical3A_375 = arith.constant 17 : i32
          %shift_right_logical3A_376 = vector.broadcast %shift_right_logical3A_375 : i32 to vector<16xi32>
          %shift_right_logical3A_377 = arith.shrui %xor3A_370, %shift_right_logical3A_376 : vector<16xi32>
          %or3A_378 = arith.ori %shift_left3A_374, %shift_right_logical3A_377 : vector<16xi32>
          %xor3A_379 = arith.xori %or3A_378, %add3A_371 : vector<16xi32>
          %add3A_380 = arith.addi %add3A_371, %xor3A_379 : vector<16xi32>
          %shift_left3A_381 = arith.constant 26 : i32
          %shift_left3A_382 = vector.broadcast %shift_left3A_381 : i32 to vector<16xi32>
          %shift_left3A_383 = arith.shli %xor3A_379, %shift_left3A_382 : vector<16xi32>
          %shift_right_logical3A_384 = arith.constant 6 : i32
          %shift_right_logical3A_385 = vector.broadcast %shift_right_logical3A_384 : i32 to vector<16xi32>
          %shift_right_logical3A_386 = arith.shrui %xor3A_379, %shift_right_logical3A_385 : vector<16xi32>
          %or3A_387 = arith.ori %shift_left3A_383, %shift_right_logical3A_386 : vector<16xi32>
          %xor3A_388 = arith.xori %or3A_387, %add3A_380 : vector<16xi32>
          %add3A_389 = arith.addi %add3A_380, %xor3A_388 : vector<16xi32>
          %shift_left3A_390 = arith.constant 6 : i32
          %shift_left3A_391 = vector.broadcast %shift_left3A_390 : i32 to vector<16xi32>
          %shift_left3A_392 = arith.shli %xor3A_388, %shift_left3A_391 : vector<16xi32>
          %shift_right_logical3A_393 = arith.constant 26 : i32
          %shift_right_logical3A_394 = vector.broadcast %shift_right_logical3A_393 : i32 to vector<16xi32>
          %shift_right_logical3A_395 = arith.shrui %xor3A_388, %shift_right_logical3A_394 : vector<16xi32>
          %or3A_396 = arith.ori %shift_left3A_392, %shift_right_logical3A_395 : vector<16xi32>
          %xor3A_397 = arith.xori %or3A_396, %add3A_389 : vector<16xi32>
          %add3A_398 = arith.constant -1378843660 : i32
          %add3A_399 = vector.broadcast %add3A_398 : i32 to vector<16xi32>
          %add3A_400 = arith.addi %add3A_389, %add3A_399 : vector<16xi32>
          %add3A_401 = arith.constant -1244255484 : i32
          %add3A_402 = vector.broadcast %add3A_401 : i32 to vector<16xi32>
          %add3A_403 = arith.addi %xor3A_397, %add3A_402 : vector<16xi32>
          %add3A_404 = arith.addi %add3A_400, %add3A_403 : vector<16xi32>
          %shift_left3A_405 = arith.constant 17 : i32
          %shift_left3A_406 = vector.broadcast %shift_left3A_405 : i32 to vector<16xi32>
          %shift_left3A_407 = arith.shli %add3A_403, %shift_left3A_406 : vector<16xi32>
          %shift_right_logical3A_408 = arith.constant 15 : i32
          %shift_right_logical3A_409 = vector.broadcast %shift_right_logical3A_408 : i32 to vector<16xi32>
          %shift_right_logical3A_410 = arith.shrui %add3A_403, %shift_right_logical3A_409 : vector<16xi32>
          %or3A_411 = arith.ori %shift_left3A_407, %shift_right_logical3A_410 : vector<16xi32>
          %xor3A_412 = arith.xori %or3A_411, %add3A_404 : vector<16xi32>
          %add3A_413 = arith.addi %add3A_404, %xor3A_412 : vector<16xi32>
          %shift_left3A_414 = arith.constant 29 : i32
          %shift_left3A_415 = vector.broadcast %shift_left3A_414 : i32 to vector<16xi32>
          %shift_left3A_416 = arith.shli %xor3A_412, %shift_left3A_415 : vector<16xi32>
          %shift_right_logical3A_417 = arith.constant 3 : i32
          %shift_right_logical3A_418 = vector.broadcast %shift_right_logical3A_417 : i32 to vector<16xi32>
          %shift_right_logical3A_419 = arith.shrui %xor3A_412, %shift_right_logical3A_418 : vector<16xi32>
          %or3A_420 = arith.ori %shift_left3A_416, %shift_right_logical3A_419 : vector<16xi32>
          %xor3A_421 = arith.xori %or3A_420, %add3A_413 : vector<16xi32>
          %add3A_422 = arith.addi %add3A_413, %xor3A_421 : vector<16xi32>
          %shift_left3A_423 = arith.constant 16 : i32
          %shift_left3A_424 = vector.broadcast %shift_left3A_423 : i32 to vector<16xi32>
          %shift_left3A_425 = arith.shli %xor3A_421, %shift_left3A_424 : vector<16xi32>
          %shift_right_logical3A_426 = arith.constant 16 : i32
          %shift_right_logical3A_427 = vector.broadcast %shift_right_logical3A_426 : i32 to vector<16xi32>
          %shift_right_logical3A_428 = arith.shrui %xor3A_421, %shift_right_logical3A_427 : vector<16xi32>
          %or3A_429 = arith.ori %shift_left3A_425, %shift_right_logical3A_428 : vector<16xi32>
          %xor3A_430 = arith.xori %or3A_429, %add3A_422 : vector<16xi32>
          %add3A_431 = arith.addi %add3A_422, %xor3A_430 : vector<16xi32>
          %shift_left3A_432 = arith.constant 24 : i32
          %shift_left3A_433 = vector.broadcast %shift_left3A_432 : i32 to vector<16xi32>
          %shift_left3A_434 = arith.shli %xor3A_430, %shift_left3A_433 : vector<16xi32>
          %shift_right_logical3A_435 = arith.constant 8 : i32
          %shift_right_logical3A_436 = vector.broadcast %shift_right_logical3A_435 : i32 to vector<16xi32>
          %shift_right_logical3A_437 = arith.shrui %xor3A_430, %shift_right_logical3A_436 : vector<16xi32>
          %or3A_438 = arith.ori %shift_left3A_434, %shift_right_logical3A_437 : vector<16xi32>
          %xor3A_439 = arith.xori %or3A_438, %add3A_431 : vector<16xi32>
          %add3A_440 = arith.constant -1244255485 : i32
          %add3A_441 = vector.broadcast %add3A_440 : i32 to vector<16xi32>
          %add3A_442 = arith.addi %add3A_431, %add3A_441 : vector<16xi32>
          %add3A_443 = arith.constant 64467759 : i32
          %add3A_444 = vector.broadcast %add3A_443 : i32 to vector<16xi32>
          %add3A_445 = arith.addi %xor3A_439, %add3A_444 : vector<16xi32>
          %add3A_446 = arith.addi %add3A_442, %add3A_445 : vector<16xi32>
          %shift_left3A_447 = arith.constant 13 : i32
          %shift_left3A_448 = vector.broadcast %shift_left3A_447 : i32 to vector<16xi32>
          %shift_left3A_449 = arith.shli %add3A_445, %shift_left3A_448 : vector<16xi32>
          %shift_right_logical3A_450 = arith.constant 19 : i32
          %shift_right_logical3A_451 = vector.broadcast %shift_right_logical3A_450 : i32 to vector<16xi32>
          %shift_right_logical3A_452 = arith.shrui %add3A_445, %shift_right_logical3A_451 : vector<16xi32>
          %or3A_453 = arith.ori %shift_left3A_449, %shift_right_logical3A_452 : vector<16xi32>
          %xor3A_454 = arith.xori %or3A_453, %add3A_446 : vector<16xi32>
          %add3A_455 = arith.addi %add3A_446, %xor3A_454 : vector<16xi32>
          %shift_left3A_456 = arith.constant 15 : i32
          %shift_left3A_457 = vector.broadcast %shift_left3A_456 : i32 to vector<16xi32>
          %shift_left3A_458 = arith.shli %xor3A_454, %shift_left3A_457 : vector<16xi32>
          %shift_right_logical3A_459 = arith.constant 17 : i32
          %shift_right_logical3A_460 = vector.broadcast %shift_right_logical3A_459 : i32 to vector<16xi32>
          %shift_right_logical3A_461 = arith.shrui %xor3A_454, %shift_right_logical3A_460 : vector<16xi32>
          %or3A_462 = arith.ori %shift_left3A_458, %shift_right_logical3A_461 : vector<16xi32>
          %xor3A_463 = arith.xori %or3A_462, %add3A_455 : vector<16xi32>
          %add3A_464 = arith.addi %add3A_455, %xor3A_463 : vector<16xi32>
          %shift_left3A_465 = arith.constant 26 : i32
          %shift_left3A_466 = vector.broadcast %shift_left3A_465 : i32 to vector<16xi32>
          %shift_left3A_467 = arith.shli %xor3A_463, %shift_left3A_466 : vector<16xi32>
          %shift_right_logical3A_468 = arith.constant 6 : i32
          %shift_right_logical3A_469 = vector.broadcast %shift_right_logical3A_468 : i32 to vector<16xi32>
          %shift_right_logical3A_470 = arith.shrui %xor3A_463, %shift_right_logical3A_469 : vector<16xi32>
          %or3A_471 = arith.ori %shift_left3A_467, %shift_right_logical3A_470 : vector<16xi32>
          %xor3A_472 = arith.xori %or3A_471, %add3A_464 : vector<16xi32>
          %add3A_473 = arith.addi %add3A_464, %xor3A_472 : vector<16xi32>
          %shift_left3A_474 = arith.constant 6 : i32
          %shift_left3A_475 = vector.broadcast %shift_left3A_474 : i32 to vector<16xi32>
          %shift_left3A_476 = arith.shli %xor3A_472, %shift_left3A_475 : vector<16xi32>
          %shift_right_logical3A_477 = arith.constant 26 : i32
          %shift_right_logical3A_478 = vector.broadcast %shift_right_logical3A_477 : i32 to vector<16xi32>
          %shift_right_logical3A_479 = arith.shrui %xor3A_472, %shift_right_logical3A_478 : vector<16xi32>
          %or3A_480 = arith.ori %shift_left3A_476, %shift_right_logical3A_479 : vector<16xi32>
          %xor3A_481 = arith.xori %or3A_480, %add3A_473 : vector<16xi32>
          %add3A_482 = arith.constant 64467757 : i32
          %add3A_483 = vector.broadcast %add3A_482 : i32 to vector<16xi32>
          %add3A_484 = arith.addi %add3A_473, %add3A_483 : vector<16xi32>
          %add3A_485 = arith.constant -1378843657 : i32
          %add3A_486 = vector.broadcast %add3A_485 : i32 to vector<16xi32>
          %add3A_487 = arith.addi %xor3A_481, %add3A_486 : vector<16xi32>
          %add3A_488 = arith.addi %add3A_484, %add3A_487 : vector<16xi32>
          %shift_left3A_489 = arith.constant 17 : i32
          %shift_left3A_490 = vector.broadcast %shift_left3A_489 : i32 to vector<16xi32>
          %shift_left3A_491 = arith.shli %add3A_487, %shift_left3A_490 : vector<16xi32>
          %shift_right_logical3A_492 = arith.constant 15 : i32
          %shift_right_logical3A_493 = vector.broadcast %shift_right_logical3A_492 : i32 to vector<16xi32>
          %shift_right_logical3A_494 = arith.shrui %add3A_487, %shift_right_logical3A_493 : vector<16xi32>
          %or3A_495 = arith.ori %shift_left3A_491, %shift_right_logical3A_494 : vector<16xi32>
          %xor3A_496 = arith.xori %or3A_495, %add3A_488 : vector<16xi32>
          %add3A_497 = arith.addi %add3A_488, %xor3A_496 : vector<16xi32>
          %shift_left3A_498 = arith.constant 29 : i32
          %shift_left3A_499 = vector.broadcast %shift_left3A_498 : i32 to vector<16xi32>
          %shift_left3A_500 = arith.shli %xor3A_496, %shift_left3A_499 : vector<16xi32>
          %shift_right_logical3A_501 = arith.constant 3 : i32
          %shift_right_logical3A_502 = vector.broadcast %shift_right_logical3A_501 : i32 to vector<16xi32>
          %shift_right_logical3A_503 = arith.shrui %xor3A_496, %shift_right_logical3A_502 : vector<16xi32>
          %or3A_504 = arith.ori %shift_left3A_500, %shift_right_logical3A_503 : vector<16xi32>
          %xor3A_505 = arith.xori %or3A_504, %add3A_497 : vector<16xi32>
          %add3A_506 = arith.addi %add3A_497, %xor3A_505 : vector<16xi32>
          %shift_left3A_507 = arith.constant 16 : i32
          %shift_left3A_508 = vector.broadcast %shift_left3A_507 : i32 to vector<16xi32>
          %shift_left3A_509 = arith.shli %xor3A_505, %shift_left3A_508 : vector<16xi32>
          %shift_right_logical3A_510 = arith.constant 16 : i32
          %shift_right_logical3A_511 = vector.broadcast %shift_right_logical3A_510 : i32 to vector<16xi32>
          %shift_right_logical3A_512 = arith.shrui %xor3A_505, %shift_right_logical3A_511 : vector<16xi32>
          %or3A_513 = arith.ori %shift_left3A_509, %shift_right_logical3A_512 : vector<16xi32>
          %xor3A_514 = arith.xori %or3A_513, %add3A_506 : vector<16xi32>
          %add3A_515 = arith.addi %add3A_506, %xor3A_514 : vector<16xi32>
          %shift_left3A_516 = arith.constant 24 : i32
          %shift_left3A_517 = vector.broadcast %shift_left3A_516 : i32 to vector<16xi32>
          %shift_left3A_518 = arith.shli %xor3A_514, %shift_left3A_517 : vector<16xi32>
          %shift_right_logical3A_519 = arith.constant 8 : i32
          %shift_right_logical3A_520 = vector.broadcast %shift_right_logical3A_519 : i32 to vector<16xi32>
          %shift_right_logical3A_521 = arith.shrui %xor3A_514, %shift_right_logical3A_520 : vector<16xi32>
          %or3A_522 = arith.ori %shift_left3A_518, %shift_right_logical3A_521 : vector<16xi32>
          %xor3A_523 = arith.xori %or3A_522, %add3A_515 : vector<16xi32>
          %add3A_524 = arith.constant -1378843660 : i32
          %add3A_525 = vector.broadcast %add3A_524 : i32 to vector<16xi32>
          %add3A_526 = arith.addi %add3A_515, %add3A_525 : vector<16xi32>
          %add3A_527 = arith.constant -1244255481 : i32
          %add3A_528 = vector.broadcast %add3A_527 : i32 to vector<16xi32>
          %add3A_529 = arith.addi %xor3A_523, %add3A_528 : vector<16xi32>
          %add3A_530 = arith.addi %add3A_526, %add3A_529 : vector<16xi32>
          %shift_left3A_531 = arith.constant 13 : i32
          %shift_left3A_532 = vector.broadcast %shift_left3A_531 : i32 to vector<16xi32>
          %shift_left3A_533 = arith.shli %add3A_529, %shift_left3A_532 : vector<16xi32>
          %shift_right_logical3A_534 = arith.constant 19 : i32
          %shift_right_logical3A_535 = vector.broadcast %shift_right_logical3A_534 : i32 to vector<16xi32>
          %shift_right_logical3A_536 = arith.shrui %add3A_529, %shift_right_logical3A_535 : vector<16xi32>
          %or3A_537 = arith.ori %shift_left3A_533, %shift_right_logical3A_536 : vector<16xi32>
          %xor3A_538 = arith.xori %or3A_537, %add3A_530 : vector<16xi32>
          %add3A_539 = arith.addi %add3A_530, %xor3A_538 : vector<16xi32>
          %shift_left3A_540 = arith.constant 15 : i32
          %shift_left3A_541 = vector.broadcast %shift_left3A_540 : i32 to vector<16xi32>
          %shift_left3A_542 = arith.shli %xor3A_538, %shift_left3A_541 : vector<16xi32>
          %shift_right_logical3A_543 = arith.constant 17 : i32
          %shift_right_logical3A_544 = vector.broadcast %shift_right_logical3A_543 : i32 to vector<16xi32>
          %shift_right_logical3A_545 = arith.shrui %xor3A_538, %shift_right_logical3A_544 : vector<16xi32>
          %or3A_546 = arith.ori %shift_left3A_542, %shift_right_logical3A_545 : vector<16xi32>
          %xor3A_547 = arith.xori %or3A_546, %add3A_539 : vector<16xi32>
          %add3A_548 = arith.addi %add3A_539, %xor3A_547 : vector<16xi32>
          %shift_left3A_549 = arith.constant 26 : i32
          %shift_left3A_550 = vector.broadcast %shift_left3A_549 : i32 to vector<16xi32>
          %shift_left3A_551 = arith.shli %xor3A_547, %shift_left3A_550 : vector<16xi32>
          %shift_right_logical3A_552 = arith.constant 6 : i32
          %shift_right_logical3A_553 = vector.broadcast %shift_right_logical3A_552 : i32 to vector<16xi32>
          %shift_right_logical3A_554 = arith.shrui %xor3A_547, %shift_right_logical3A_553 : vector<16xi32>
          %or3A_555 = arith.ori %shift_left3A_551, %shift_right_logical3A_554 : vector<16xi32>
          %xor3A_556 = arith.xori %or3A_555, %add3A_548 : vector<16xi32>
          %add3A_557 = arith.addi %add3A_548, %xor3A_556 : vector<16xi32>
          %shift_left3A_558 = arith.constant 6 : i32
          %shift_left3A_559 = vector.broadcast %shift_left3A_558 : i32 to vector<16xi32>
          %shift_left3A_560 = arith.shli %xor3A_556, %shift_left3A_559 : vector<16xi32>
          %shift_right_logical3A_561 = arith.constant 26 : i32
          %shift_right_logical3A_562 = vector.broadcast %shift_right_logical3A_561 : i32 to vector<16xi32>
          %shift_right_logical3A_563 = arith.shrui %xor3A_556, %shift_right_logical3A_562 : vector<16xi32>
          %or3A_564 = arith.ori %shift_left3A_560, %shift_right_logical3A_563 : vector<16xi32>
          %xor3A_565 = arith.xori %or3A_564, %add3A_557 : vector<16xi32>
          %add3A_566 = arith.constant -1244255485 : i32
          %add3A_567 = vector.broadcast %add3A_566 : i32 to vector<16xi32>
          %add3A_568 = arith.addi %add3A_557, %add3A_567 : vector<16xi32>
          %add3A_569 = arith.constant 64467762 : i32
          %add3A_570 = vector.broadcast %add3A_569 : i32 to vector<16xi32>
          %add3A_571 = arith.addi %xor3A_565, %add3A_570 : vector<16xi32>
          %xor3A_572 = arith.xori %add3A_568, %add3A_571 : vector<16xi32>
          %shift_right_logical3A_573 = arith.constant 9 : i32
          %shift_right_logical3A_574 = vector.broadcast %shift_right_logical3A_573 : i32 to vector<16xi32>
          %shift_right_logical3A_575 = arith.shrui %xor3A_572, %shift_right_logical3A_574 : vector<16xi32>
          %or3A_576 = arith.constant 1065353216 : i32
          %or3A_577 = vector.broadcast %or3A_576 : i32 to vector<16xi32>
          %or3A_578 = arith.ori %shift_right_logical3A_575, %or3A_577 : vector<16xi32>
          %bitcast_convert_type3A_579 = tpu.bitcast %or3A_578 : vector<16xi32> -> vector<16xf32>
          %sub3A_580 = arith.constant 1.000000e+00 : f32
          %sub3A_581 = vector.broadcast %sub3A_580 : f32 to vector<16xf32>
          %sub3A_582 = arith.subf %bitcast_convert_type3A_579, %sub3A_581 : vector<16xf32>
          %mul3A_583 = arith.constant 1.000000e+00 : f32
          %mul3A_584 = vector.broadcast %mul3A_583 : f32 to vector<16xf32>
          %mul3A_585 = arith.mulf %sub3A_582, %mul3A_584 : vector<16xf32>
          %add3A_586 = arith.constant 1.17549435E-38 : f32
          %add3A_587 = vector.broadcast %add3A_586 : f32 to vector<16xf32>
          %add3A_588 = arith.addf %mul3A_585, %add3A_587 : vector<16xf32>
          %max3A_589 = arith.constant 1.17549435E-38 : f32
          %max3A_590 = vector.broadcast %max3A_589 : f32 to vector<16xf32>
          %max3A_591 = arith.maximumf %max3A_590, %add3A_588 : vector<16xf32>
          %bitcast_convert_type3A_592 = tpu.bitcast %max3A_591 : vector<16xf32> -> vector<16xi32>
          %shift_right_arithmetic3A_593 = arith.constant 23 : i32
          %shift_right_arithmetic3A_594 = vector.broadcast %shift_right_arithmetic3A_593 : i32 to vector<16xi32>
          %shift_right_arithmetic3A_595 = arith.shrsi %bitcast_convert_type3A_592, %shift_right_arithmetic3A_594 : vector<16xi32>
          %sub3A_596 = arith.constant 127 : i32
          %sub3A_597 = vector.broadcast %sub3A_596 : i32 to vector<16xi32>
          %sub3A_598 = arith.subi %shift_right_arithmetic3A_595, %sub3A_597 : vector<16xi32>
          %and3A_599 = arith.constant 8388607 : i32
          %and3A_600 = vector.broadcast %and3A_599 : i32 to vector<16xi32>
          %and3A_601 = arith.andi %bitcast_convert_type3A_592, %and3A_600 : vector<16xi32>
          %or3A_602 = arith.constant 1065353216 : i32
          %or3A_603 = vector.broadcast %or3A_602 : i32 to vector<16xi32>
          %or3A_604 = arith.ori %and3A_601, %or3A_603 : vector<16xi32>
          %bitcast_convert_type3A_605 = tpu.bitcast %or3A_604 : vector<16xi32> -> vector<16xf32>
          %gt3A_606 = arith.constant 1.41421354 : f32
          %gt3A_607 = vector.broadcast %gt3A_606 : f32 to vector<16xf32>
          %gt3A_608 = arith.cmpf ogt, %bitcast_convert_type3A_605, %gt3A_607 : vector<16xf32>
          %mul3A_609 = arith.constant 5.000000e-01 : f32
          %mul3A_610 = vector.broadcast %mul3A_609 : f32 to vector<16xf32>
          %mul3A_611 = arith.mulf %bitcast_convert_type3A_605, %mul3A_610 : vector<16xf32>
          %select_n3A_612 = arith.select %gt3A_608, %mul3A_611, %bitcast_convert_type3A_605 : vector<16xi1>, vector<16xf32>
          %jit3A_613 = arith.constant 1 : i32
          %jit3A_614 = arith.constant 0 : i32
          %broadcast_in_dim3A_615 = vector.broadcast %jit3A_613 : i32 to vector<16xi32>
          %broadcast_in_dim3A_616 = vector.broadcast %jit3A_614 : i32 to vector<16xi32>
          %select_n3A_617 = arith.select %gt3A_608, %broadcast_in_dim3A_615, %broadcast_in_dim3A_616 : vector<16xi1>, vector<16xi32>
          %add3A_618 = arith.addi %sub3A_598, %select_n3A_617 : vector<16xi32>
          %convert_element_type3A_619 = arith.sitofp %add3A_618 : vector<16xi32> to vector<16xf32>
          %sub3A_620 = arith.constant 1.000000e+00 : f32
          %sub3A_621 = vector.broadcast %sub3A_620 : f32 to vector<16xf32>
          %sub3A_622 = arith.subf %select_n3A_612, %sub3A_621 : vector<16xf32>
          %add3A_623 = arith.constant 1.000000e+00 : f32
          %add3A_624 = vector.broadcast %add3A_623 : f32 to vector<16xf32>
          %add3A_625 = arith.addf %select_n3A_612, %add3A_624 : vector<16xf32>
          %div3A_626 = arith.divf %sub3A_622, %add3A_625 : vector<16xf32>
          %mul3A_627 = arith.mulf %div3A_626, %div3A_626 : vector<16xf32>
          %mul3A_628 = arith.constant 0.111111112 : f32
          %mul3A_629 = vector.broadcast %mul3A_628 : f32 to vector<16xf32>
          %mul3A_630 = arith.mulf %mul3A_627, %mul3A_629 : vector<16xf32>
          %add3A_631 = arith.constant 0.142857149 : f32
          %add3A_632 = vector.broadcast %add3A_631 : f32 to vector<16xf32>
          %add3A_633 = arith.addf %add3A_632, %mul3A_630 : vector<16xf32>
          %mul3A_634 = arith.mulf %mul3A_627, %add3A_633 : vector<16xf32>
          %add3A_635 = arith.constant 2.000000e-01 : f32
          %add3A_636 = vector.broadcast %add3A_635 : f32 to vector<16xf32>
          %add3A_637 = arith.addf %add3A_636, %mul3A_634 : vector<16xf32>
          %mul3A_638 = arith.mulf %mul3A_627, %add3A_637 : vector<16xf32>
          %add3A_639 = arith.constant 0.333333343 : f32
          %add3A_640 = vector.broadcast %add3A_639 : f32 to vector<16xf32>
          %add3A_641 = arith.addf %add3A_640, %mul3A_638 : vector<16xf32>
          %mul3A_642 = arith.mulf %mul3A_627, %add3A_641 : vector<16xf32>
          %add3A_643 = arith.addf %div3A_626, %div3A_626 : vector<16xf32>
          %mul3A_644 = arith.mulf %add3A_643, %mul3A_642 : vector<16xf32>
          %add3A_645 = arith.addf %add3A_643, %mul3A_644 : vector<16xf32>
          %mul3A_646 = arith.constant -0.693147182 : f32
          %mul3A_647 = vector.broadcast %mul3A_646 : f32 to vector<16xf32>
          %mul3A_648 = arith.mulf %mul3A_647, %convert_element_type3A_619 : vector<16xf32>
          %sub3A_649 = arith.subf %mul3A_648, %add3A_645 : vector<16xf32>
          %mul3A_650 = arith.constant -8.33333301 : f32
          %mul3A_651 = vector.broadcast %mul3A_650 : f32 to vector<16xf32>
          %mul3A_652 = arith.mulf %get3A_348, %mul3A_651 : vector<16xf32>
          %exp3A_653 = math.exp %mul3A_652 : vector<16xf32>
          %mul3A_654 = arith.mulf %sub3A_649, %exp3A_653 : vector<16xf32>
          %lt3A_655 = arith.cmpf olt, %mul3A_654, %select_n3A_340 : vector<16xf32>
          %select_n3A_656 = arith.select %lt3A_655, %mul3A_654, %select_n3A_340 : vector<16xi1>, vector<16xf32>
          %select_n3A_657 = arith.select %lt3A_655, %add3A_351, %select_n3A_341 : vector<16xi1>, vector<16xi32>
          %mul3A_658 = arith.constant 64 : i32
          %mul3A_659 = arith.muli %scan3A_38, %mul3A_658 : i32
          %add3A_660 = arith.constant 32 : i32
          %add3A_661 = arith.addi %mul3A_659, %add3A_660 : i32
          %get3A_662 = arith.index_cast %add3A_661 : i32 to index
          %get3A_663 = tpu.vector_load %arg5[%get3A_662] {strides = array<i32>} : memref<16384xf32, #tpu.memory_space<vmem>>, vector<16xf32>,
          %get3A_664 = vector.shape_cast %get3A_663 : vector<16xf32> to vector<16xf32>
          %add3A_665 = arith.addi %mul3A_31, %add3A_661 : i32
          %add3A_666 = vector.broadcast %add3A_665 : i32 to vector<16xi32>
          %add3A_667 = arith.addi %add3A_666, %iota3A : vector<16xi32>
          %add3A_668 = vector.broadcast %mul3A_8 : i32 to vector<16xi32>
          %add3A_669 = arith.addi %add3A_668, %add3A_667 : vector<16xi32>
          %broadcast_in_dim3A_670 = arith.constant 0 : i32
          %broadcast_in_dim3A_671 = vector.broadcast %broadcast_in_dim3A_670 : i32 to vector<16xi32>
          %add3A_672 = arith.constant 64467757 : i32
          %add3A_673 = vector.broadcast %add3A_672 : i32 to vector<16xi32>
          %add3A_674 = arith.addi %broadcast_in_dim3A_671, %add3A_673 : vector<16xi32>
          %add3A_675 = arith.constant -1378843660 : i32
          %add3A_676 = vector.broadcast %add3A_675 : i32 to vector<16xi32>
          %add3A_677 = arith.addi %add3A_669, %add3A_676 : vector<16xi32>
          %add3A_678 = arith.addi %add3A_674, %add3A_677 : vector<16xi32>
          %shift_left3A_679 = arith.constant 13 : i32
          %shift_left3A_680 = vector.broadcast %shift_left3A_679 : i32 to vector<16xi32>
          %shift_left3A_681 = arith.shli %add3A_677, %shift_left3A_680 : vector<16xi32>
          %shift_right_logical3A_682 = arith.constant 19 : i32
          %shift_right_logical3A_683 = vector.broadcast %shift_right_logical3A_682 : i32 to vector<16xi32>
          %shift_right_logical3A_684 = arith.shrui %add3A_677, %shift_right_logical3A_683 : vector<16xi32>
          %or3A_685 = arith.ori %shift_left3A_681, %shift_right_logical3A_684 : vector<16xi32>
          %xor3A_686 = arith.xori %or3A_685, %add3A_678 : vector<16xi32>
          %add3A_687 = arith.addi %add3A_678, %xor3A_686 : vector<16xi32>
          %shift_left3A_688 = arith.constant 15 : i32
          %shift_left3A_689 = vector.broadcast %shift_left3A_688 : i32 to vector<16xi32>
          %shift_left3A_690 = arith.shli %xor3A_686, %shift_left3A_689 : vector<16xi32>
          %shift_right_logical3A_691 = arith.constant 17 : i32
          %shift_right_logical3A_692 = vector.broadcast %shift_right_logical3A_691 : i32 to vector<16xi32>
          %shift_right_logical3A_693 = arith.shrui %xor3A_686, %shift_right_logical3A_692 : vector<16xi32>
          %or3A_694 = arith.ori %shift_left3A_690, %shift_right_logical3A_693 : vector<16xi32>
          %xor3A_695 = arith.xori %or3A_694, %add3A_687 : vector<16xi32>
          %add3A_696 = arith.addi %add3A_687, %xor3A_695 : vector<16xi32>
          %shift_left3A_697 = arith.constant 26 : i32
          %shift_left3A_698 = vector.broadcast %shift_left3A_697 : i32 to vector<16xi32>
          %shift_left3A_699 = arith.shli %xor3A_695, %shift_left3A_698 : vector<16xi32>
          %shift_right_logical3A_700 = arith.constant 6 : i32
          %shift_right_logical3A_701 = vector.broadcast %shift_right_logical3A_700 : i32 to vector<16xi32>
          %shift_right_logical3A_702 = arith.shrui %xor3A_695, %shift_right_logical3A_701 : vector<16xi32>
          %or3A_703 = arith.ori %shift_left3A_699, %shift_right_logical3A_702 : vector<16xi32>
          %xor3A_704 = arith.xori %or3A_703, %add3A_696 : vector<16xi32>
          %add3A_705 = arith.addi %add3A_696, %xor3A_704 : vector<16xi32>
          %shift_left3A_706 = arith.constant 6 : i32
          %shift_left3A_707 = vector.broadcast %shift_left3A_706 : i32 to vector<16xi32>
          %shift_left3A_708 = arith.shli %xor3A_704, %shift_left3A_707 : vector<16xi32>
          %shift_right_logical3A_709 = arith.constant 26 : i32
          %shift_right_logical3A_710 = vector.broadcast %shift_right_logical3A_709 : i32 to vector<16xi32>
          %shift_right_logical3A_711 = arith.shrui %xor3A_704, %shift_right_logical3A_710 : vector<16xi32>
          %or3A_712 = arith.ori %shift_left3A_708, %shift_right_logical3A_711 : vector<16xi32>
          %xor3A_713 = arith.xori %or3A_712, %add3A_705 : vector<16xi32>
          %add3A_714 = arith.constant -1378843660 : i32
          %add3A_715 = vector.broadcast %add3A_714 : i32 to vector<16xi32>
          %add3A_716 = arith.addi %add3A_705, %add3A_715 : vector<16xi32>
          %add3A_717 = arith.constant -1244255484 : i32
          %add3A_718 = vector.broadcast %add3A_717 : i32 to vector<16xi32>
          %add3A_719 = arith.addi %xor3A_713, %add3A_718 : vector<16xi32>
          %add3A_720 = arith.addi %add3A_716, %add3A_719 : vector<16xi32>
          %shift_left3A_721 = arith.constant 17 : i32
          %shift_left3A_722 = vector.broadcast %shift_left3A_721 : i32 to vector<16xi32>
          %shift_left3A_723 = arith.shli %add3A_719, %shift_left3A_722 : vector<16xi32>
          %shift_right_logical3A_724 = arith.constant 15 : i32
          %shift_right_logical3A_725 = vector.broadcast %shift_right_logical3A_724 : i32 to vector<16xi32>
          %shift_right_logical3A_726 = arith.shrui %add3A_719, %shift_right_logical3A_725 : vector<16xi32>
          %or3A_727 = arith.ori %shift_left3A_723, %shift_right_logical3A_726 : vector<16xi32>
          %xor3A_728 = arith.xori %or3A_727, %add3A_720 : vector<16xi32>
          %add3A_729 = arith.addi %add3A_720, %xor3A_728 : vector<16xi32>
          %shift_left3A_730 = arith.constant 29 : i32
          %shift_left3A_731 = vector.broadcast %shift_left3A_730 : i32 to vector<16xi32>
          %shift_left3A_732 = arith.shli %xor3A_728, %shift_left3A_731 : vector<16xi32>
          %shift_right_logical3A_733 = arith.constant 3 : i32
          %shift_right_logical3A_734 = vector.broadcast %shift_right_logical3A_733 : i32 to vector<16xi32>
          %shift_right_logical3A_735 = arith.shrui %xor3A_728, %shift_right_logical3A_734 : vector<16xi32>
          %or3A_736 = arith.ori %shift_left3A_732, %shift_right_logical3A_735 : vector<16xi32>
          %xor3A_737 = arith.xori %or3A_736, %add3A_729 : vector<16xi32>
          %add3A_738 = arith.addi %add3A_729, %xor3A_737 : vector<16xi32>
          %shift_left3A_739 = arith.constant 16 : i32
          %shift_left3A_740 = vector.broadcast %shift_left3A_739 : i32 to vector<16xi32>
          %shift_left3A_741 = arith.shli %xor3A_737, %shift_left3A_740 : vector<16xi32>
          %shift_right_logical3A_742 = arith.constant 16 : i32
          %shift_right_logical3A_743 = vector.broadcast %shift_right_logical3A_742 : i32 to vector<16xi32>
          %shift_right_logical3A_744 = arith.shrui %xor3A_737, %shift_right_logical3A_743 : vector<16xi32>
          %or3A_745 = arith.ori %shift_left3A_741, %shift_right_logical3A_744 : vector<16xi32>
          %xor3A_746 = arith.xori %or3A_745, %add3A_738 : vector<16xi32>
          %add3A_747 = arith.addi %add3A_738, %xor3A_746 : vector<16xi32>
          %shift_left3A_748 = arith.constant 24 : i32
          %shift_left3A_749 = vector.broadcast %shift_left3A_748 : i32 to vector<16xi32>
          %shift_left3A_750 = arith.shli %xor3A_746, %shift_left3A_749 : vector<16xi32>
          %shift_right_logical3A_751 = arith.constant 8 : i32
          %shift_right_logical3A_752 = vector.broadcast %shift_right_logical3A_751 : i32 to vector<16xi32>
          %shift_right_logical3A_753 = arith.shrui %xor3A_746, %shift_right_logical3A_752 : vector<16xi32>
          %or3A_754 = arith.ori %shift_left3A_750, %shift_right_logical3A_753 : vector<16xi32>
          %xor3A_755 = arith.xori %or3A_754, %add3A_747 : vector<16xi32>
          %add3A_756 = arith.constant -1244255485 : i32
          %add3A_757 = vector.broadcast %add3A_756 : i32 to vector<16xi32>
          %add3A_758 = arith.addi %add3A_747, %add3A_757 : vector<16xi32>
          %add3A_759 = arith.constant 64467759 : i32
          %add3A_760 = vector.broadcast %add3A_759 : i32 to vector<16xi32>
          %add3A_761 = arith.addi %xor3A_755, %add3A_760 : vector<16xi32>
          %add3A_762 = arith.addi %add3A_758, %add3A_761 : vector<16xi32>
          %shift_left3A_763 = arith.constant 13 : i32
          %shift_left3A_764 = vector.broadcast %shift_left3A_763 : i32 to vector<16xi32>
          %shift_left3A_765 = arith.shli %add3A_761, %shift_left3A_764 : vector<16xi32>
          %shift_right_logical3A_766 = arith.constant 19 : i32
          %shift_right_logical3A_767 = vector.broadcast %shift_right_logical3A_766 : i32 to vector<16xi32>
          %shift_right_logical3A_768 = arith.shrui %add3A_761, %shift_right_logical3A_767 : vector<16xi32>
          %or3A_769 = arith.ori %shift_left3A_765, %shift_right_logical3A_768 : vector<16xi32>
          %xor3A_770 = arith.xori %or3A_769, %add3A_762 : vector<16xi32>
          %add3A_771 = arith.addi %add3A_762, %xor3A_770 : vector<16xi32>
          %shift_left3A_772 = arith.constant 15 : i32
          %shift_left3A_773 = vector.broadcast %shift_left3A_772 : i32 to vector<16xi32>
          %shift_left3A_774 = arith.shli %xor3A_770, %shift_left3A_773 : vector<16xi32>
          %shift_right_logical3A_775 = arith.constant 17 : i32
          %shift_right_logical3A_776 = vector.broadcast %shift_right_logical3A_775 : i32 to vector<16xi32>
          %shift_right_logical3A_777 = arith.shrui %xor3A_770, %shift_right_logical3A_776 : vector<16xi32>
          %or3A_778 = arith.ori %shift_left3A_774, %shift_right_logical3A_777 : vector<16xi32>
          %xor3A_779 = arith.xori %or3A_778, %add3A_771 : vector<16xi32>
          %add3A_780 = arith.addi %add3A_771, %xor3A_779 : vector<16xi32>
          %shift_left3A_781 = arith.constant 26 : i32
          %shift_left3A_782 = vector.broadcast %shift_left3A_781 : i32 to vector<16xi32>
          %shift_left3A_783 = arith.shli %xor3A_779, %shift_left3A_782 : vector<16xi32>
          %shift_right_logical3A_784 = arith.constant 6 : i32
          %shift_right_logical3A_785 = vector.broadcast %shift_right_logical3A_784 : i32 to vector<16xi32>
          %shift_right_logical3A_786 = arith.shrui %xor3A_779, %shift_right_logical3A_785 : vector<16xi32>
          %or3A_787 = arith.ori %shift_left3A_783, %shift_right_logical3A_786 : vector<16xi32>
          %xor3A_788 = arith.xori %or3A_787, %add3A_780 : vector<16xi32>
          %add3A_789 = arith.addi %add3A_780, %xor3A_788 : vector<16xi32>
          %shift_left3A_790 = arith.constant 6 : i32
          %shift_left3A_791 = vector.broadcast %shift_left3A_790 : i32 to vector<16xi32>
          %shift_left3A_792 = arith.shli %xor3A_788, %shift_left3A_791 : vector<16xi32>
          %shift_right_logical3A_793 = arith.constant 26 : i32
          %shift_right_logical3A_794 = vector.broadcast %shift_right_logical3A_793 : i32 to vector<16xi32>
          %shift_right_logical3A_795 = arith.shrui %xor3A_788, %shift_right_logical3A_794 : vector<16xi32>
          %or3A_796 = arith.ori %shift_left3A_792, %shift_right_logical3A_795 : vector<16xi32>
          %xor3A_797 = arith.xori %or3A_796, %add3A_789 : vector<16xi32>
          %add3A_798 = arith.constant 64467757 : i32
          %add3A_799 = vector.broadcast %add3A_798 : i32 to vector<16xi32>
          %add3A_800 = arith.addi %add3A_789, %add3A_799 : vector<16xi32>
          %add3A_801 = arith.constant -1378843657 : i32
          %add3A_802 = vector.broadcast %add3A_801 : i32 to vector<16xi32>
          %add3A_803 = arith.addi %xor3A_797, %add3A_802 : vector<16xi32>
          %add3A_804 = arith.addi %add3A_800, %add3A_803 : vector<16xi32>
          %shift_left3A_805 = arith.constant 17 : i32
          %shift_left3A_806 = vector.broadcast %shift_left3A_805 : i32 to vector<16xi32>
          %shift_left3A_807 = arith.shli %add3A_803, %shift_left3A_806 : vector<16xi32>
          %shift_right_logical3A_808 = arith.constant 15 : i32
          %shift_right_logical3A_809 = vector.broadcast %shift_right_logical3A_808 : i32 to vector<16xi32>
          %shift_right_logical3A_810 = arith.shrui %add3A_803, %shift_right_logical3A_809 : vector<16xi32>
          %or3A_811 = arith.ori %shift_left3A_807, %shift_right_logical3A_810 : vector<16xi32>
          %xor3A_812 = arith.xori %or3A_811, %add3A_804 : vector<16xi32>
          %add3A_813 = arith.addi %add3A_804, %xor3A_812 : vector<16xi32>
          %shift_left3A_814 = arith.constant 29 : i32
          %shift_left3A_815 = vector.broadcast %shift_left3A_814 : i32 to vector<16xi32>
          %shift_left3A_816 = arith.shli %xor3A_812, %shift_left3A_815 : vector<16xi32>
          %shift_right_logical3A_817 = arith.constant 3 : i32
          %shift_right_logical3A_818 = vector.broadcast %shift_right_logical3A_817 : i32 to vector<16xi32>
          %shift_right_logical3A_819 = arith.shrui %xor3A_812, %shift_right_logical3A_818 : vector<16xi32>
          %or3A_820 = arith.ori %shift_left3A_816, %shift_right_logical3A_819 : vector<16xi32>
          %xor3A_821 = arith.xori %or3A_820, %add3A_813 : vector<16xi32>
          %add3A_822 = arith.addi %add3A_813, %xor3A_821 : vector<16xi32>
          %shift_left3A_823 = arith.constant 16 : i32
          %shift_left3A_824 = vector.broadcast %shift_left3A_823 : i32 to vector<16xi32>
          %shift_left3A_825 = arith.shli %xor3A_821, %shift_left3A_824 : vector<16xi32>
          %shift_right_logical3A_826 = arith.constant 16 : i32
          %shift_right_logical3A_827 = vector.broadcast %shift_right_logical3A_826 : i32 to vector<16xi32>
          %shift_right_logical3A_828 = arith.shrui %xor3A_821, %shift_right_logical3A_827 : vector<16xi32>
          %or3A_829 = arith.ori %shift_left3A_825, %shift_right_logical3A_828 : vector<16xi32>
          %xor3A_830 = arith.xori %or3A_829, %add3A_822 : vector<16xi32>
          %add3A_831 = arith.addi %add3A_822, %xor3A_830 : vector<16xi32>
          %shift_left3A_832 = arith.constant 24 : i32
          %shift_left3A_833 = vector.broadcast %shift_left3A_832 : i32 to vector<16xi32>
          %shift_left3A_834 = arith.shli %xor3A_830, %shift_left3A_833 : vector<16xi32>
          %shift_right_logical3A_835 = arith.constant 8 : i32
          %shift_right_logical3A_836 = vector.broadcast %shift_right_logical3A_835 : i32 to vector<16xi32>
          %shift_right_logical3A_837 = arith.shrui %xor3A_830, %shift_right_logical3A_836 : vector<16xi32>
          %or3A_838 = arith.ori %shift_left3A_834, %shift_right_logical3A_837 : vector<16xi32>
          %xor3A_839 = arith.xori %or3A_838, %add3A_831 : vector<16xi32>
          %add3A_840 = arith.constant -1378843660 : i32
          %add3A_841 = vector.broadcast %add3A_840 : i32 to vector<16xi32>
          %add3A_842 = arith.addi %add3A_831, %add3A_841 : vector<16xi32>
          %add3A_843 = arith.constant -1244255481 : i32
          %add3A_844 = vector.broadcast %add3A_843 : i32 to vector<16xi32>
          %add3A_845 = arith.addi %xor3A_839, %add3A_844 : vector<16xi32>
          %add3A_846 = arith.addi %add3A_842, %add3A_845 : vector<16xi32>
          %shift_left3A_847 = arith.constant 13 : i32
          %shift_left3A_848 = vector.broadcast %shift_left3A_847 : i32 to vector<16xi32>
          %shift_left3A_849 = arith.shli %add3A_845, %shift_left3A_848 : vector<16xi32>
          %shift_right_logical3A_850 = arith.constant 19 : i32
          %shift_right_logical3A_851 = vector.broadcast %shift_right_logical3A_850 : i32 to vector<16xi32>
          %shift_right_logical3A_852 = arith.shrui %add3A_845, %shift_right_logical3A_851 : vector<16xi32>
          %or3A_853 = arith.ori %shift_left3A_849, %shift_right_logical3A_852 : vector<16xi32>
          %xor3A_854 = arith.xori %or3A_853, %add3A_846 : vector<16xi32>
          %add3A_855 = arith.addi %add3A_846, %xor3A_854 : vector<16xi32>
          %shift_left3A_856 = arith.constant 15 : i32
          %shift_left3A_857 = vector.broadcast %shift_left3A_856 : i32 to vector<16xi32>
          %shift_left3A_858 = arith.shli %xor3A_854, %shift_left3A_857 : vector<16xi32>
          %shift_right_logical3A_859 = arith.constant 17 : i32
          %shift_right_logical3A_860 = vector.broadcast %shift_right_logical3A_859 : i32 to vector<16xi32>
          %shift_right_logical3A_861 = arith.shrui %xor3A_854, %shift_right_logical3A_860 : vector<16xi32>
          %or3A_862 = arith.ori %shift_left3A_858, %shift_right_logical3A_861 : vector<16xi32>
          %xor3A_863 = arith.xori %or3A_862, %add3A_855 : vector<16xi32>
          %add3A_864 = arith.addi %add3A_855, %xor3A_863 : vector<16xi32>
          %shift_left3A_865 = arith.constant 26 : i32
          %shift_left3A_866 = vector.broadcast %shift_left3A_865 : i32 to vector<16xi32>
          %shift_left3A_867 = arith.shli %xor3A_863, %shift_left3A_866 : vector<16xi32>
          %shift_right_logical3A_868 = arith.constant 6 : i32
          %shift_right_logical3A_869 = vector.broadcast %shift_right_logical3A_868 : i32 to vector<16xi32>
          %shift_right_logical3A_870 = arith.shrui %xor3A_863, %shift_right_logical3A_869 : vector<16xi32>
          %or3A_871 = arith.ori %shift_left3A_867, %shift_right_logical3A_870 : vector<16xi32>
          %xor3A_872 = arith.xori %or3A_871, %add3A_864 : vector<16xi32>
          %add3A_873 = arith.addi %add3A_864, %xor3A_872 : vector<16xi32>
          %shift_left3A_874 = arith.constant 6 : i32
          %shift_left3A_875 = vector.broadcast %shift_left3A_874 : i32 to vector<16xi32>
          %shift_left3A_876 = arith.shli %xor3A_872, %shift_left3A_875 : vector<16xi32>
          %shift_right_logical3A_877 = arith.constant 26 : i32
          %shift_right_logical3A_878 = vector.broadcast %shift_right_logical3A_877 : i32 to vector<16xi32>
          %shift_right_logical3A_879 = arith.shrui %xor3A_872, %shift_right_logical3A_878 : vector<16xi32>
          %or3A_880 = arith.ori %shift_left3A_876, %shift_right_logical3A_879 : vector<16xi32>
          %xor3A_881 = arith.xori %or3A_880, %add3A_873 : vector<16xi32>
          %add3A_882 = arith.constant -1244255485 : i32
          %add3A_883 = vector.broadcast %add3A_882 : i32 to vector<16xi32>
          %add3A_884 = arith.addi %add3A_873, %add3A_883 : vector<16xi32>
          %add3A_885 = arith.constant 64467762 : i32
          %add3A_886 = vector.broadcast %add3A_885 : i32 to vector<16xi32>
          %add3A_887 = arith.addi %xor3A_881, %add3A_886 : vector<16xi32>
          %xor3A_888 = arith.xori %add3A_884, %add3A_887 : vector<16xi32>
          %shift_right_logical3A_889 = arith.constant 9 : i32
          %shift_right_logical3A_890 = vector.broadcast %shift_right_logical3A_889 : i32 to vector<16xi32>
          %shift_right_logical3A_891 = arith.shrui %xor3A_888, %shift_right_logical3A_890 : vector<16xi32>
          %or3A_892 = arith.constant 1065353216 : i32
          %or3A_893 = vector.broadcast %or3A_892 : i32 to vector<16xi32>
          %or3A_894 = arith.ori %shift_right_logical3A_891, %or3A_893 : vector<16xi32>
          %bitcast_convert_type3A_895 = tpu.bitcast %or3A_894 : vector<16xi32> -> vector<16xf32>
          %sub3A_896 = arith.constant 1.000000e+00 : f32
          %sub3A_897 = vector.broadcast %sub3A_896 : f32 to vector<16xf32>
          %sub3A_898 = arith.subf %bitcast_convert_type3A_895, %sub3A_897 : vector<16xf32>
          %mul3A_899 = arith.constant 1.000000e+00 : f32
          %mul3A_900 = vector.broadcast %mul3A_899 : f32 to vector<16xf32>
          %mul3A_901 = arith.mulf %sub3A_898, %mul3A_900 : vector<16xf32>
          %add3A_902 = arith.constant 1.17549435E-38 : f32
          %add3A_903 = vector.broadcast %add3A_902 : f32 to vector<16xf32>
          %add3A_904 = arith.addf %mul3A_901, %add3A_903 : vector<16xf32>
          %max3A_905 = arith.constant 1.17549435E-38 : f32
          %max3A_906 = vector.broadcast %max3A_905 : f32 to vector<16xf32>
          %max3A_907 = arith.maximumf %max3A_906, %add3A_904 : vector<16xf32>
          %bitcast_convert_type3A_908 = tpu.bitcast %max3A_907 : vector<16xf32> -> vector<16xi32>
          %shift_right_arithmetic3A_909 = arith.constant 23 : i32
          %shift_right_arithmetic3A_910 = vector.broadcast %shift_right_arithmetic3A_909 : i32 to vector<16xi32>
          %shift_right_arithmetic3A_911 = arith.shrsi %bitcast_convert_type3A_908, %shift_right_arithmetic3A_910 : vector<16xi32>
          %sub3A_912 = arith.constant 127 : i32
          %sub3A_913 = vector.broadcast %sub3A_912 : i32 to vector<16xi32>
          %sub3A_914 = arith.subi %shift_right_arithmetic3A_911, %sub3A_913 : vector<16xi32>
          %and3A_915 = arith.constant 8388607 : i32
          %and3A_916 = vector.broadcast %and3A_915 : i32 to vector<16xi32>
          %and3A_917 = arith.andi %bitcast_convert_type3A_908, %and3A_916 : vector<16xi32>
          %or3A_918 = arith.constant 1065353216 : i32
          %or3A_919 = vector.broadcast %or3A_918 : i32 to vector<16xi32>
          %or3A_920 = arith.ori %and3A_917, %or3A_919 : vector<16xi32>
          %bitcast_convert_type3A_921 = tpu.bitcast %or3A_920 : vector<16xi32> -> vector<16xf32>
          %gt3A_922 = arith.constant 1.41421354 : f32
          %gt3A_923 = vector.broadcast %gt3A_922 : f32 to vector<16xf32>
          %gt3A_924 = arith.cmpf ogt, %bitcast_convert_type3A_921, %gt3A_923 : vector<16xf32>
          %mul3A_925 = arith.constant 5.000000e-01 : f32
          %mul3A_926 = vector.broadcast %mul3A_925 : f32 to vector<16xf32>
          %mul3A_927 = arith.mulf %bitcast_convert_type3A_921, %mul3A_926 : vector<16xf32>
          %select_n3A_928 = arith.select %gt3A_924, %mul3A_927, %bitcast_convert_type3A_921 : vector<16xi1>, vector<16xf32>
          %jit3A_929 = arith.constant 1 : i32
          %jit3A_930 = arith.constant 0 : i32
          %broadcast_in_dim3A_931 = vector.broadcast %jit3A_929 : i32 to vector<16xi32>
          %broadcast_in_dim3A_932 = vector.broadcast %jit3A_930 : i32 to vector<16xi32>
          %select_n3A_933 = arith.select %gt3A_924, %broadcast_in_dim3A_931, %broadcast_in_dim3A_932 : vector<16xi1>, vector<16xi32>
          %add3A_934 = arith.addi %sub3A_914, %select_n3A_933 : vector<16xi32>
          %convert_element_type3A_935 = arith.sitofp %add3A_934 : vector<16xi32> to vector<16xf32>
          %sub3A_936 = arith.constant 1.000000e+00 : f32
          %sub3A_937 = vector.broadcast %sub3A_936 : f32 to vector<16xf32>
          %sub3A_938 = arith.subf %select_n3A_928, %sub3A_937 : vector<16xf32>
          %add3A_939 = arith.constant 1.000000e+00 : f32
          %add3A_940 = vector.broadcast %add3A_939 : f32 to vector<16xf32>
          %add3A_941 = arith.addf %select_n3A_928, %add3A_940 : vector<16xf32>
          %div3A_942 = arith.divf %sub3A_938, %add3A_941 : vector<16xf32>
          %mul3A_943 = arith.mulf %div3A_942, %div3A_942 : vector<16xf32>
          %mul3A_944 = arith.constant 0.111111112 : f32
          %mul3A_945 = vector.broadcast %mul3A_944 : f32 to vector<16xf32>
          %mul3A_946 = arith.mulf %mul3A_943, %mul3A_945 : vector<16xf32>
          %add3A_947 = arith.constant 0.142857149 : f32
          %add3A_948 = vector.broadcast %add3A_947 : f32 to vector<16xf32>
          %add3A_949 = arith.addf %add3A_948, %mul3A_946 : vector<16xf32>
          %mul3A_950 = arith.mulf %mul3A_943, %add3A_949 : vector<16xf32>
          %add3A_951 = arith.constant 2.000000e-01 : f32
          %add3A_952 = vector.broadcast %add3A_951 : f32 to vector<16xf32>
          %add3A_953 = arith.addf %add3A_952, %mul3A_950 : vector<16xf32>
          %mul3A_954 = arith.mulf %mul3A_943, %add3A_953 : vector<16xf32>
          %add3A_955 = arith.constant 0.333333343 : f32
          %add3A_956 = vector.broadcast %add3A_955 : f32 to vector<16xf32>
          %add3A_957 = arith.addf %add3A_956, %mul3A_954 : vector<16xf32>
          %mul3A_958 = arith.mulf %mul3A_943, %add3A_957 : vector<16xf32>
          %add3A_959 = arith.addf %div3A_942, %div3A_942 : vector<16xf32>
          %mul3A_960 = arith.mulf %add3A_959, %mul3A_958 : vector<16xf32>
          %add3A_961 = arith.addf %add3A_959, %mul3A_960 : vector<16xf32>
          %mul3A_962 = arith.constant -0.693147182 : f32
          %mul3A_963 = vector.broadcast %mul3A_962 : f32 to vector<16xf32>
          %mul3A_964 = arith.mulf %mul3A_963, %convert_element_type3A_935 : vector<16xf32>
          %sub3A_965 = arith.subf %mul3A_964, %add3A_961 : vector<16xf32>
          %mul3A_966 = arith.constant -8.33333301 : f32
          %mul3A_967 = vector.broadcast %mul3A_966 : f32 to vector<16xf32>
          %mul3A_968 = arith.mulf %get3A_664, %mul3A_967 : vector<16xf32>
          %exp3A_969 = math.exp %mul3A_968 : vector<16xf32>
          %mul3A_970 = arith.mulf %sub3A_965, %exp3A_969 : vector<16xf32>
          %lt3A_971 = arith.cmpf olt, %mul3A_970, %select_n3A_656 : vector<16xf32>
          %select_n3A_972 = arith.select %lt3A_971, %mul3A_970, %select_n3A_656 : vector<16xi1>, vector<16xf32>
          %select_n3A_973 = arith.select %lt3A_971, %add3A_667, %select_n3A_657 : vector<16xi1>, vector<16xi32>
          %mul3A_974 = arith.constant 64 : i32
          %mul3A_975 = arith.muli %scan3A_38, %mul3A_974 : i32
          %add3A_976 = arith.constant 48 : i32
          %add3A_977 = arith.addi %mul3A_975, %add3A_976 : i32
          %get3A_978 = arith.index_cast %add3A_977 : i32 to index
          %get3A_979 = tpu.vector_load %arg5[%get3A_978] {strides = array<i32>} : memref<16384xf32, #tpu.memory_space<vmem>>, vector<16xf32>,
          %get3A_980 = vector.shape_cast %get3A_979 : vector<16xf32> to vector<16xf32>
          %add3A_981 = arith.addi %mul3A_31, %add3A_977 : i32
          %add3A_982 = vector.broadcast %add3A_981 : i32 to vector<16xi32>
          %add3A_983 = arith.addi %add3A_982, %iota3A : vector<16xi32>
          %add3A_984 = vector.broadcast %mul3A_8 : i32 to vector<16xi32>
          %add3A_985 = arith.addi %add3A_984, %add3A_983 : vector<16xi32>
          %broadcast_in_dim3A_986 = arith.constant 0 : i32
          %broadcast_in_dim3A_987 = vector.broadcast %broadcast_in_dim3A_986 : i32 to vector<16xi32>
          %add3A_988 = arith.constant 64467757 : i32
          %add3A_989 = vector.broadcast %add3A_988 : i32 to vector<16xi32>
          %add3A_990 = arith.addi %broadcast_in_dim3A_987, %add3A_989 : vector<16xi32>
          %add3A_991 = arith.constant -1378843660 : i32
          %add3A_992 = vector.broadcast %add3A_991 : i32 to vector<16xi32>
          %add3A_993 = arith.addi %add3A_985, %add3A_992 : vector<16xi32>
          %add3A_994 = arith.addi %add3A_990, %add3A_993 : vector<16xi32>
          %shift_left3A_995 = arith.constant 13 : i32
          %shift_left3A_996 = vector.broadcast %shift_left3A_995 : i32 to vector<16xi32>
          %shift_left3A_997 = arith.shli %add3A_993, %shift_left3A_996 : vector<16xi32>
          %shift_right_logical3A_998 = arith.constant 19 : i32
          %shift_right_logical3A_999 = vector.broadcast %shift_right_logical3A_998 : i32 to vector<16xi32>
          %shift_right_logical3A_1000 = arith.shrui %add3A_993, %shift_right_logical3A_999 : vector<16xi32>
          %or3A_1001 = arith.ori %shift_left3A_997, %shift_right_logical3A_1000 : vector<16xi32>
          %xor3A_1002 = arith.xori %or3A_1001, %add3A_994 : vector<16xi32>
          %add3A_1003 = arith.addi %add3A_994, %xor3A_1002 : vector<16xi32>
          %shift_left3A_1004 = arith.constant 15 : i32
          %shift_left3A_1005 = vector.broadcast %shift_left3A_1004 : i32 to vector<16xi32>
          %shift_left3A_1006 = arith.shli %xor3A_1002, %shift_left3A_1005 : vector<16xi32>
          %shift_right_logical3A_1007 = arith.constant 17 : i32
          %shift_right_logical3A_1008 = vector.broadcast %shift_right_logical3A_1007 : i32 to vector<16xi32>
          %shift_right_logical3A_1009 = arith.shrui %xor3A_1002, %shift_right_logical3A_1008 : vector<16xi32>
          %or3A_1010 = arith.ori %shift_left3A_1006, %shift_right_logical3A_1009 : vector<16xi32>
          %xor3A_1011 = arith.xori %or3A_1010, %add3A_1003 : vector<16xi32>
          %add3A_1012 = arith.addi %add3A_1003, %xor3A_1011 : vector<16xi32>
          %shift_left3A_1013 = arith.constant 26 : i32
          %shift_left3A_1014 = vector.broadcast %shift_left3A_1013 : i32 to vector<16xi32>
          %shift_left3A_1015 = arith.shli %xor3A_1011, %shift_left3A_1014 : vector<16xi32>
          %shift_right_logical3A_1016 = arith.constant 6 : i32
          %shift_right_logical3A_1017 = vector.broadcast %shift_right_logical3A_1016 : i32 to vector<16xi32>
          %shift_right_logical3A_1018 = arith.shrui %xor3A_1011, %shift_right_logical3A_1017 : vector<16xi32>
          %or3A_1019 = arith.ori %shift_left3A_1015, %shift_right_logical3A_1018 : vector<16xi32>
          %xor3A_1020 = arith.xori %or3A_1019, %add3A_1012 : vector<16xi32>
          %add3A_1021 = arith.addi %add3A_1012, %xor3A_1020 : vector<16xi32>
          %shift_left3A_1022 = arith.constant 6 : i32
          %shift_left3A_1023 = vector.broadcast %shift_left3A_1022 : i32 to vector<16xi32>
          %shift_left3A_1024 = arith.shli %xor3A_1020, %shift_left3A_1023 : vector<16xi32>
          %shift_right_logical3A_1025 = arith.constant 26 : i32
          %shift_right_logical3A_1026 = vector.broadcast %shift_right_logical3A_1025 : i32 to vector<16xi32>
          %shift_right_logical3A_1027 = arith.shrui %xor3A_1020, %shift_right_logical3A_1026 : vector<16xi32>
          %or3A_1028 = arith.ori %shift_left3A_1024, %shift_right_logical3A_1027 : vector<16xi32>
          %xor3A_1029 = arith.xori %or3A_1028, %add3A_1021 : vector<16xi32>
          %add3A_1030 = arith.constant -1378843660 : i32
          %add3A_1031 = vector.broadcast %add3A_1030 : i32 to vector<16xi32>
          %add3A_1032 = arith.addi %add3A_1021, %add3A_1031 : vector<16xi32>
          %add3A_1033 = arith.constant -1244255484 : i32
          %add3A_1034 = vector.broadcast %add3A_1033 : i32 to vector<16xi32>
          %add3A_1035 = arith.addi %xor3A_1029, %add3A_1034 : vector<16xi32>
          %add3A_1036 = arith.addi %add3A_1032, %add3A_1035 : vector<16xi32>
          %shift_left3A_1037 = arith.constant 17 : i32
          %shift_left3A_1038 = vector.broadcast %shift_left3A_1037 : i32 to vector<16xi32>
          %shift_left3A_1039 = arith.shli %add3A_1035, %shift_left3A_1038 : vector<16xi32>
          %shift_right_logical3A_1040 = arith.constant 15 : i32
          %shift_right_logical3A_1041 = vector.broadcast %shift_right_logical3A_1040 : i32 to vector<16xi32>
          %shift_right_logical3A_1042 = arith.shrui %add3A_1035, %shift_right_logical3A_1041 : vector<16xi32>
          %or3A_1043 = arith.ori %shift_left3A_1039, %shift_right_logical3A_1042 : vector<16xi32>
          %xor3A_1044 = arith.xori %or3A_1043, %add3A_1036 : vector<16xi32>
          %add3A_1045 = arith.addi %add3A_1036, %xor3A_1044 : vector<16xi32>
          %shift_left3A_1046 = arith.constant 29 : i32
          %shift_left3A_1047 = vector.broadcast %shift_left3A_1046 : i32 to vector<16xi32>
          %shift_left3A_1048 = arith.shli %xor3A_1044, %shift_left3A_1047 : vector<16xi32>
          %shift_right_logical3A_1049 = arith.constant 3 : i32
          %shift_right_logical3A_1050 = vector.broadcast %shift_right_logical3A_1049 : i32 to vector<16xi32>
          %shift_right_logical3A_1051 = arith.shrui %xor3A_1044, %shift_right_logical3A_1050 : vector<16xi32>
          %or3A_1052 = arith.ori %shift_left3A_1048, %shift_right_logical3A_1051 : vector<16xi32>
          %xor3A_1053 = arith.xori %or3A_1052, %add3A_1045 : vector<16xi32>
          %add3A_1054 = arith.addi %add3A_1045, %xor3A_1053 : vector<16xi32>
          %shift_left3A_1055 = arith.constant 16 : i32
          %shift_left3A_1056 = vector.broadcast %shift_left3A_1055 : i32 to vector<16xi32>
          %shift_left3A_1057 = arith.shli %xor3A_1053, %shift_left3A_1056 : vector<16xi32>
          %shift_right_logical3A_1058 = arith.constant 16 : i32
          %shift_right_logical3A_1059 = vector.broadcast %shift_right_logical3A_1058 : i32 to vector<16xi32>
          %shift_right_logical3A_1060 = arith.shrui %xor3A_1053, %shift_right_logical3A_1059 : vector<16xi32>
          %or3A_1061 = arith.ori %shift_left3A_1057, %shift_right_logical3A_1060 : vector<16xi32>
          %xor3A_1062 = arith.xori %or3A_1061, %add3A_1054 : vector<16xi32>
          %add3A_1063 = arith.addi %add3A_1054, %xor3A_1062 : vector<16xi32>
          %shift_left3A_1064 = arith.constant 24 : i32
          %shift_left3A_1065 = vector.broadcast %shift_left3A_1064 : i32 to vector<16xi32>
          %shift_left3A_1066 = arith.shli %xor3A_1062, %shift_left3A_1065 : vector<16xi32>
          %shift_right_logical3A_1067 = arith.constant 8 : i32
          %shift_right_logical3A_1068 = vector.broadcast %shift_right_logical3A_1067 : i32 to vector<16xi32>
          %shift_right_logical3A_1069 = arith.shrui %xor3A_1062, %shift_right_logical3A_1068 : vector<16xi32>
          %or3A_1070 = arith.ori %shift_left3A_1066, %shift_right_logical3A_1069 : vector<16xi32>
          %xor3A_1071 = arith.xori %or3A_1070, %add3A_1063 : vector<16xi32>
          %add3A_1072 = arith.constant -1244255485 : i32
          %add3A_1073 = vector.broadcast %add3A_1072 : i32 to vector<16xi32>
          %add3A_1074 = arith.addi %add3A_1063, %add3A_1073 : vector<16xi32>
          %add3A_1075 = arith.constant 64467759 : i32
          %add3A_1076 = vector.broadcast %add3A_1075 : i32 to vector<16xi32>
          %add3A_1077 = arith.addi %xor3A_1071, %add3A_1076 : vector<16xi32>
          %add3A_1078 = arith.addi %add3A_1074, %add3A_1077 : vector<16xi32>
          %shift_left3A_1079 = arith.constant 13 : i32
          %shift_left3A_1080 = vector.broadcast %shift_left3A_1079 : i32 to vector<16xi32>
          %shift_left3A_1081 = arith.shli %add3A_1077, %shift_left3A_1080 : vector<16xi32>
          %shift_right_logical3A_1082 = arith.constant 19 : i32
          %shift_right_logical3A_1083 = vector.broadcast %shift_right_logical3A_1082 : i32 to vector<16xi32>
          %shift_right_logical3A_1084 = arith.shrui %add3A_1077, %shift_right_logical3A_1083 : vector<16xi32>
          %or3A_1085 = arith.ori %shift_left3A_1081, %shift_right_logical3A_1084 : vector<16xi32>
          %xor3A_1086 = arith.xori %or3A_1085, %add3A_1078 : vector<16xi32>
          %add3A_1087 = arith.addi %add3A_1078, %xor3A_1086 : vector<16xi32>
          %shift_left3A_1088 = arith.constant 15 : i32
          %shift_left3A_1089 = vector.broadcast %shift_left3A_1088 : i32 to vector<16xi32>
          %shift_left3A_1090 = arith.shli %xor3A_1086, %shift_left3A_1089 : vector<16xi32>
          %shift_right_logical3A_1091 = arith.constant 17 : i32
          %shift_right_logical3A_1092 = vector.broadcast %shift_right_logical3A_1091 : i32 to vector<16xi32>
          %shift_right_logical3A_1093 = arith.shrui %xor3A_1086, %shift_right_logical3A_1092 : vector<16xi32>
          %or3A_1094 = arith.ori %shift_left3A_1090, %shift_right_logical3A_1093 : vector<16xi32>
          %xor3A_1095 = arith.xori %or3A_1094, %add3A_1087 : vector<16xi32>
          %add3A_1096 = arith.addi %add3A_1087, %xor3A_1095 : vector<16xi32>
          %shift_left3A_1097 = arith.constant 26 : i32
          %shift_left3A_1098 = vector.broadcast %shift_left3A_1097 : i32 to vector<16xi32>
          %shift_left3A_1099 = arith.shli %xor3A_1095, %shift_left3A_1098 : vector<16xi32>
          %shift_right_logical3A_1100 = arith.constant 6 : i32
          %shift_right_logical3A_1101 = vector.broadcast %shift_right_logical3A_1100 : i32 to vector<16xi32>
          %shift_right_logical3A_1102 = arith.shrui %xor3A_1095, %shift_right_logical3A_1101 : vector<16xi32>
          %or3A_1103 = arith.ori %shift_left3A_1099, %shift_right_logical3A_1102 : vector<16xi32>
          %xor3A_1104 = arith.xori %or3A_1103, %add3A_1096 : vector<16xi32>
          %add3A_1105 = arith.addi %add3A_1096, %xor3A_1104 : vector<16xi32>
          %shift_left3A_1106 = arith.constant 6 : i32
          %shift_left3A_1107 = vector.broadcast %shift_left3A_1106 : i32 to vector<16xi32>
          %shift_left3A_1108 = arith.shli %xor3A_1104, %shift_left3A_1107 : vector<16xi32>
          %shift_right_logical3A_1109 = arith.constant 26 : i32
          %shift_right_logical3A_1110 = vector.broadcast %shift_right_logical3A_1109 : i32 to vector<16xi32>
          %shift_right_logical3A_1111 = arith.shrui %xor3A_1104, %shift_right_logical3A_1110 : vector<16xi32>
          %or3A_1112 = arith.ori %shift_left3A_1108, %shift_right_logical3A_1111 : vector<16xi32>
          %xor3A_1113 = arith.xori %or3A_1112, %add3A_1105 : vector<16xi32>
          %add3A_1114 = arith.constant 64467757 : i32
          %add3A_1115 = vector.broadcast %add3A_1114 : i32 to vector<16xi32>
          %add3A_1116 = arith.addi %add3A_1105, %add3A_1115 : vector<16xi32>
          %add3A_1117 = arith.constant -1378843657 : i32
          %add3A_1118 = vector.broadcast %add3A_1117 : i32 to vector<16xi32>
          %add3A_1119 = arith.addi %xor3A_1113, %add3A_1118 : vector<16xi32>
          %add3A_1120 = arith.addi %add3A_1116, %add3A_1119 : vector<16xi32>
          %shift_left3A_1121 = arith.constant 17 : i32
          %shift_left3A_1122 = vector.broadcast %shift_left3A_1121 : i32 to vector<16xi32>
          %shift_left3A_1123 = arith.shli %add3A_1119, %shift_left3A_1122 : vector<16xi32>
          %shift_right_logical3A_1124 = arith.constant 15 : i32
          %shift_right_logical3A_1125 = vector.broadcast %shift_right_logical3A_1124 : i32 to vector<16xi32>
          %shift_right_logical3A_1126 = arith.shrui %add3A_1119, %shift_right_logical3A_1125 : vector<16xi32>
          %or3A_1127 = arith.ori %shift_left3A_1123, %shift_right_logical3A_1126 : vector<16xi32>
          %xor3A_1128 = arith.xori %or3A_1127, %add3A_1120 : vector<16xi32>
          %add3A_1129 = arith.addi %add3A_1120, %xor3A_1128 : vector<16xi32>
          %shift_left3A_1130 = arith.constant 29 : i32
          %shift_left3A_1131 = vector.broadcast %shift_left3A_1130 : i32 to vector<16xi32>
          %shift_left3A_1132 = arith.shli %xor3A_1128, %shift_left3A_1131 : vector<16xi32>
          %shift_right_logical3A_1133 = arith.constant 3 : i32
          %shift_right_logical3A_1134 = vector.broadcast %shift_right_logical3A_1133 : i32 to vector<16xi32>
          %shift_right_logical3A_1135 = arith.shrui %xor3A_1128, %shift_right_logical3A_1134 : vector<16xi32>
          %or3A_1136 = arith.ori %shift_left3A_1132, %shift_right_logical3A_1135 : vector<16xi32>
          %xor3A_1137 = arith.xori %or3A_1136, %add3A_1129 : vector<16xi32>
          %add3A_1138 = arith.addi %add3A_1129, %xor3A_1137 : vector<16xi32>
          %shift_left3A_1139 = arith.constant 16 : i32
          %shift_left3A_1140 = vector.broadcast %shift_left3A_1139 : i32 to vector<16xi32>
          %shift_left3A_1141 = arith.shli %xor3A_1137, %shift_left3A_1140 : vector<16xi32>
          %shift_right_logical3A_1142 = arith.constant 16 : i32
          %shift_right_logical3A_1143 = vector.broadcast %shift_right_logical3A_1142 : i32 to vector<16xi32>
          %shift_right_logical3A_1144 = arith.shrui %xor3A_1137, %shift_right_logical3A_1143 : vector<16xi32>
          %or3A_1145 = arith.ori %shift_left3A_1141, %shift_right_logical3A_1144 : vector<16xi32>
          %xor3A_1146 = arith.xori %or3A_1145, %add3A_1138 : vector<16xi32>
          %add3A_1147 = arith.addi %add3A_1138, %xor3A_1146 : vector<16xi32>
          %shift_left3A_1148 = arith.constant 24 : i32
          %shift_left3A_1149 = vector.broadcast %shift_left3A_1148 : i32 to vector<16xi32>
          %shift_left3A_1150 = arith.shli %xor3A_1146, %shift_left3A_1149 : vector<16xi32>
          %shift_right_logical3A_1151 = arith.constant 8 : i32
          %shift_right_logical3A_1152 = vector.broadcast %shift_right_logical3A_1151 : i32 to vector<16xi32>
          %shift_right_logical3A_1153 = arith.shrui %xor3A_1146, %shift_right_logical3A_1152 : vector<16xi32>
          %or3A_1154 = arith.ori %shift_left3A_1150, %shift_right_logical3A_1153 : vector<16xi32>
          %xor3A_1155 = arith.xori %or3A_1154, %add3A_1147 : vector<16xi32>
          %add3A_1156 = arith.constant -1378843660 : i32
          %add3A_1157 = vector.broadcast %add3A_1156 : i32 to vector<16xi32>
          %add3A_1158 = arith.addi %add3A_1147, %add3A_1157 : vector<16xi32>
          %add3A_1159 = arith.constant -1244255481 : i32
          %add3A_1160 = vector.broadcast %add3A_1159 : i32 to vector<16xi32>
          %add3A_1161 = arith.addi %xor3A_1155, %add3A_1160 : vector<16xi32>
          %add3A_1162 = arith.addi %add3A_1158, %add3A_1161 : vector<16xi32>
          %shift_left3A_1163 = arith.constant 13 : i32
          %shift_left3A_1164 = vector.broadcast %shift_left3A_1163 : i32 to vector<16xi32>
          %shift_left3A_1165 = arith.shli %add3A_1161, %shift_left3A_1164 : vector<16xi32>
          %shift_right_logical3A_1166 = arith.constant 19 : i32
          %shift_right_logical3A_1167 = vector.broadcast %shift_right_logical3A_1166 : i32 to vector<16xi32>
          %shift_right_logical3A_1168 = arith.shrui %add3A_1161, %shift_right_logical3A_1167 : vector<16xi32>
          %or3A_1169 = arith.ori %shift_left3A_1165, %shift_right_logical3A_1168 : vector<16xi32>
          %xor3A_1170 = arith.xori %or3A_1169, %add3A_1162 : vector<16xi32>
          %add3A_1171 = arith.addi %add3A_1162, %xor3A_1170 : vector<16xi32>
          %shift_left3A_1172 = arith.constant 15 : i32
          %shift_left3A_1173 = vector.broadcast %shift_left3A_1172 : i32 to vector<16xi32>
          %shift_left3A_1174 = arith.shli %xor3A_1170, %shift_left3A_1173 : vector<16xi32>
          %shift_right_logical3A_1175 = arith.constant 17 : i32
          %shift_right_logical3A_1176 = vector.broadcast %shift_right_logical3A_1175 : i32 to vector<16xi32>
          %shift_right_logical3A_1177 = arith.shrui %xor3A_1170, %shift_right_logical3A_1176 : vector<16xi32>
          %or3A_1178 = arith.ori %shift_left3A_1174, %shift_right_logical3A_1177 : vector<16xi32>
          %xor3A_1179 = arith.xori %or3A_1178, %add3A_1171 : vector<16xi32>
          %add3A_1180 = arith.addi %add3A_1171, %xor3A_1179 : vector<16xi32>
          %shift_left3A_1181 = arith.constant 26 : i32
          %shift_left3A_1182 = vector.broadcast %shift_left3A_1181 : i32 to vector<16xi32>
          %shift_left3A_1183 = arith.shli %xor3A_1179, %shift_left3A_1182 : vector<16xi32>
          %shift_right_logical3A_1184 = arith.constant 6 : i32
          %shift_right_logical3A_1185 = vector.broadcast %shift_right_logical3A_1184 : i32 to vector<16xi32>
          %shift_right_logical3A_1186 = arith.shrui %xor3A_1179, %shift_right_logical3A_1185 : vector<16xi32>
          %or3A_1187 = arith.ori %shift_left3A_1183, %shift_right_logical3A_1186 : vector<16xi32>
          %xor3A_1188 = arith.xori %or3A_1187, %add3A_1180 : vector<16xi32>
          %add3A_1189 = arith.addi %add3A_1180, %xor3A_1188 : vector<16xi32>
          %shift_left3A_1190 = arith.constant 6 : i32
          %shift_left3A_1191 = vector.broadcast %shift_left3A_1190 : i32 to vector<16xi32>
          %shift_left3A_1192 = arith.shli %xor3A_1188, %shift_left3A_1191 : vector<16xi32>
          %shift_right_logical3A_1193 = arith.constant 26 : i32
          %shift_right_logical3A_1194 = vector.broadcast %shift_right_logical3A_1193 : i32 to vector<16xi32>
          %shift_right_logical3A_1195 = arith.shrui %xor3A_1188, %shift_right_logical3A_1194 : vector<16xi32>
          %or3A_1196 = arith.ori %shift_left3A_1192, %shift_right_logical3A_1195 : vector<16xi32>
          %xor3A_1197 = arith.xori %or3A_1196, %add3A_1189 : vector<16xi32>
          %add3A_1198 = arith.constant -1244255485 : i32
          %add3A_1199 = vector.broadcast %add3A_1198 : i32 to vector<16xi32>
          %add3A_1200 = arith.addi %add3A_1189, %add3A_1199 : vector<16xi32>
          %add3A_1201 = arith.constant 64467762 : i32
          %add3A_1202 = vector.broadcast %add3A_1201 : i32 to vector<16xi32>
          %add3A_1203 = arith.addi %xor3A_1197, %add3A_1202 : vector<16xi32>
          %xor3A_1204 = arith.xori %add3A_1200, %add3A_1203 : vector<16xi32>
          %shift_right_logical3A_1205 = arith.constant 9 : i32
          %shift_right_logical3A_1206 = vector.broadcast %shift_right_logical3A_1205 : i32 to vector<16xi32>
          %shift_right_logical3A_1207 = arith.shrui %xor3A_1204, %shift_right_logical3A_1206 : vector<16xi32>
          %or3A_1208 = arith.constant 1065353216 : i32
          %or3A_1209 = vector.broadcast %or3A_1208 : i32 to vector<16xi32>
          %or3A_1210 = arith.ori %shift_right_logical3A_1207, %or3A_1209 : vector<16xi32>
          %bitcast_convert_type3A_1211 = tpu.bitcast %or3A_1210 : vector<16xi32> -> vector<16xf32>
          %sub3A_1212 = arith.constant 1.000000e+00 : f32
          %sub3A_1213 = vector.broadcast %sub3A_1212 : f32 to vector<16xf32>
          %sub3A_1214 = arith.subf %bitcast_convert_type3A_1211, %sub3A_1213 : vector<16xf32>
          %mul3A_1215 = arith.constant 1.000000e+00 : f32
          %mul3A_1216 = vector.broadcast %mul3A_1215 : f32 to vector<16xf32>
          %mul3A_1217 = arith.mulf %sub3A_1214, %mul3A_1216 : vector<16xf32>
          %add3A_1218 = arith.constant 1.17549435E-38 : f32
          %add3A_1219 = vector.broadcast %add3A_1218 : f32 to vector<16xf32>
          %add3A_1220 = arith.addf %mul3A_1217, %add3A_1219 : vector<16xf32>
          %max3A_1221 = arith.constant 1.17549435E-38 : f32
          %max3A_1222 = vector.broadcast %max3A_1221 : f32 to vector<16xf32>
          %max3A_1223 = arith.maximumf %max3A_1222, %add3A_1220 : vector<16xf32>
          %bitcast_convert_type3A_1224 = tpu.bitcast %max3A_1223 : vector<16xf32> -> vector<16xi32>
          %shift_right_arithmetic3A_1225 = arith.constant 23 : i32
          %shift_right_arithmetic3A_1226 = vector.broadcast %shift_right_arithmetic3A_1225 : i32 to vector<16xi32>
          %shift_right_arithmetic3A_1227 = arith.shrsi %bitcast_convert_type3A_1224, %shift_right_arithmetic3A_1226 : vector<16xi32>
          %sub3A_1228 = arith.constant 127 : i32
          %sub3A_1229 = vector.broadcast %sub3A_1228 : i32 to vector<16xi32>
          %sub3A_1230 = arith.subi %shift_right_arithmetic3A_1227, %sub3A_1229 : vector<16xi32>
          %and3A_1231 = arith.constant 8388607 : i32
          %and3A_1232 = vector.broadcast %and3A_1231 : i32 to vector<16xi32>
          %and3A_1233 = arith.andi %bitcast_convert_type3A_1224, %and3A_1232 : vector<16xi32>
          %or3A_1234 = arith.constant 1065353216 : i32
          %or3A_1235 = vector.broadcast %or3A_1234 : i32 to vector<16xi32>
          %or3A_1236 = arith.ori %and3A_1233, %or3A_1235 : vector<16xi32>
          %bitcast_convert_type3A_1237 = tpu.bitcast %or3A_1236 : vector<16xi32> -> vector<16xf32>
          %gt3A_1238 = arith.constant 1.41421354 : f32
          %gt3A_1239 = vector.broadcast %gt3A_1238 : f32 to vector<16xf32>
          %gt3A_1240 = arith.cmpf ogt, %bitcast_convert_type3A_1237, %gt3A_1239 : vector<16xf32>
          %mul3A_1241 = arith.constant 5.000000e-01 : f32
          %mul3A_1242 = vector.broadcast %mul3A_1241 : f32 to vector<16xf32>
          %mul3A_1243 = arith.mulf %bitcast_convert_type3A_1237, %mul3A_1242 : vector<16xf32>
          %select_n3A_1244 = arith.select %gt3A_1240, %mul3A_1243, %bitcast_convert_type3A_1237 : vector<16xi1>, vector<16xf32>
          %jit3A_1245 = arith.constant 1 : i32
          %jit3A_1246 = arith.constant 0 : i32
          %broadcast_in_dim3A_1247 = vector.broadcast %jit3A_1245 : i32 to vector<16xi32>
          %broadcast_in_dim3A_1248 = vector.broadcast %jit3A_1246 : i32 to vector<16xi32>
          %select_n3A_1249 = arith.select %gt3A_1240, %broadcast_in_dim3A_1247, %broadcast_in_dim3A_1248 : vector<16xi1>, vector<16xi32>
          %add3A_1250 = arith.addi %sub3A_1230, %select_n3A_1249 : vector<16xi32>
          %convert_element_type3A_1251 = arith.sitofp %add3A_1250 : vector<16xi32> to vector<16xf32>
          %sub3A_1252 = arith.constant 1.000000e+00 : f32
          %sub3A_1253 = vector.broadcast %sub3A_1252 : f32 to vector<16xf32>
          %sub3A_1254 = arith.subf %select_n3A_1244, %sub3A_1253 : vector<16xf32>
          %add3A_1255 = arith.constant 1.000000e+00 : f32
          %add3A_1256 = vector.broadcast %add3A_1255 : f32 to vector<16xf32>
          %add3A_1257 = arith.addf %select_n3A_1244, %add3A_1256 : vector<16xf32>
          %div3A_1258 = arith.divf %sub3A_1254, %add3A_1257 : vector<16xf32>
          %mul3A_1259 = arith.mulf %div3A_1258, %div3A_1258 : vector<16xf32>
          %mul3A_1260 = arith.constant 0.111111112 : f32
          %mul3A_1261 = vector.broadcast %mul3A_1260 : f32 to vector<16xf32>
          %mul3A_1262 = arith.mulf %mul3A_1259, %mul3A_1261 : vector<16xf32>
          %add3A_1263 = arith.constant 0.142857149 : f32
          %add3A_1264 = vector.broadcast %add3A_1263 : f32 to vector<16xf32>
          %add3A_1265 = arith.addf %add3A_1264, %mul3A_1262 : vector<16xf32>
          %mul3A_1266 = arith.mulf %mul3A_1259, %add3A_1265 : vector<16xf32>
          %add3A_1267 = arith.constant 2.000000e-01 : f32
          %add3A_1268 = vector.broadcast %add3A_1267 : f32 to vector<16xf32>
          %add3A_1269 = arith.addf %add3A_1268, %mul3A_1266 : vector<16xf32>
          %mul3A_1270 = arith.mulf %mul3A_1259, %add3A_1269 : vector<16xf32>
          %add3A_1271 = arith.constant 0.333333343 : f32
          %add3A_1272 = vector.broadcast %add3A_1271 : f32 to vector<16xf32>
          %add3A_1273 = arith.addf %add3A_1272, %mul3A_1270 : vector<16xf32>
          %mul3A_1274 = arith.mulf %mul3A_1259, %add3A_1273 : vector<16xf32>
          %add3A_1275 = arith.addf %div3A_1258, %div3A_1258 : vector<16xf32>
          %mul3A_1276 = arith.mulf %add3A_1275, %mul3A_1274 : vector<16xf32>
          %add3A_1277 = arith.addf %add3A_1275, %mul3A_1276 : vector<16xf32>
          %mul3A_1278 = arith.constant -0.693147182 : f32
          %mul3A_1279 = vector.broadcast %mul3A_1278 : f32 to vector<16xf32>
          %mul3A_1280 = arith.mulf %mul3A_1279, %convert_element_type3A_1251 : vector<16xf32>
          %sub3A_1281 = arith.subf %mul3A_1280, %add3A_1277 : vector<16xf32>
          %mul3A_1282 = arith.constant -8.33333301 : f32
          %mul3A_1283 = vector.broadcast %mul3A_1282 : f32 to vector<16xf32>
          %mul3A_1284 = arith.mulf %get3A_980, %mul3A_1283 : vector<16xf32>
          %exp3A_1285 = math.exp %mul3A_1284 : vector<16xf32>
          %mul3A_1286 = arith.mulf %sub3A_1281, %exp3A_1285 : vector<16xf32>
          %lt3A_1287 = arith.cmpf olt, %mul3A_1286, %select_n3A_972 : vector<16xf32>
          %select_n3A_1288 = arith.select %lt3A_1287, %mul3A_1286, %select_n3A_972 : vector<16xi1>, vector<16xf32>
          %select_n3A_1289 = arith.select %lt3A_1287, %add3A_983, %select_n3A_973 : vector<16xi1>, vector<16xi32>
          scf.yield %select_n3A_1288, %select_n3A_1289 : vector<16xf32>, vector<16xi32>
        }
        %scan3A_37 = arith.constant 256 : i32
        scf.yield %scan3A_36#0, %scan3A_36#1 : vector<16xf32>, vector<16xi32>
      }
      %scan3A_16 = arith.constant 16 : i32
      %swap3A = arith.constant 0 : index
      %swap3A_17 = tpu.vector_load %arg6[%swap3A] {strides = array<i32>} : memref<16xf32, #tpu.memory_space<vmem>>, vector<16xf32>,
      %swap3A_18 = vector.shape_cast %swap3A_17 : vector<16xf32> to vector<16xf32>
      %swap3A_19 = vector.shape_cast %scan3A_15#0 : vector<16xf32> to vector<16xf32>
      tpu.vector_store %arg6[%swap3A], %swap3A_19 {strides = array<i32>} : memref<16xf32, #tpu.memory_space<vmem>>, vector<16xf32>,
      %swap3A_20 = arith.constant 0 : index
      %swap3A_21 = tpu.vector_load %arg7[%swap3A_20] {strides = array<i32>} : memref<16xi32, #tpu.memory_space<vmem>>, vector<16xi32>,
      %swap3A_22 = vector.shape_cast %swap3A_21 : vector<16xi32> to vector<16xi32>
      %swap3A_23 = vector.shape_cast %scan3A_15#1 : vector<16xi32> to vector<16xi32>
      tpu.vector_store %arg7[%swap3A_20], %swap3A_23 {strides = array<i32>} : memref<16xi32, #tpu.memory_space<vmem>>, vector<16xi32>,
      "tpu.region"() ({
        %run_scoped3A = tpu.sem_alloc : memref<!tpu.dma_semaphore, #tpu.memory_space<semaphore_mem>>
        %dma_start3A = arith.constant 0 : i32
        %dma_start3A_24 = tpu.memref_slice %arg3[%add3A_2, %dma_start3A] : memref<32x16xf32, #tpu.memory_space<hbm>> -> memref<1x16xf32, #tpu.memory_space<hbm>>
        %dma_start3A_25 = tpu.memref_squeeze %dma_start3A_24 : memref<1x16xf32, #tpu.memory_space<hbm>> -> memref<16xf32, #tpu.memory_space<hbm>>
        %dma_start3A_26 = arith.constant 0 : i32
        %dma_start3A_27 = tpu.memref_slice %arg3[%add3A_2, %dma_start3A_26] : memref<32x16xf32, #tpu.memory_space<hbm>> -> memref<1x16xf32, #tpu.memory_space<hbm>>
        %dma_start3A_28 = tpu.memref_squeeze %dma_start3A_27 : memref<1x16xf32, #tpu.memory_space<hbm>> -> memref<16xf32, #tpu.memory_space<hbm>>
        tpu.enqueue_dma source(%arg6 : memref<16xf32, #tpu.memory_space<vmem>>) target(%dma_start3A_28 : memref<16xf32, #tpu.memory_space<hbm>>) target_semaphore(%run_scoped3A : memref<!tpu.dma_semaphore, #tpu.memory_space<semaphore_mem>>)
        %dma_wait3A = arith.constant 0 : i32
        %dma_wait3A_29 = tpu.memref_slice %arg3[%add3A_2, %dma_wait3A] : memref<32x16xf32, #tpu.memory_space<hbm>> -> memref<1x16xf32, #tpu.memory_space<hbm>>
        %dma_wait3A_30 = tpu.memref_squeeze %dma_wait3A_29 : memref<1x16xf32, #tpu.memory_space<hbm>> -> memref<16xf32, #tpu.memory_space<hbm>>
        %dma_wait3A_31 = arith.constant 0 : i32
        %dma_wait3A_32 = tpu.memref_slice %arg3[%add3A_2, %dma_wait3A_31] : memref<32x16xf32, #tpu.memory_space<hbm>> -> memref<1x16xf32, #tpu.memory_space<hbm>>
        %dma_wait3A_33 = tpu.memref_squeeze %dma_wait3A_32 : memref<1x16xf32, #tpu.memory_space<hbm>> -> memref<16xf32, #tpu.memory_space<hbm>>
        tpu.wait_dma2 semaphore(%run_scoped3A : memref<!tpu.dma_semaphore, #tpu.memory_space<semaphore_mem>>) src(%arg6 : memref<16xf32, #tpu.memory_space<vmem>>) dst(%dma_wait3A_33 : memref<16xf32, #tpu.memory_space<hbm>>)
        tpu.yield
      }) : () -> ()
      "tpu.region"() ({
        %run_scoped3A = tpu.sem_alloc : memref<!tpu.dma_semaphore, #tpu.memory_space<semaphore_mem>>
        %dma_start3A = arith.constant 0 : i32
        %dma_start3A_24 = tpu.memref_slice %arg4[%add3A_2, %dma_start3A] : memref<32x16xi32, #tpu.memory_space<hbm>> -> memref<1x16xi32, #tpu.memory_space<hbm>>
        %dma_start3A_25 = tpu.memref_squeeze %dma_start3A_24 : memref<1x16xi32, #tpu.memory_space<hbm>> -> memref<16xi32, #tpu.memory_space<hbm>>
        %dma_start3A_26 = arith.constant 0 : i32
        %dma_start3A_27 = tpu.memref_slice %arg4[%add3A_2, %dma_start3A_26] : memref<32x16xi32, #tpu.memory_space<hbm>> -> memref<1x16xi32, #tpu.memory_space<hbm>>
        %dma_start3A_28 = tpu.memref_squeeze %dma_start3A_27 : memref<1x16xi32, #tpu.memory_space<hbm>> -> memref<16xi32, #tpu.memory_space<hbm>>
        tpu.enqueue_dma source(%arg7 : memref<16xi32, #tpu.memory_space<vmem>>) target(%dma_start3A_28 : memref<16xi32, #tpu.memory_space<hbm>>) target_semaphore(%run_scoped3A : memref<!tpu.dma_semaphore, #tpu.memory_space<semaphore_mem>>)
        %dma_wait3A = arith.constant 0 : i32
        %dma_wait3A_29 = tpu.memref_slice %arg4[%add3A_2, %dma_wait3A] : memref<32x16xi32, #tpu.memory_space<hbm>> -> memref<1x16xi32, #tpu.memory_space<hbm>>
        %dma_wait3A_30 = tpu.memref_squeeze %dma_wait3A_29 : memref<1x16xi32, #tpu.memory_space<hbm>> -> memref<16xi32, #tpu.memory_space<hbm>>
        %dma_wait3A_31 = arith.constant 0 : i32
        %dma_wait3A_32 = tpu.memref_slice %arg4[%add3A_2, %dma_wait3A_31] : memref<32x16xi32, #tpu.memory_space<hbm>> -> memref<1x16xi32, #tpu.memory_space<hbm>>
        %dma_wait3A_33 = tpu.memref_squeeze %dma_wait3A_32 : memref<1x16xi32, #tpu.memory_space<hbm>> -> memref<16xi32, #tpu.memory_space<hbm>>
        tpu.wait_dma2 semaphore(%run_scoped3A : memref<!tpu.dma_semaphore, #tpu.memory_space<semaphore_mem>>) src(%arg7 : memref<16xi32, #tpu.memory_space<vmem>>) dst(%dma_wait3A_33 : memref<16xi32, #tpu.memory_space<hbm>>)
        tpu.yield
      }) : () -> ()
    } else {
    }
    return
  }
}

module attributes {stable_mosaic.version = 14 : i64} {
  func.func @_sample_kernel(%arg0: i32, %arg1: memref<1x512x512xf32, #tpu.memory_space<vmem>>, %arg2: memref<1x16x512xf32, #tpu.memory_space<vmem>>, %arg3: memref<1x16x512xi32, #tpu.memory_space<vmem>>) attributes {dimension_semantics = [#tpu.dimension_semantics<arbitrary>], iteration_bounds = array<i64: 96>, scalar_prefetch = 0 : i64, scratch_operands = 0 : i64, tpu.core_type = #tpu.core_type<tc>, window_params = [{transform_indices = @transform_0, window_bounds = array<i64: 1, 512, 512>}, {transform_indices = @transform_1, window_bounds = array<i64: 1, 16, 512>}, {transform_indices = @transform_2, window_bounds = array<i64: 1, 16, 512>}]} {
    %mul3A = arith.constant 262144 : i32
    %mul3A_0 = arith.muli %mul3A, %arg0 : i32
    %iota3A = tpu.iota {dimensions = array<i32: 0>} : vector<16x512xi32>
    %mul3A_1 = arith.constant 512 : i32
    %mul3A_2 = vector.broadcast %mul3A_1 : i32 to vector<16x512xi32>
    %mul3A_3 = arith.muli %iota3A, %mul3A_2 : vector<16x512xi32>
    %iota3A_4 = tpu.iota {dimensions = array<i32: 1>} : vector<16x512xi32>
    %add3A = arith.addi %mul3A_3, %iota3A_4 : vector<16x512xi32>
    %broadcast_in_dim3A = arith.constant 0xFF800000 : f32
    %broadcast_in_dim3A_5 = vector.broadcast %broadcast_in_dim3A : f32 to vector<16x512xf32>
    %broadcast_in_dim3A_6 = arith.constant 0 : i32
    %broadcast_in_dim3A_7 = vector.broadcast %broadcast_in_dim3A_6 : i32 to vector<16x512xi32>
    %scan3A = arith.constant 0 : i32
    %scan3A_8 = arith.constant 32 : i32
    %scan3A_9 = arith.addi %scan3A, %scan3A_8 : i32
    %scan3A_10 = arith.constant 4 : i32
    %scan3A_11:2 = scf.for %scan3A_24 = %scan3A to %scan3A_9 step %scan3A_10 iter_args(%scan3A_25 = %broadcast_in_dim3A_5, %scan3A_26 = %broadcast_in_dim3A_7) -> (vector<16x512xf32>, vector<16x512xi32>)  : i32 {
      %mul3A_27 = arith.constant 16 : i32
      %mul3A_28 = arith.muli %scan3A_24, %mul3A_27 : i32
      %get3A = arith.constant 0 : index
      %get3A_29 = arith.index_cast %mul3A_28 : i32 to index
      %get3A_30 = arith.constant 0 : index
      %get3A_31 = vector.load %arg1[%get3A, %get3A_29, %get3A_30] : memref<1x512x512xf32, #tpu.memory_space<vmem>>, vector<1x16x512xf32>
      %get3A_32 = vector.shape_cast %get3A_31 : vector<1x16x512xf32> to vector<16x512xf32>
      %mul3A_33 = arith.constant 8192 : i32
      %mul3A_34 = arith.muli %mul3A_33, %scan3A_24 : i32
      %add3A_35 = vector.broadcast %mul3A_34 : i32 to vector<16x512xi32>
      %add3A_36 = arith.addi %add3A_35, %add3A : vector<16x512xi32>
      %add3A_37 = vector.broadcast %mul3A_0 : i32 to vector<16x512xi32>
      %add3A_38 = arith.addi %add3A_37, %add3A_36 : vector<16x512xi32>
      %broadcast_in_dim3A_39 = arith.constant 0 : i32
      %broadcast_in_dim3A_40 = vector.broadcast %broadcast_in_dim3A_39 : i32 to vector<16x512xi32>
      %add3A_41 = arith.constant 64467757 : i32
      %add3A_42 = vector.broadcast %add3A_41 : i32 to vector<16x512xi32>
      %add3A_43 = arith.addi %broadcast_in_dim3A_40, %add3A_42 : vector<16x512xi32>
      %add3A_44 = arith.constant -1378843660 : i32
      %add3A_45 = vector.broadcast %add3A_44 : i32 to vector<16x512xi32>
      %add3A_46 = arith.addi %add3A_38, %add3A_45 : vector<16x512xi32>
      %add3A_47 = arith.addi %add3A_43, %add3A_46 : vector<16x512xi32>
      %shift_left3A = arith.constant 13 : i32
      %shift_left3A_48 = vector.broadcast %shift_left3A : i32 to vector<16x512xi32>
      %shift_left3A_49 = arith.shli %add3A_46, %shift_left3A_48 : vector<16x512xi32>
      %shift_right_logical3A = arith.constant 19 : i32
      %shift_right_logical3A_50 = vector.broadcast %shift_right_logical3A : i32 to vector<16x512xi32>
      %shift_right_logical3A_51 = arith.shrui %add3A_46, %shift_right_logical3A_50 : vector<16x512xi32>
      %or3A = arith.ori %shift_left3A_49, %shift_right_logical3A_51 : vector<16x512xi32>
      %xor3A = arith.xori %or3A, %add3A_47 : vector<16x512xi32>
      %add3A_52 = arith.addi %add3A_47, %xor3A : vector<16x512xi32>
      %shift_left3A_53 = arith.constant 15 : i32
      %shift_left3A_54 = vector.broadcast %shift_left3A_53 : i32 to vector<16x512xi32>
      %shift_left3A_55 = arith.shli %xor3A, %shift_left3A_54 : vector<16x512xi32>
      %shift_right_logical3A_56 = arith.constant 17 : i32
      %shift_right_logical3A_57 = vector.broadcast %shift_right_logical3A_56 : i32 to vector<16x512xi32>
      %shift_right_logical3A_58 = arith.shrui %xor3A, %shift_right_logical3A_57 : vector<16x512xi32>
      %or3A_59 = arith.ori %shift_left3A_55, %shift_right_logical3A_58 : vector<16x512xi32>
      %xor3A_60 = arith.xori %or3A_59, %add3A_52 : vector<16x512xi32>
      %add3A_61 = arith.addi %add3A_52, %xor3A_60 : vector<16x512xi32>
      %shift_left3A_62 = arith.constant 26 : i32
      %shift_left3A_63 = vector.broadcast %shift_left3A_62 : i32 to vector<16x512xi32>
      %shift_left3A_64 = arith.shli %xor3A_60, %shift_left3A_63 : vector<16x512xi32>
      %shift_right_logical3A_65 = arith.constant 6 : i32
      %shift_right_logical3A_66 = vector.broadcast %shift_right_logical3A_65 : i32 to vector<16x512xi32>
      %shift_right_logical3A_67 = arith.shrui %xor3A_60, %shift_right_logical3A_66 : vector<16x512xi32>
      %or3A_68 = arith.ori %shift_left3A_64, %shift_right_logical3A_67 : vector<16x512xi32>
      %xor3A_69 = arith.xori %or3A_68, %add3A_61 : vector<16x512xi32>
      %add3A_70 = arith.addi %add3A_61, %xor3A_69 : vector<16x512xi32>
      %shift_left3A_71 = arith.constant 6 : i32
      %shift_left3A_72 = vector.broadcast %shift_left3A_71 : i32 to vector<16x512xi32>
      %shift_left3A_73 = arith.shli %xor3A_69, %shift_left3A_72 : vector<16x512xi32>
      %shift_right_logical3A_74 = arith.constant 26 : i32
      %shift_right_logical3A_75 = vector.broadcast %shift_right_logical3A_74 : i32 to vector<16x512xi32>
      %shift_right_logical3A_76 = arith.shrui %xor3A_69, %shift_right_logical3A_75 : vector<16x512xi32>
      %or3A_77 = arith.ori %shift_left3A_73, %shift_right_logical3A_76 : vector<16x512xi32>
      %xor3A_78 = arith.xori %or3A_77, %add3A_70 : vector<16x512xi32>
      %add3A_79 = arith.constant -1378843660 : i32
      %add3A_80 = vector.broadcast %add3A_79 : i32 to vector<16x512xi32>
      %add3A_81 = arith.addi %add3A_70, %add3A_80 : vector<16x512xi32>
      %add3A_82 = arith.constant -1244255484 : i32
      %add3A_83 = vector.broadcast %add3A_82 : i32 to vector<16x512xi32>
      %add3A_84 = arith.addi %xor3A_78, %add3A_83 : vector<16x512xi32>
      %add3A_85 = arith.addi %add3A_81, %add3A_84 : vector<16x512xi32>
      %shift_left3A_86 = arith.constant 17 : i32
      %shift_left3A_87 = vector.broadcast %shift_left3A_86 : i32 to vector<16x512xi32>
      %shift_left3A_88 = arith.shli %add3A_84, %shift_left3A_87 : vector<16x512xi32>
      %shift_right_logical3A_89 = arith.constant 15 : i32
      %shift_right_logical3A_90 = vector.broadcast %shift_right_logical3A_89 : i32 to vector<16x512xi32>
      %shift_right_logical3A_91 = arith.shrui %add3A_84, %shift_right_logical3A_90 : vector<16x512xi32>
      %or3A_92 = arith.ori %shift_left3A_88, %shift_right_logical3A_91 : vector<16x512xi32>
      %xor3A_93 = arith.xori %or3A_92, %add3A_85 : vector<16x512xi32>
      %add3A_94 = arith.addi %add3A_85, %xor3A_93 : vector<16x512xi32>
      %shift_left3A_95 = arith.constant 29 : i32
      %shift_left3A_96 = vector.broadcast %shift_left3A_95 : i32 to vector<16x512xi32>
      %shift_left3A_97 = arith.shli %xor3A_93, %shift_left3A_96 : vector<16x512xi32>
      %shift_right_logical3A_98 = arith.constant 3 : i32
      %shift_right_logical3A_99 = vector.broadcast %shift_right_logical3A_98 : i32 to vector<16x512xi32>
      %shift_right_logical3A_100 = arith.shrui %xor3A_93, %shift_right_logical3A_99 : vector<16x512xi32>
      %or3A_101 = arith.ori %shift_left3A_97, %shift_right_logical3A_100 : vector<16x512xi32>
      %xor3A_102 = arith.xori %or3A_101, %add3A_94 : vector<16x512xi32>
      %add3A_103 = arith.addi %add3A_94, %xor3A_102 : vector<16x512xi32>
      %shift_left3A_104 = arith.constant 16 : i32
      %shift_left3A_105 = vector.broadcast %shift_left3A_104 : i32 to vector<16x512xi32>
      %shift_left3A_106 = arith.shli %xor3A_102, %shift_left3A_105 : vector<16x512xi32>
      %shift_right_logical3A_107 = arith.constant 16 : i32
      %shift_right_logical3A_108 = vector.broadcast %shift_right_logical3A_107 : i32 to vector<16x512xi32>
      %shift_right_logical3A_109 = arith.shrui %xor3A_102, %shift_right_logical3A_108 : vector<16x512xi32>
      %or3A_110 = arith.ori %shift_left3A_106, %shift_right_logical3A_109 : vector<16x512xi32>
      %xor3A_111 = arith.xori %or3A_110, %add3A_103 : vector<16x512xi32>
      %add3A_112 = arith.addi %add3A_103, %xor3A_111 : vector<16x512xi32>
      %shift_left3A_113 = arith.constant 24 : i32
      %shift_left3A_114 = vector.broadcast %shift_left3A_113 : i32 to vector<16x512xi32>
      %shift_left3A_115 = arith.shli %xor3A_111, %shift_left3A_114 : vector<16x512xi32>
      %shift_right_logical3A_116 = arith.constant 8 : i32
      %shift_right_logical3A_117 = vector.broadcast %shift_right_logical3A_116 : i32 to vector<16x512xi32>
      %shift_right_logical3A_118 = arith.shrui %xor3A_111, %shift_right_logical3A_117 : vector<16x512xi32>
      %or3A_119 = arith.ori %shift_left3A_115, %shift_right_logical3A_118 : vector<16x512xi32>
      %xor3A_120 = arith.xori %or3A_119, %add3A_112 : vector<16x512xi32>
      %add3A_121 = arith.constant -1244255485 : i32
      %add3A_122 = vector.broadcast %add3A_121 : i32 to vector<16x512xi32>
      %add3A_123 = arith.addi %add3A_112, %add3A_122 : vector<16x512xi32>
      %add3A_124 = arith.constant 64467759 : i32
      %add3A_125 = vector.broadcast %add3A_124 : i32 to vector<16x512xi32>
      %add3A_126 = arith.addi %xor3A_120, %add3A_125 : vector<16x512xi32>
      %add3A_127 = arith.addi %add3A_123, %add3A_126 : vector<16x512xi32>
      %shift_left3A_128 = arith.constant 13 : i32
      %shift_left3A_129 = vector.broadcast %shift_left3A_128 : i32 to vector<16x512xi32>
      %shift_left3A_130 = arith.shli %add3A_126, %shift_left3A_129 : vector<16x512xi32>
      %shift_right_logical3A_131 = arith.constant 19 : i32
      %shift_right_logical3A_132 = vector.broadcast %shift_right_logical3A_131 : i32 to vector<16x512xi32>
      %shift_right_logical3A_133 = arith.shrui %add3A_126, %shift_right_logical3A_132 : vector<16x512xi32>
      %or3A_134 = arith.ori %shift_left3A_130, %shift_right_logical3A_133 : vector<16x512xi32>
      %xor3A_135 = arith.xori %or3A_134, %add3A_127 : vector<16x512xi32>
      %add3A_136 = arith.addi %add3A_127, %xor3A_135 : vector<16x512xi32>
      %shift_left3A_137 = arith.constant 15 : i32
      %shift_left3A_138 = vector.broadcast %shift_left3A_137 : i32 to vector<16x512xi32>
      %shift_left3A_139 = arith.shli %xor3A_135, %shift_left3A_138 : vector<16x512xi32>
      %shift_right_logical3A_140 = arith.constant 17 : i32
      %shift_right_logical3A_141 = vector.broadcast %shift_right_logical3A_140 : i32 to vector<16x512xi32>
      %shift_right_logical3A_142 = arith.shrui %xor3A_135, %shift_right_logical3A_141 : vector<16x512xi32>
      %or3A_143 = arith.ori %shift_left3A_139, %shift_right_logical3A_142 : vector<16x512xi32>
      %xor3A_144 = arith.xori %or3A_143, %add3A_136 : vector<16x512xi32>
      %add3A_145 = arith.addi %add3A_136, %xor3A_144 : vector<16x512xi32>
      %shift_left3A_146 = arith.constant 26 : i32
      %shift_left3A_147 = vector.broadcast %shift_left3A_146 : i32 to vector<16x512xi32>
      %shift_left3A_148 = arith.shli %xor3A_144, %shift_left3A_147 : vector<16x512xi32>
      %shift_right_logical3A_149 = arith.constant 6 : i32
      %shift_right_logical3A_150 = vector.broadcast %shift_right_logical3A_149 : i32 to vector<16x512xi32>
      %shift_right_logical3A_151 = arith.shrui %xor3A_144, %shift_right_logical3A_150 : vector<16x512xi32>
      %or3A_152 = arith.ori %shift_left3A_148, %shift_right_logical3A_151 : vector<16x512xi32>
      %xor3A_153 = arith.xori %or3A_152, %add3A_145 : vector<16x512xi32>
      %add3A_154 = arith.addi %add3A_145, %xor3A_153 : vector<16x512xi32>
      %shift_left3A_155 = arith.constant 6 : i32
      %shift_left3A_156 = vector.broadcast %shift_left3A_155 : i32 to vector<16x512xi32>
      %shift_left3A_157 = arith.shli %xor3A_153, %shift_left3A_156 : vector<16x512xi32>
      %shift_right_logical3A_158 = arith.constant 26 : i32
      %shift_right_logical3A_159 = vector.broadcast %shift_right_logical3A_158 : i32 to vector<16x512xi32>
      %shift_right_logical3A_160 = arith.shrui %xor3A_153, %shift_right_logical3A_159 : vector<16x512xi32>
      %or3A_161 = arith.ori %shift_left3A_157, %shift_right_logical3A_160 : vector<16x512xi32>
      %xor3A_162 = arith.xori %or3A_161, %add3A_154 : vector<16x512xi32>
      %add3A_163 = arith.constant 64467757 : i32
      %add3A_164 = vector.broadcast %add3A_163 : i32 to vector<16x512xi32>
      %add3A_165 = arith.addi %add3A_154, %add3A_164 : vector<16x512xi32>
      %add3A_166 = arith.constant -1378843657 : i32
      %add3A_167 = vector.broadcast %add3A_166 : i32 to vector<16x512xi32>
      %add3A_168 = arith.addi %xor3A_162, %add3A_167 : vector<16x512xi32>
      %add3A_169 = arith.addi %add3A_165, %add3A_168 : vector<16x512xi32>
      %shift_left3A_170 = arith.constant 17 : i32
      %shift_left3A_171 = vector.broadcast %shift_left3A_170 : i32 to vector<16x512xi32>
      %shift_left3A_172 = arith.shli %add3A_168, %shift_left3A_171 : vector<16x512xi32>
      %shift_right_logical3A_173 = arith.constant 15 : i32
      %shift_right_logical3A_174 = vector.broadcast %shift_right_logical3A_173 : i32 to vector<16x512xi32>
      %shift_right_logical3A_175 = arith.shrui %add3A_168, %shift_right_logical3A_174 : vector<16x512xi32>
      %or3A_176 = arith.ori %shift_left3A_172, %shift_right_logical3A_175 : vector<16x512xi32>
      %xor3A_177 = arith.xori %or3A_176, %add3A_169 : vector<16x512xi32>
      %add3A_178 = arith.addi %add3A_169, %xor3A_177 : vector<16x512xi32>
      %shift_left3A_179 = arith.constant 29 : i32
      %shift_left3A_180 = vector.broadcast %shift_left3A_179 : i32 to vector<16x512xi32>
      %shift_left3A_181 = arith.shli %xor3A_177, %shift_left3A_180 : vector<16x512xi32>
      %shift_right_logical3A_182 = arith.constant 3 : i32
      %shift_right_logical3A_183 = vector.broadcast %shift_right_logical3A_182 : i32 to vector<16x512xi32>
      %shift_right_logical3A_184 = arith.shrui %xor3A_177, %shift_right_logical3A_183 : vector<16x512xi32>
      %or3A_185 = arith.ori %shift_left3A_181, %shift_right_logical3A_184 : vector<16x512xi32>
      %xor3A_186 = arith.xori %or3A_185, %add3A_178 : vector<16x512xi32>
      %add3A_187 = arith.addi %add3A_178, %xor3A_186 : vector<16x512xi32>
      %shift_left3A_188 = arith.constant 16 : i32
      %shift_left3A_189 = vector.broadcast %shift_left3A_188 : i32 to vector<16x512xi32>
      %shift_left3A_190 = arith.shli %xor3A_186, %shift_left3A_189 : vector<16x512xi32>
      %shift_right_logical3A_191 = arith.constant 16 : i32
      %shift_right_logical3A_192 = vector.broadcast %shift_right_logical3A_191 : i32 to vector<16x512xi32>
      %shift_right_logical3A_193 = arith.shrui %xor3A_186, %shift_right_logical3A_192 : vector<16x512xi32>
      %or3A_194 = arith.ori %shift_left3A_190, %shift_right_logical3A_193 : vector<16x512xi32>
      %xor3A_195 = arith.xori %or3A_194, %add3A_187 : vector<16x512xi32>
      %add3A_196 = arith.addi %add3A_187, %xor3A_195 : vector<16x512xi32>
      %shift_left3A_197 = arith.constant 24 : i32
      %shift_left3A_198 = vector.broadcast %shift_left3A_197 : i32 to vector<16x512xi32>
      %shift_left3A_199 = arith.shli %xor3A_195, %shift_left3A_198 : vector<16x512xi32>
      %shift_right_logical3A_200 = arith.constant 8 : i32
      %shift_right_logical3A_201 = vector.broadcast %shift_right_logical3A_200 : i32 to vector<16x512xi32>
      %shift_right_logical3A_202 = arith.shrui %xor3A_195, %shift_right_logical3A_201 : vector<16x512xi32>
      %or3A_203 = arith.ori %shift_left3A_199, %shift_right_logical3A_202 : vector<16x512xi32>
      %xor3A_204 = arith.xori %or3A_203, %add3A_196 : vector<16x512xi32>
      %add3A_205 = arith.constant -1378843660 : i32
      %add3A_206 = vector.broadcast %add3A_205 : i32 to vector<16x512xi32>
      %add3A_207 = arith.addi %add3A_196, %add3A_206 : vector<16x512xi32>
      %add3A_208 = arith.constant -1244255481 : i32
      %add3A_209 = vector.broadcast %add3A_208 : i32 to vector<16x512xi32>
      %add3A_210 = arith.addi %xor3A_204, %add3A_209 : vector<16x512xi32>
      %add3A_211 = arith.addi %add3A_207, %add3A_210 : vector<16x512xi32>
      %shift_left3A_212 = arith.constant 13 : i32
      %shift_left3A_213 = vector.broadcast %shift_left3A_212 : i32 to vector<16x512xi32>
      %shift_left3A_214 = arith.shli %add3A_210, %shift_left3A_213 : vector<16x512xi32>
      %shift_right_logical3A_215 = arith.constant 19 : i32
      %shift_right_logical3A_216 = vector.broadcast %shift_right_logical3A_215 : i32 to vector<16x512xi32>
      %shift_right_logical3A_217 = arith.shrui %add3A_210, %shift_right_logical3A_216 : vector<16x512xi32>
      %or3A_218 = arith.ori %shift_left3A_214, %shift_right_logical3A_217 : vector<16x512xi32>
      %xor3A_219 = arith.xori %or3A_218, %add3A_211 : vector<16x512xi32>
      %add3A_220 = arith.addi %add3A_211, %xor3A_219 : vector<16x512xi32>
      %shift_left3A_221 = arith.constant 15 : i32
      %shift_left3A_222 = vector.broadcast %shift_left3A_221 : i32 to vector<16x512xi32>
      %shift_left3A_223 = arith.shli %xor3A_219, %shift_left3A_222 : vector<16x512xi32>
      %shift_right_logical3A_224 = arith.constant 17 : i32
      %shift_right_logical3A_225 = vector.broadcast %shift_right_logical3A_224 : i32 to vector<16x512xi32>
      %shift_right_logical3A_226 = arith.shrui %xor3A_219, %shift_right_logical3A_225 : vector<16x512xi32>
      %or3A_227 = arith.ori %shift_left3A_223, %shift_right_logical3A_226 : vector<16x512xi32>
      %xor3A_228 = arith.xori %or3A_227, %add3A_220 : vector<16x512xi32>
      %add3A_229 = arith.addi %add3A_220, %xor3A_228 : vector<16x512xi32>
      %shift_left3A_230 = arith.constant 26 : i32
      %shift_left3A_231 = vector.broadcast %shift_left3A_230 : i32 to vector<16x512xi32>
      %shift_left3A_232 = arith.shli %xor3A_228, %shift_left3A_231 : vector<16x512xi32>
      %shift_right_logical3A_233 = arith.constant 6 : i32
      %shift_right_logical3A_234 = vector.broadcast %shift_right_logical3A_233 : i32 to vector<16x512xi32>
      %shift_right_logical3A_235 = arith.shrui %xor3A_228, %shift_right_logical3A_234 : vector<16x512xi32>
      %or3A_236 = arith.ori %shift_left3A_232, %shift_right_logical3A_235 : vector<16x512xi32>
      %xor3A_237 = arith.xori %or3A_236, %add3A_229 : vector<16x512xi32>
      %add3A_238 = arith.addi %add3A_229, %xor3A_237 : vector<16x512xi32>
      %shift_left3A_239 = arith.constant 6 : i32
      %shift_left3A_240 = vector.broadcast %shift_left3A_239 : i32 to vector<16x512xi32>
      %shift_left3A_241 = arith.shli %xor3A_237, %shift_left3A_240 : vector<16x512xi32>
      %shift_right_logical3A_242 = arith.constant 26 : i32
      %shift_right_logical3A_243 = vector.broadcast %shift_right_logical3A_242 : i32 to vector<16x512xi32>
      %shift_right_logical3A_244 = arith.shrui %xor3A_237, %shift_right_logical3A_243 : vector<16x512xi32>
      %or3A_245 = arith.ori %shift_left3A_241, %shift_right_logical3A_244 : vector<16x512xi32>
      %xor3A_246 = arith.xori %or3A_245, %add3A_238 : vector<16x512xi32>
      %add3A_247 = arith.constant -1244255485 : i32
      %add3A_248 = vector.broadcast %add3A_247 : i32 to vector<16x512xi32>
      %add3A_249 = arith.addi %add3A_238, %add3A_248 : vector<16x512xi32>
      %add3A_250 = arith.constant 64467762 : i32
      %add3A_251 = vector.broadcast %add3A_250 : i32 to vector<16x512xi32>
      %add3A_252 = arith.addi %xor3A_246, %add3A_251 : vector<16x512xi32>
      %xor3A_253 = arith.xori %add3A_249, %add3A_252 : vector<16x512xi32>
      %shift_right_logical3A_254 = arith.constant 9 : i32
      %shift_right_logical3A_255 = vector.broadcast %shift_right_logical3A_254 : i32 to vector<16x512xi32>
      %shift_right_logical3A_256 = arith.shrui %xor3A_253, %shift_right_logical3A_255 : vector<16x512xi32>
      %or3A_257 = arith.constant 1065353216 : i32
      %or3A_258 = vector.broadcast %or3A_257 : i32 to vector<16x512xi32>
      %or3A_259 = arith.ori %shift_right_logical3A_256, %or3A_258 : vector<16x512xi32>
      %bitcast_convert_type3A = tpu.bitcast %or3A_259 : vector<16x512xi32> -> vector<16x512xf32>
      %sub3A = arith.constant 1.000000e+00 : f32
      %sub3A_260 = vector.broadcast %sub3A : f32 to vector<16x512xf32>
      %sub3A_261 = arith.subf %bitcast_convert_type3A, %sub3A_260 : vector<16x512xf32>
      %mul3A_262 = arith.constant 1.000000e+00 : f32
      %mul3A_263 = vector.broadcast %mul3A_262 : f32 to vector<16x512xf32>
      %mul3A_264 = arith.mulf %sub3A_261, %mul3A_263 : vector<16x512xf32>
      %add3A_265 = arith.constant 1.17549435E-38 : f32
      %add3A_266 = vector.broadcast %add3A_265 : f32 to vector<16x512xf32>
      %add3A_267 = arith.addf %mul3A_264, %add3A_266 : vector<16x512xf32>
      %max3A = arith.constant 1.17549435E-38 : f32
      %max3A_268 = vector.broadcast %max3A : f32 to vector<16x512xf32>
      %max3A_269 = arith.maximumf %max3A_268, %add3A_267 : vector<16x512xf32>
      %log3A = math.log %max3A_269 : vector<16x512xf32>
      %neg3A = arith.constant 0.000000e+00 : f32
      %neg3A_270 = vector.broadcast %neg3A : f32 to vector<16x512xf32>
      %neg3A_271 = arith.subf %neg3A_270, %log3A : vector<16x512xf32>
      %log3A_272 = math.log %neg3A_271 : vector<16x512xf32>
      %neg3A_273 = arith.constant 0.000000e+00 : f32
      %neg3A_274 = vector.broadcast %neg3A_273 : f32 to vector<16x512xf32>
      %neg3A_275 = arith.subf %neg3A_274, %log3A_272 : vector<16x512xf32>
      %div3A = arith.constant 1.200000e-01 : f32
      %div3A_276 = vector.broadcast %div3A : f32 to vector<16x512xf32>
      %div3A_277 = arith.divf %get3A_32, %div3A_276 : vector<16x512xf32>
      %add3A_278 = arith.addf %div3A_277, %neg3A_275 : vector<16x512xf32>
      %gt3A = arith.cmpf ogt, %add3A_278, %scan3A_25 : vector<16x512xf32>
      %select_n3A = arith.select %gt3A, %add3A_278, %scan3A_25 : vector<16x512xi1>, vector<16x512xf32>
      %select_n3A_279 = arith.select %gt3A, %add3A_36, %scan3A_26 : vector<16x512xi1>, vector<16x512xi32>
      %scan3A_280 = arith.constant 1 : i32
      %scan3A_281 = arith.addi %scan3A_24, %scan3A_280 : i32
      %mul3A_282 = arith.constant 16 : i32
      %mul3A_283 = arith.muli %scan3A_281, %mul3A_282 : i32
      %get3A_284 = arith.constant 0 : index
      %get3A_285 = arith.index_cast %mul3A_283 : i32 to index
      %get3A_286 = arith.constant 0 : index
      %get3A_287 = vector.load %arg1[%get3A_284, %get3A_285, %get3A_286] : memref<1x512x512xf32, #tpu.memory_space<vmem>>, vector<1x16x512xf32>
      %get3A_288 = vector.shape_cast %get3A_287 : vector<1x16x512xf32> to vector<16x512xf32>
      %mul3A_289 = arith.constant 8192 : i32
      %mul3A_290 = arith.muli %mul3A_289, %scan3A_281 : i32
      %add3A_291 = vector.broadcast %mul3A_290 : i32 to vector<16x512xi32>
      %add3A_292 = arith.addi %add3A_291, %add3A : vector<16x512xi32>
      %add3A_293 = vector.broadcast %mul3A_0 : i32 to vector<16x512xi32>
      %add3A_294 = arith.addi %add3A_293, %add3A_292 : vector<16x512xi32>
      %broadcast_in_dim3A_295 = arith.constant 0 : i32
      %broadcast_in_dim3A_296 = vector.broadcast %broadcast_in_dim3A_295 : i32 to vector<16x512xi32>
      %add3A_297 = arith.constant 64467757 : i32
      %add3A_298 = vector.broadcast %add3A_297 : i32 to vector<16x512xi32>
      %add3A_299 = arith.addi %broadcast_in_dim3A_296, %add3A_298 : vector<16x512xi32>
      %add3A_300 = arith.constant -1378843660 : i32
      %add3A_301 = vector.broadcast %add3A_300 : i32 to vector<16x512xi32>
      %add3A_302 = arith.addi %add3A_294, %add3A_301 : vector<16x512xi32>
      %add3A_303 = arith.addi %add3A_299, %add3A_302 : vector<16x512xi32>
      %shift_left3A_304 = arith.constant 13 : i32
      %shift_left3A_305 = vector.broadcast %shift_left3A_304 : i32 to vector<16x512xi32>
      %shift_left3A_306 = arith.shli %add3A_302, %shift_left3A_305 : vector<16x512xi32>
      %shift_right_logical3A_307 = arith.constant 19 : i32
      %shift_right_logical3A_308 = vector.broadcast %shift_right_logical3A_307 : i32 to vector<16x512xi32>
      %shift_right_logical3A_309 = arith.shrui %add3A_302, %shift_right_logical3A_308 : vector<16x512xi32>
      %or3A_310 = arith.ori %shift_left3A_306, %shift_right_logical3A_309 : vector<16x512xi32>
      %xor3A_311 = arith.xori %or3A_310, %add3A_303 : vector<16x512xi32>
      %add3A_312 = arith.addi %add3A_303, %xor3A_311 : vector<16x512xi32>
      %shift_left3A_313 = arith.constant 15 : i32
      %shift_left3A_314 = vector.broadcast %shift_left3A_313 : i32 to vector<16x512xi32>
      %shift_left3A_315 = arith.shli %xor3A_311, %shift_left3A_314 : vector<16x512xi32>
      %shift_right_logical3A_316 = arith.constant 17 : i32
      %shift_right_logical3A_317 = vector.broadcast %shift_right_logical3A_316 : i32 to vector<16x512xi32>
      %shift_right_logical3A_318 = arith.shrui %xor3A_311, %shift_right_logical3A_317 : vector<16x512xi32>
      %or3A_319 = arith.ori %shift_left3A_315, %shift_right_logical3A_318 : vector<16x512xi32>
      %xor3A_320 = arith.xori %or3A_319, %add3A_312 : vector<16x512xi32>
      %add3A_321 = arith.addi %add3A_312, %xor3A_320 : vector<16x512xi32>
      %shift_left3A_322 = arith.constant 26 : i32
      %shift_left3A_323 = vector.broadcast %shift_left3A_322 : i32 to vector<16x512xi32>
      %shift_left3A_324 = arith.shli %xor3A_320, %shift_left3A_323 : vector<16x512xi32>
      %shift_right_logical3A_325 = arith.constant 6 : i32
      %shift_right_logical3A_326 = vector.broadcast %shift_right_logical3A_325 : i32 to vector<16x512xi32>
      %shift_right_logical3A_327 = arith.shrui %xor3A_320, %shift_right_logical3A_326 : vector<16x512xi32>
      %or3A_328 = arith.ori %shift_left3A_324, %shift_right_logical3A_327 : vector<16x512xi32>
      %xor3A_329 = arith.xori %or3A_328, %add3A_321 : vector<16x512xi32>
      %add3A_330 = arith.addi %add3A_321, %xor3A_329 : vector<16x512xi32>
      %shift_left3A_331 = arith.constant 6 : i32
      %shift_left3A_332 = vector.broadcast %shift_left3A_331 : i32 to vector<16x512xi32>
      %shift_left3A_333 = arith.shli %xor3A_329, %shift_left3A_332 : vector<16x512xi32>
      %shift_right_logical3A_334 = arith.constant 26 : i32
      %shift_right_logical3A_335 = vector.broadcast %shift_right_logical3A_334 : i32 to vector<16x512xi32>
      %shift_right_logical3A_336 = arith.shrui %xor3A_329, %shift_right_logical3A_335 : vector<16x512xi32>
      %or3A_337 = arith.ori %shift_left3A_333, %shift_right_logical3A_336 : vector<16x512xi32>
      %xor3A_338 = arith.xori %or3A_337, %add3A_330 : vector<16x512xi32>
      %add3A_339 = arith.constant -1378843660 : i32
      %add3A_340 = vector.broadcast %add3A_339 : i32 to vector<16x512xi32>
      %add3A_341 = arith.addi %add3A_330, %add3A_340 : vector<16x512xi32>
      %add3A_342 = arith.constant -1244255484 : i32
      %add3A_343 = vector.broadcast %add3A_342 : i32 to vector<16x512xi32>
      %add3A_344 = arith.addi %xor3A_338, %add3A_343 : vector<16x512xi32>
      %add3A_345 = arith.addi %add3A_341, %add3A_344 : vector<16x512xi32>
      %shift_left3A_346 = arith.constant 17 : i32
      %shift_left3A_347 = vector.broadcast %shift_left3A_346 : i32 to vector<16x512xi32>
      %shift_left3A_348 = arith.shli %add3A_344, %shift_left3A_347 : vector<16x512xi32>
      %shift_right_logical3A_349 = arith.constant 15 : i32
      %shift_right_logical3A_350 = vector.broadcast %shift_right_logical3A_349 : i32 to vector<16x512xi32>
      %shift_right_logical3A_351 = arith.shrui %add3A_344, %shift_right_logical3A_350 : vector<16x512xi32>
      %or3A_352 = arith.ori %shift_left3A_348, %shift_right_logical3A_351 : vector<16x512xi32>
      %xor3A_353 = arith.xori %or3A_352, %add3A_345 : vector<16x512xi32>
      %add3A_354 = arith.addi %add3A_345, %xor3A_353 : vector<16x512xi32>
      %shift_left3A_355 = arith.constant 29 : i32
      %shift_left3A_356 = vector.broadcast %shift_left3A_355 : i32 to vector<16x512xi32>
      %shift_left3A_357 = arith.shli %xor3A_353, %shift_left3A_356 : vector<16x512xi32>
      %shift_right_logical3A_358 = arith.constant 3 : i32
      %shift_right_logical3A_359 = vector.broadcast %shift_right_logical3A_358 : i32 to vector<16x512xi32>
      %shift_right_logical3A_360 = arith.shrui %xor3A_353, %shift_right_logical3A_359 : vector<16x512xi32>
      %or3A_361 = arith.ori %shift_left3A_357, %shift_right_logical3A_360 : vector<16x512xi32>
      %xor3A_362 = arith.xori %or3A_361, %add3A_354 : vector<16x512xi32>
      %add3A_363 = arith.addi %add3A_354, %xor3A_362 : vector<16x512xi32>
      %shift_left3A_364 = arith.constant 16 : i32
      %shift_left3A_365 = vector.broadcast %shift_left3A_364 : i32 to vector<16x512xi32>
      %shift_left3A_366 = arith.shli %xor3A_362, %shift_left3A_365 : vector<16x512xi32>
      %shift_right_logical3A_367 = arith.constant 16 : i32
      %shift_right_logical3A_368 = vector.broadcast %shift_right_logical3A_367 : i32 to vector<16x512xi32>
      %shift_right_logical3A_369 = arith.shrui %xor3A_362, %shift_right_logical3A_368 : vector<16x512xi32>
      %or3A_370 = arith.ori %shift_left3A_366, %shift_right_logical3A_369 : vector<16x512xi32>
      %xor3A_371 = arith.xori %or3A_370, %add3A_363 : vector<16x512xi32>
      %add3A_372 = arith.addi %add3A_363, %xor3A_371 : vector<16x512xi32>
      %shift_left3A_373 = arith.constant 24 : i32
      %shift_left3A_374 = vector.broadcast %shift_left3A_373 : i32 to vector<16x512xi32>
      %shift_left3A_375 = arith.shli %xor3A_371, %shift_left3A_374 : vector<16x512xi32>
      %shift_right_logical3A_376 = arith.constant 8 : i32
      %shift_right_logical3A_377 = vector.broadcast %shift_right_logical3A_376 : i32 to vector<16x512xi32>
      %shift_right_logical3A_378 = arith.shrui %xor3A_371, %shift_right_logical3A_377 : vector<16x512xi32>
      %or3A_379 = arith.ori %shift_left3A_375, %shift_right_logical3A_378 : vector<16x512xi32>
      %xor3A_380 = arith.xori %or3A_379, %add3A_372 : vector<16x512xi32>
      %add3A_381 = arith.constant -1244255485 : i32
      %add3A_382 = vector.broadcast %add3A_381 : i32 to vector<16x512xi32>
      %add3A_383 = arith.addi %add3A_372, %add3A_382 : vector<16x512xi32>
      %add3A_384 = arith.constant 64467759 : i32
      %add3A_385 = vector.broadcast %add3A_384 : i32 to vector<16x512xi32>
      %add3A_386 = arith.addi %xor3A_380, %add3A_385 : vector<16x512xi32>
      %add3A_387 = arith.addi %add3A_383, %add3A_386 : vector<16x512xi32>
      %shift_left3A_388 = arith.constant 13 : i32
      %shift_left3A_389 = vector.broadcast %shift_left3A_388 : i32 to vector<16x512xi32>
      %shift_left3A_390 = arith.shli %add3A_386, %shift_left3A_389 : vector<16x512xi32>
      %shift_right_logical3A_391 = arith.constant 19 : i32
      %shift_right_logical3A_392 = vector.broadcast %shift_right_logical3A_391 : i32 to vector<16x512xi32>
      %shift_right_logical3A_393 = arith.shrui %add3A_386, %shift_right_logical3A_392 : vector<16x512xi32>
      %or3A_394 = arith.ori %shift_left3A_390, %shift_right_logical3A_393 : vector<16x512xi32>
      %xor3A_395 = arith.xori %or3A_394, %add3A_387 : vector<16x512xi32>
      %add3A_396 = arith.addi %add3A_387, %xor3A_395 : vector<16x512xi32>
      %shift_left3A_397 = arith.constant 15 : i32
      %shift_left3A_398 = vector.broadcast %shift_left3A_397 : i32 to vector<16x512xi32>
      %shift_left3A_399 = arith.shli %xor3A_395, %shift_left3A_398 : vector<16x512xi32>
      %shift_right_logical3A_400 = arith.constant 17 : i32
      %shift_right_logical3A_401 = vector.broadcast %shift_right_logical3A_400 : i32 to vector<16x512xi32>
      %shift_right_logical3A_402 = arith.shrui %xor3A_395, %shift_right_logical3A_401 : vector<16x512xi32>
      %or3A_403 = arith.ori %shift_left3A_399, %shift_right_logical3A_402 : vector<16x512xi32>
      %xor3A_404 = arith.xori %or3A_403, %add3A_396 : vector<16x512xi32>
      %add3A_405 = arith.addi %add3A_396, %xor3A_404 : vector<16x512xi32>
      %shift_left3A_406 = arith.constant 26 : i32
      %shift_left3A_407 = vector.broadcast %shift_left3A_406 : i32 to vector<16x512xi32>
      %shift_left3A_408 = arith.shli %xor3A_404, %shift_left3A_407 : vector<16x512xi32>
      %shift_right_logical3A_409 = arith.constant 6 : i32
      %shift_right_logical3A_410 = vector.broadcast %shift_right_logical3A_409 : i32 to vector<16x512xi32>
      %shift_right_logical3A_411 = arith.shrui %xor3A_404, %shift_right_logical3A_410 : vector<16x512xi32>
      %or3A_412 = arith.ori %shift_left3A_408, %shift_right_logical3A_411 : vector<16x512xi32>
      %xor3A_413 = arith.xori %or3A_412, %add3A_405 : vector<16x512xi32>
      %add3A_414 = arith.addi %add3A_405, %xor3A_413 : vector<16x512xi32>
      %shift_left3A_415 = arith.constant 6 : i32
      %shift_left3A_416 = vector.broadcast %shift_left3A_415 : i32 to vector<16x512xi32>
      %shift_left3A_417 = arith.shli %xor3A_413, %shift_left3A_416 : vector<16x512xi32>
      %shift_right_logical3A_418 = arith.constant 26 : i32
      %shift_right_logical3A_419 = vector.broadcast %shift_right_logical3A_418 : i32 to vector<16x512xi32>
      %shift_right_logical3A_420 = arith.shrui %xor3A_413, %shift_right_logical3A_419 : vector<16x512xi32>
      %or3A_421 = arith.ori %shift_left3A_417, %shift_right_logical3A_420 : vector<16x512xi32>
      %xor3A_422 = arith.xori %or3A_421, %add3A_414 : vector<16x512xi32>
      %add3A_423 = arith.constant 64467757 : i32
      %add3A_424 = vector.broadcast %add3A_423 : i32 to vector<16x512xi32>
      %add3A_425 = arith.addi %add3A_414, %add3A_424 : vector<16x512xi32>
      %add3A_426 = arith.constant -1378843657 : i32
      %add3A_427 = vector.broadcast %add3A_426 : i32 to vector<16x512xi32>
      %add3A_428 = arith.addi %xor3A_422, %add3A_427 : vector<16x512xi32>
      %add3A_429 = arith.addi %add3A_425, %add3A_428 : vector<16x512xi32>
      %shift_left3A_430 = arith.constant 17 : i32
      %shift_left3A_431 = vector.broadcast %shift_left3A_430 : i32 to vector<16x512xi32>
      %shift_left3A_432 = arith.shli %add3A_428, %shift_left3A_431 : vector<16x512xi32>
      %shift_right_logical3A_433 = arith.constant 15 : i32
      %shift_right_logical3A_434 = vector.broadcast %shift_right_logical3A_433 : i32 to vector<16x512xi32>
      %shift_right_logical3A_435 = arith.shrui %add3A_428, %shift_right_logical3A_434 : vector<16x512xi32>
      %or3A_436 = arith.ori %shift_left3A_432, %shift_right_logical3A_435 : vector<16x512xi32>
      %xor3A_437 = arith.xori %or3A_436, %add3A_429 : vector<16x512xi32>
      %add3A_438 = arith.addi %add3A_429, %xor3A_437 : vector<16x512xi32>
      %shift_left3A_439 = arith.constant 29 : i32
      %shift_left3A_440 = vector.broadcast %shift_left3A_439 : i32 to vector<16x512xi32>
      %shift_left3A_441 = arith.shli %xor3A_437, %shift_left3A_440 : vector<16x512xi32>
      %shift_right_logical3A_442 = arith.constant 3 : i32
      %shift_right_logical3A_443 = vector.broadcast %shift_right_logical3A_442 : i32 to vector<16x512xi32>
      %shift_right_logical3A_444 = arith.shrui %xor3A_437, %shift_right_logical3A_443 : vector<16x512xi32>
      %or3A_445 = arith.ori %shift_left3A_441, %shift_right_logical3A_444 : vector<16x512xi32>
      %xor3A_446 = arith.xori %or3A_445, %add3A_438 : vector<16x512xi32>
      %add3A_447 = arith.addi %add3A_438, %xor3A_446 : vector<16x512xi32>
      %shift_left3A_448 = arith.constant 16 : i32
      %shift_left3A_449 = vector.broadcast %shift_left3A_448 : i32 to vector<16x512xi32>
      %shift_left3A_450 = arith.shli %xor3A_446, %shift_left3A_449 : vector<16x512xi32>
      %shift_right_logical3A_451 = arith.constant 16 : i32
      %shift_right_logical3A_452 = vector.broadcast %shift_right_logical3A_451 : i32 to vector<16x512xi32>
      %shift_right_logical3A_453 = arith.shrui %xor3A_446, %shift_right_logical3A_452 : vector<16x512xi32>
      %or3A_454 = arith.ori %shift_left3A_450, %shift_right_logical3A_453 : vector<16x512xi32>
      %xor3A_455 = arith.xori %or3A_454, %add3A_447 : vector<16x512xi32>
      %add3A_456 = arith.addi %add3A_447, %xor3A_455 : vector<16x512xi32>
      %shift_left3A_457 = arith.constant 24 : i32
      %shift_left3A_458 = vector.broadcast %shift_left3A_457 : i32 to vector<16x512xi32>
      %shift_left3A_459 = arith.shli %xor3A_455, %shift_left3A_458 : vector<16x512xi32>
      %shift_right_logical3A_460 = arith.constant 8 : i32
      %shift_right_logical3A_461 = vector.broadcast %shift_right_logical3A_460 : i32 to vector<16x512xi32>
      %shift_right_logical3A_462 = arith.shrui %xor3A_455, %shift_right_logical3A_461 : vector<16x512xi32>
      %or3A_463 = arith.ori %shift_left3A_459, %shift_right_logical3A_462 : vector<16x512xi32>
      %xor3A_464 = arith.xori %or3A_463, %add3A_456 : vector<16x512xi32>
      %add3A_465 = arith.constant -1378843660 : i32
      %add3A_466 = vector.broadcast %add3A_465 : i32 to vector<16x512xi32>
      %add3A_467 = arith.addi %add3A_456, %add3A_466 : vector<16x512xi32>
      %add3A_468 = arith.constant -1244255481 : i32
      %add3A_469 = vector.broadcast %add3A_468 : i32 to vector<16x512xi32>
      %add3A_470 = arith.addi %xor3A_464, %add3A_469 : vector<16x512xi32>
      %add3A_471 = arith.addi %add3A_467, %add3A_470 : vector<16x512xi32>
      %shift_left3A_472 = arith.constant 13 : i32
      %shift_left3A_473 = vector.broadcast %shift_left3A_472 : i32 to vector<16x512xi32>
      %shift_left3A_474 = arith.shli %add3A_470, %shift_left3A_473 : vector<16x512xi32>
      %shift_right_logical3A_475 = arith.constant 19 : i32
      %shift_right_logical3A_476 = vector.broadcast %shift_right_logical3A_475 : i32 to vector<16x512xi32>
      %shift_right_logical3A_477 = arith.shrui %add3A_470, %shift_right_logical3A_476 : vector<16x512xi32>
      %or3A_478 = arith.ori %shift_left3A_474, %shift_right_logical3A_477 : vector<16x512xi32>
      %xor3A_479 = arith.xori %or3A_478, %add3A_471 : vector<16x512xi32>
      %add3A_480 = arith.addi %add3A_471, %xor3A_479 : vector<16x512xi32>
      %shift_left3A_481 = arith.constant 15 : i32
      %shift_left3A_482 = vector.broadcast %shift_left3A_481 : i32 to vector<16x512xi32>
      %shift_left3A_483 = arith.shli %xor3A_479, %shift_left3A_482 : vector<16x512xi32>
      %shift_right_logical3A_484 = arith.constant 17 : i32
      %shift_right_logical3A_485 = vector.broadcast %shift_right_logical3A_484 : i32 to vector<16x512xi32>
      %shift_right_logical3A_486 = arith.shrui %xor3A_479, %shift_right_logical3A_485 : vector<16x512xi32>
      %or3A_487 = arith.ori %shift_left3A_483, %shift_right_logical3A_486 : vector<16x512xi32>
      %xor3A_488 = arith.xori %or3A_487, %add3A_480 : vector<16x512xi32>
      %add3A_489 = arith.addi %add3A_480, %xor3A_488 : vector<16x512xi32>
      %shift_left3A_490 = arith.constant 26 : i32
      %shift_left3A_491 = vector.broadcast %shift_left3A_490 : i32 to vector<16x512xi32>
      %shift_left3A_492 = arith.shli %xor3A_488, %shift_left3A_491 : vector<16x512xi32>
      %shift_right_logical3A_493 = arith.constant 6 : i32
      %shift_right_logical3A_494 = vector.broadcast %shift_right_logical3A_493 : i32 to vector<16x512xi32>
      %shift_right_logical3A_495 = arith.shrui %xor3A_488, %shift_right_logical3A_494 : vector<16x512xi32>
      %or3A_496 = arith.ori %shift_left3A_492, %shift_right_logical3A_495 : vector<16x512xi32>
      %xor3A_497 = arith.xori %or3A_496, %add3A_489 : vector<16x512xi32>
      %add3A_498 = arith.addi %add3A_489, %xor3A_497 : vector<16x512xi32>
      %shift_left3A_499 = arith.constant 6 : i32
      %shift_left3A_500 = vector.broadcast %shift_left3A_499 : i32 to vector<16x512xi32>
      %shift_left3A_501 = arith.shli %xor3A_497, %shift_left3A_500 : vector<16x512xi32>
      %shift_right_logical3A_502 = arith.constant 26 : i32
      %shift_right_logical3A_503 = vector.broadcast %shift_right_logical3A_502 : i32 to vector<16x512xi32>
      %shift_right_logical3A_504 = arith.shrui %xor3A_497, %shift_right_logical3A_503 : vector<16x512xi32>
      %or3A_505 = arith.ori %shift_left3A_501, %shift_right_logical3A_504 : vector<16x512xi32>
      %xor3A_506 = arith.xori %or3A_505, %add3A_498 : vector<16x512xi32>
      %add3A_507 = arith.constant -1244255485 : i32
      %add3A_508 = vector.broadcast %add3A_507 : i32 to vector<16x512xi32>
      %add3A_509 = arith.addi %add3A_498, %add3A_508 : vector<16x512xi32>
      %add3A_510 = arith.constant 64467762 : i32
      %add3A_511 = vector.broadcast %add3A_510 : i32 to vector<16x512xi32>
      %add3A_512 = arith.addi %xor3A_506, %add3A_511 : vector<16x512xi32>
      %xor3A_513 = arith.xori %add3A_509, %add3A_512 : vector<16x512xi32>
      %shift_right_logical3A_514 = arith.constant 9 : i32
      %shift_right_logical3A_515 = vector.broadcast %shift_right_logical3A_514 : i32 to vector<16x512xi32>
      %shift_right_logical3A_516 = arith.shrui %xor3A_513, %shift_right_logical3A_515 : vector<16x512xi32>
      %or3A_517 = arith.constant 1065353216 : i32
      %or3A_518 = vector.broadcast %or3A_517 : i32 to vector<16x512xi32>
      %or3A_519 = arith.ori %shift_right_logical3A_516, %or3A_518 : vector<16x512xi32>
      %bitcast_convert_type3A_520 = tpu.bitcast %or3A_519 : vector<16x512xi32> -> vector<16x512xf32>
      %sub3A_521 = arith.constant 1.000000e+00 : f32
      %sub3A_522 = vector.broadcast %sub3A_521 : f32 to vector<16x512xf32>
      %sub3A_523 = arith.subf %bitcast_convert_type3A_520, %sub3A_522 : vector<16x512xf32>
      %mul3A_524 = arith.constant 1.000000e+00 : f32
      %mul3A_525 = vector.broadcast %mul3A_524 : f32 to vector<16x512xf32>
      %mul3A_526 = arith.mulf %sub3A_523, %mul3A_525 : vector<16x512xf32>
      %add3A_527 = arith.constant 1.17549435E-38 : f32
      %add3A_528 = vector.broadcast %add3A_527 : f32 to vector<16x512xf32>
      %add3A_529 = arith.addf %mul3A_526, %add3A_528 : vector<16x512xf32>
      %max3A_530 = arith.constant 1.17549435E-38 : f32
      %max3A_531 = vector.broadcast %max3A_530 : f32 to vector<16x512xf32>
      %max3A_532 = arith.maximumf %max3A_531, %add3A_529 : vector<16x512xf32>
      %log3A_533 = math.log %max3A_532 : vector<16x512xf32>
      %neg3A_534 = arith.constant 0.000000e+00 : f32
      %neg3A_535 = vector.broadcast %neg3A_534 : f32 to vector<16x512xf32>
      %neg3A_536 = arith.subf %neg3A_535, %log3A_533 : vector<16x512xf32>
      %log3A_537 = math.log %neg3A_536 : vector<16x512xf32>
      %neg3A_538 = arith.constant 0.000000e+00 : f32
      %neg3A_539 = vector.broadcast %neg3A_538 : f32 to vector<16x512xf32>
      %neg3A_540 = arith.subf %neg3A_539, %log3A_537 : vector<16x512xf32>
      %div3A_541 = arith.constant 1.200000e-01 : f32
      %div3A_542 = vector.broadcast %div3A_541 : f32 to vector<16x512xf32>
      %div3A_543 = arith.divf %get3A_288, %div3A_542 : vector<16x512xf32>
      %add3A_544 = arith.addf %div3A_543, %neg3A_540 : vector<16x512xf32>
      %gt3A_545 = arith.cmpf ogt, %add3A_544, %select_n3A : vector<16x512xf32>
      %select_n3A_546 = arith.select %gt3A_545, %add3A_544, %select_n3A : vector<16x512xi1>, vector<16x512xf32>
      %select_n3A_547 = arith.select %gt3A_545, %add3A_292, %select_n3A_279 : vector<16x512xi1>, vector<16x512xi32>
      %scan3A_548 = arith.constant 2 : i32
      %scan3A_549 = arith.addi %scan3A_24, %scan3A_548 : i32
      %mul3A_550 = arith.constant 16 : i32
      %mul3A_551 = arith.muli %scan3A_549, %mul3A_550 : i32
      %get3A_552 = arith.constant 0 : index
      %get3A_553 = arith.index_cast %mul3A_551 : i32 to index
      %get3A_554 = arith.constant 0 : index
      %get3A_555 = vector.load %arg1[%get3A_552, %get3A_553, %get3A_554] : memref<1x512x512xf32, #tpu.memory_space<vmem>>, vector<1x16x512xf32>
      %get3A_556 = vector.shape_cast %get3A_555 : vector<1x16x512xf32> to vector<16x512xf32>
      %mul3A_557 = arith.constant 8192 : i32
      %mul3A_558 = arith.muli %mul3A_557, %scan3A_549 : i32
      %add3A_559 = vector.broadcast %mul3A_558 : i32 to vector<16x512xi32>
      %add3A_560 = arith.addi %add3A_559, %add3A : vector<16x512xi32>
      %add3A_561 = vector.broadcast %mul3A_0 : i32 to vector<16x512xi32>
      %add3A_562 = arith.addi %add3A_561, %add3A_560 : vector<16x512xi32>
      %broadcast_in_dim3A_563 = arith.constant 0 : i32
      %broadcast_in_dim3A_564 = vector.broadcast %broadcast_in_dim3A_563 : i32 to vector<16x512xi32>
      %add3A_565 = arith.constant 64467757 : i32
      %add3A_566 = vector.broadcast %add3A_565 : i32 to vector<16x512xi32>
      %add3A_567 = arith.addi %broadcast_in_dim3A_564, %add3A_566 : vector<16x512xi32>
      %add3A_568 = arith.constant -1378843660 : i32
      %add3A_569 = vector.broadcast %add3A_568 : i32 to vector<16x512xi32>
      %add3A_570 = arith.addi %add3A_562, %add3A_569 : vector<16x512xi32>
      %add3A_571 = arith.addi %add3A_567, %add3A_570 : vector<16x512xi32>
      %shift_left3A_572 = arith.constant 13 : i32
      %shift_left3A_573 = vector.broadcast %shift_left3A_572 : i32 to vector<16x512xi32>
      %shift_left3A_574 = arith.shli %add3A_570, %shift_left3A_573 : vector<16x512xi32>
      %shift_right_logical3A_575 = arith.constant 19 : i32
      %shift_right_logical3A_576 = vector.broadcast %shift_right_logical3A_575 : i32 to vector<16x512xi32>
      %shift_right_logical3A_577 = arith.shrui %add3A_570, %shift_right_logical3A_576 : vector<16x512xi32>
      %or3A_578 = arith.ori %shift_left3A_574, %shift_right_logical3A_577 : vector<16x512xi32>
      %xor3A_579 = arith.xori %or3A_578, %add3A_571 : vector<16x512xi32>
      %add3A_580 = arith.addi %add3A_571, %xor3A_579 : vector<16x512xi32>
      %shift_left3A_581 = arith.constant 15 : i32
      %shift_left3A_582 = vector.broadcast %shift_left3A_581 : i32 to vector<16x512xi32>
      %shift_left3A_583 = arith.shli %xor3A_579, %shift_left3A_582 : vector<16x512xi32>
      %shift_right_logical3A_584 = arith.constant 17 : i32
      %shift_right_logical3A_585 = vector.broadcast %shift_right_logical3A_584 : i32 to vector<16x512xi32>
      %shift_right_logical3A_586 = arith.shrui %xor3A_579, %shift_right_logical3A_585 : vector<16x512xi32>
      %or3A_587 = arith.ori %shift_left3A_583, %shift_right_logical3A_586 : vector<16x512xi32>
      %xor3A_588 = arith.xori %or3A_587, %add3A_580 : vector<16x512xi32>
      %add3A_589 = arith.addi %add3A_580, %xor3A_588 : vector<16x512xi32>
      %shift_left3A_590 = arith.constant 26 : i32
      %shift_left3A_591 = vector.broadcast %shift_left3A_590 : i32 to vector<16x512xi32>
      %shift_left3A_592 = arith.shli %xor3A_588, %shift_left3A_591 : vector<16x512xi32>
      %shift_right_logical3A_593 = arith.constant 6 : i32
      %shift_right_logical3A_594 = vector.broadcast %shift_right_logical3A_593 : i32 to vector<16x512xi32>
      %shift_right_logical3A_595 = arith.shrui %xor3A_588, %shift_right_logical3A_594 : vector<16x512xi32>
      %or3A_596 = arith.ori %shift_left3A_592, %shift_right_logical3A_595 : vector<16x512xi32>
      %xor3A_597 = arith.xori %or3A_596, %add3A_589 : vector<16x512xi32>
      %add3A_598 = arith.addi %add3A_589, %xor3A_597 : vector<16x512xi32>
      %shift_left3A_599 = arith.constant 6 : i32
      %shift_left3A_600 = vector.broadcast %shift_left3A_599 : i32 to vector<16x512xi32>
      %shift_left3A_601 = arith.shli %xor3A_597, %shift_left3A_600 : vector<16x512xi32>
      %shift_right_logical3A_602 = arith.constant 26 : i32
      %shift_right_logical3A_603 = vector.broadcast %shift_right_logical3A_602 : i32 to vector<16x512xi32>
      %shift_right_logical3A_604 = arith.shrui %xor3A_597, %shift_right_logical3A_603 : vector<16x512xi32>
      %or3A_605 = arith.ori %shift_left3A_601, %shift_right_logical3A_604 : vector<16x512xi32>
      %xor3A_606 = arith.xori %or3A_605, %add3A_598 : vector<16x512xi32>
      %add3A_607 = arith.constant -1378843660 : i32
      %add3A_608 = vector.broadcast %add3A_607 : i32 to vector<16x512xi32>
      %add3A_609 = arith.addi %add3A_598, %add3A_608 : vector<16x512xi32>
      %add3A_610 = arith.constant -1244255484 : i32
      %add3A_611 = vector.broadcast %add3A_610 : i32 to vector<16x512xi32>
      %add3A_612 = arith.addi %xor3A_606, %add3A_611 : vector<16x512xi32>
      %add3A_613 = arith.addi %add3A_609, %add3A_612 : vector<16x512xi32>
      %shift_left3A_614 = arith.constant 17 : i32
      %shift_left3A_615 = vector.broadcast %shift_left3A_614 : i32 to vector<16x512xi32>
      %shift_left3A_616 = arith.shli %add3A_612, %shift_left3A_615 : vector<16x512xi32>
      %shift_right_logical3A_617 = arith.constant 15 : i32
      %shift_right_logical3A_618 = vector.broadcast %shift_right_logical3A_617 : i32 to vector<16x512xi32>
      %shift_right_logical3A_619 = arith.shrui %add3A_612, %shift_right_logical3A_618 : vector<16x512xi32>
      %or3A_620 = arith.ori %shift_left3A_616, %shift_right_logical3A_619 : vector<16x512xi32>
      %xor3A_621 = arith.xori %or3A_620, %add3A_613 : vector<16x512xi32>
      %add3A_622 = arith.addi %add3A_613, %xor3A_621 : vector<16x512xi32>
      %shift_left3A_623 = arith.constant 29 : i32
      %shift_left3A_624 = vector.broadcast %shift_left3A_623 : i32 to vector<16x512xi32>
      %shift_left3A_625 = arith.shli %xor3A_621, %shift_left3A_624 : vector<16x512xi32>
      %shift_right_logical3A_626 = arith.constant 3 : i32
      %shift_right_logical3A_627 = vector.broadcast %shift_right_logical3A_626 : i32 to vector<16x512xi32>
      %shift_right_logical3A_628 = arith.shrui %xor3A_621, %shift_right_logical3A_627 : vector<16x512xi32>
      %or3A_629 = arith.ori %shift_left3A_625, %shift_right_logical3A_628 : vector<16x512xi32>
      %xor3A_630 = arith.xori %or3A_629, %add3A_622 : vector<16x512xi32>
      %add3A_631 = arith.addi %add3A_622, %xor3A_630 : vector<16x512xi32>
      %shift_left3A_632 = arith.constant 16 : i32
      %shift_left3A_633 = vector.broadcast %shift_left3A_632 : i32 to vector<16x512xi32>
      %shift_left3A_634 = arith.shli %xor3A_630, %shift_left3A_633 : vector<16x512xi32>
      %shift_right_logical3A_635 = arith.constant 16 : i32
      %shift_right_logical3A_636 = vector.broadcast %shift_right_logical3A_635 : i32 to vector<16x512xi32>
      %shift_right_logical3A_637 = arith.shrui %xor3A_630, %shift_right_logical3A_636 : vector<16x512xi32>
      %or3A_638 = arith.ori %shift_left3A_634, %shift_right_logical3A_637 : vector<16x512xi32>
      %xor3A_639 = arith.xori %or3A_638, %add3A_631 : vector<16x512xi32>
      %add3A_640 = arith.addi %add3A_631, %xor3A_639 : vector<16x512xi32>
      %shift_left3A_641 = arith.constant 24 : i32
      %shift_left3A_642 = vector.broadcast %shift_left3A_641 : i32 to vector<16x512xi32>
      %shift_left3A_643 = arith.shli %xor3A_639, %shift_left3A_642 : vector<16x512xi32>
      %shift_right_logical3A_644 = arith.constant 8 : i32
      %shift_right_logical3A_645 = vector.broadcast %shift_right_logical3A_644 : i32 to vector<16x512xi32>
      %shift_right_logical3A_646 = arith.shrui %xor3A_639, %shift_right_logical3A_645 : vector<16x512xi32>
      %or3A_647 = arith.ori %shift_left3A_643, %shift_right_logical3A_646 : vector<16x512xi32>
      %xor3A_648 = arith.xori %or3A_647, %add3A_640 : vector<16x512xi32>
      %add3A_649 = arith.constant -1244255485 : i32
      %add3A_650 = vector.broadcast %add3A_649 : i32 to vector<16x512xi32>
      %add3A_651 = arith.addi %add3A_640, %add3A_650 : vector<16x512xi32>
      %add3A_652 = arith.constant 64467759 : i32
      %add3A_653 = vector.broadcast %add3A_652 : i32 to vector<16x512xi32>
      %add3A_654 = arith.addi %xor3A_648, %add3A_653 : vector<16x512xi32>
      %add3A_655 = arith.addi %add3A_651, %add3A_654 : vector<16x512xi32>
      %shift_left3A_656 = arith.constant 13 : i32
      %shift_left3A_657 = vector.broadcast %shift_left3A_656 : i32 to vector<16x512xi32>
      %shift_left3A_658 = arith.shli %add3A_654, %shift_left3A_657 : vector<16x512xi32>
      %shift_right_logical3A_659 = arith.constant 19 : i32
      %shift_right_logical3A_660 = vector.broadcast %shift_right_logical3A_659 : i32 to vector<16x512xi32>
      %shift_right_logical3A_661 = arith.shrui %add3A_654, %shift_right_logical3A_660 : vector<16x512xi32>
      %or3A_662 = arith.ori %shift_left3A_658, %shift_right_logical3A_661 : vector<16x512xi32>
      %xor3A_663 = arith.xori %or3A_662, %add3A_655 : vector<16x512xi32>
      %add3A_664 = arith.addi %add3A_655, %xor3A_663 : vector<16x512xi32>
      %shift_left3A_665 = arith.constant 15 : i32
      %shift_left3A_666 = vector.broadcast %shift_left3A_665 : i32 to vector<16x512xi32>
      %shift_left3A_667 = arith.shli %xor3A_663, %shift_left3A_666 : vector<16x512xi32>
      %shift_right_logical3A_668 = arith.constant 17 : i32
      %shift_right_logical3A_669 = vector.broadcast %shift_right_logical3A_668 : i32 to vector<16x512xi32>
      %shift_right_logical3A_670 = arith.shrui %xor3A_663, %shift_right_logical3A_669 : vector<16x512xi32>
      %or3A_671 = arith.ori %shift_left3A_667, %shift_right_logical3A_670 : vector<16x512xi32>
      %xor3A_672 = arith.xori %or3A_671, %add3A_664 : vector<16x512xi32>
      %add3A_673 = arith.addi %add3A_664, %xor3A_672 : vector<16x512xi32>
      %shift_left3A_674 = arith.constant 26 : i32
      %shift_left3A_675 = vector.broadcast %shift_left3A_674 : i32 to vector<16x512xi32>
      %shift_left3A_676 = arith.shli %xor3A_672, %shift_left3A_675 : vector<16x512xi32>
      %shift_right_logical3A_677 = arith.constant 6 : i32
      %shift_right_logical3A_678 = vector.broadcast %shift_right_logical3A_677 : i32 to vector<16x512xi32>
      %shift_right_logical3A_679 = arith.shrui %xor3A_672, %shift_right_logical3A_678 : vector<16x512xi32>
      %or3A_680 = arith.ori %shift_left3A_676, %shift_right_logical3A_679 : vector<16x512xi32>
      %xor3A_681 = arith.xori %or3A_680, %add3A_673 : vector<16x512xi32>
      %add3A_682 = arith.addi %add3A_673, %xor3A_681 : vector<16x512xi32>
      %shift_left3A_683 = arith.constant 6 : i32
      %shift_left3A_684 = vector.broadcast %shift_left3A_683 : i32 to vector<16x512xi32>
      %shift_left3A_685 = arith.shli %xor3A_681, %shift_left3A_684 : vector<16x512xi32>
      %shift_right_logical3A_686 = arith.constant 26 : i32
      %shift_right_logical3A_687 = vector.broadcast %shift_right_logical3A_686 : i32 to vector<16x512xi32>
      %shift_right_logical3A_688 = arith.shrui %xor3A_681, %shift_right_logical3A_687 : vector<16x512xi32>
      %or3A_689 = arith.ori %shift_left3A_685, %shift_right_logical3A_688 : vector<16x512xi32>
      %xor3A_690 = arith.xori %or3A_689, %add3A_682 : vector<16x512xi32>
      %add3A_691 = arith.constant 64467757 : i32
      %add3A_692 = vector.broadcast %add3A_691 : i32 to vector<16x512xi32>
      %add3A_693 = arith.addi %add3A_682, %add3A_692 : vector<16x512xi32>
      %add3A_694 = arith.constant -1378843657 : i32
      %add3A_695 = vector.broadcast %add3A_694 : i32 to vector<16x512xi32>
      %add3A_696 = arith.addi %xor3A_690, %add3A_695 : vector<16x512xi32>
      %add3A_697 = arith.addi %add3A_693, %add3A_696 : vector<16x512xi32>
      %shift_left3A_698 = arith.constant 17 : i32
      %shift_left3A_699 = vector.broadcast %shift_left3A_698 : i32 to vector<16x512xi32>
      %shift_left3A_700 = arith.shli %add3A_696, %shift_left3A_699 : vector<16x512xi32>
      %shift_right_logical3A_701 = arith.constant 15 : i32
      %shift_right_logical3A_702 = vector.broadcast %shift_right_logical3A_701 : i32 to vector<16x512xi32>
      %shift_right_logical3A_703 = arith.shrui %add3A_696, %shift_right_logical3A_702 : vector<16x512xi32>
      %or3A_704 = arith.ori %shift_left3A_700, %shift_right_logical3A_703 : vector<16x512xi32>
      %xor3A_705 = arith.xori %or3A_704, %add3A_697 : vector<16x512xi32>
      %add3A_706 = arith.addi %add3A_697, %xor3A_705 : vector<16x512xi32>
      %shift_left3A_707 = arith.constant 29 : i32
      %shift_left3A_708 = vector.broadcast %shift_left3A_707 : i32 to vector<16x512xi32>
      %shift_left3A_709 = arith.shli %xor3A_705, %shift_left3A_708 : vector<16x512xi32>
      %shift_right_logical3A_710 = arith.constant 3 : i32
      %shift_right_logical3A_711 = vector.broadcast %shift_right_logical3A_710 : i32 to vector<16x512xi32>
      %shift_right_logical3A_712 = arith.shrui %xor3A_705, %shift_right_logical3A_711 : vector<16x512xi32>
      %or3A_713 = arith.ori %shift_left3A_709, %shift_right_logical3A_712 : vector<16x512xi32>
      %xor3A_714 = arith.xori %or3A_713, %add3A_706 : vector<16x512xi32>
      %add3A_715 = arith.addi %add3A_706, %xor3A_714 : vector<16x512xi32>
      %shift_left3A_716 = arith.constant 16 : i32
      %shift_left3A_717 = vector.broadcast %shift_left3A_716 : i32 to vector<16x512xi32>
      %shift_left3A_718 = arith.shli %xor3A_714, %shift_left3A_717 : vector<16x512xi32>
      %shift_right_logical3A_719 = arith.constant 16 : i32
      %shift_right_logical3A_720 = vector.broadcast %shift_right_logical3A_719 : i32 to vector<16x512xi32>
      %shift_right_logical3A_721 = arith.shrui %xor3A_714, %shift_right_logical3A_720 : vector<16x512xi32>
      %or3A_722 = arith.ori %shift_left3A_718, %shift_right_logical3A_721 : vector<16x512xi32>
      %xor3A_723 = arith.xori %or3A_722, %add3A_715 : vector<16x512xi32>
      %add3A_724 = arith.addi %add3A_715, %xor3A_723 : vector<16x512xi32>
      %shift_left3A_725 = arith.constant 24 : i32
      %shift_left3A_726 = vector.broadcast %shift_left3A_725 : i32 to vector<16x512xi32>
      %shift_left3A_727 = arith.shli %xor3A_723, %shift_left3A_726 : vector<16x512xi32>
      %shift_right_logical3A_728 = arith.constant 8 : i32
      %shift_right_logical3A_729 = vector.broadcast %shift_right_logical3A_728 : i32 to vector<16x512xi32>
      %shift_right_logical3A_730 = arith.shrui %xor3A_723, %shift_right_logical3A_729 : vector<16x512xi32>
      %or3A_731 = arith.ori %shift_left3A_727, %shift_right_logical3A_730 : vector<16x512xi32>
      %xor3A_732 = arith.xori %or3A_731, %add3A_724 : vector<16x512xi32>
      %add3A_733 = arith.constant -1378843660 : i32
      %add3A_734 = vector.broadcast %add3A_733 : i32 to vector<16x512xi32>
      %add3A_735 = arith.addi %add3A_724, %add3A_734 : vector<16x512xi32>
      %add3A_736 = arith.constant -1244255481 : i32
      %add3A_737 = vector.broadcast %add3A_736 : i32 to vector<16x512xi32>
      %add3A_738 = arith.addi %xor3A_732, %add3A_737 : vector<16x512xi32>
      %add3A_739 = arith.addi %add3A_735, %add3A_738 : vector<16x512xi32>
      %shift_left3A_740 = arith.constant 13 : i32
      %shift_left3A_741 = vector.broadcast %shift_left3A_740 : i32 to vector<16x512xi32>
      %shift_left3A_742 = arith.shli %add3A_738, %shift_left3A_741 : vector<16x512xi32>
      %shift_right_logical3A_743 = arith.constant 19 : i32
      %shift_right_logical3A_744 = vector.broadcast %shift_right_logical3A_743 : i32 to vector<16x512xi32>
      %shift_right_logical3A_745 = arith.shrui %add3A_738, %shift_right_logical3A_744 : vector<16x512xi32>
      %or3A_746 = arith.ori %shift_left3A_742, %shift_right_logical3A_745 : vector<16x512xi32>
      %xor3A_747 = arith.xori %or3A_746, %add3A_739 : vector<16x512xi32>
      %add3A_748 = arith.addi %add3A_739, %xor3A_747 : vector<16x512xi32>
      %shift_left3A_749 = arith.constant 15 : i32
      %shift_left3A_750 = vector.broadcast %shift_left3A_749 : i32 to vector<16x512xi32>
      %shift_left3A_751 = arith.shli %xor3A_747, %shift_left3A_750 : vector<16x512xi32>
      %shift_right_logical3A_752 = arith.constant 17 : i32
      %shift_right_logical3A_753 = vector.broadcast %shift_right_logical3A_752 : i32 to vector<16x512xi32>
      %shift_right_logical3A_754 = arith.shrui %xor3A_747, %shift_right_logical3A_753 : vector<16x512xi32>
      %or3A_755 = arith.ori %shift_left3A_751, %shift_right_logical3A_754 : vector<16x512xi32>
      %xor3A_756 = arith.xori %or3A_755, %add3A_748 : vector<16x512xi32>
      %add3A_757 = arith.addi %add3A_748, %xor3A_756 : vector<16x512xi32>
      %shift_left3A_758 = arith.constant 26 : i32
      %shift_left3A_759 = vector.broadcast %shift_left3A_758 : i32 to vector<16x512xi32>
      %shift_left3A_760 = arith.shli %xor3A_756, %shift_left3A_759 : vector<16x512xi32>
      %shift_right_logical3A_761 = arith.constant 6 : i32
      %shift_right_logical3A_762 = vector.broadcast %shift_right_logical3A_761 : i32 to vector<16x512xi32>
      %shift_right_logical3A_763 = arith.shrui %xor3A_756, %shift_right_logical3A_762 : vector<16x512xi32>
      %or3A_764 = arith.ori %shift_left3A_760, %shift_right_logical3A_763 : vector<16x512xi32>
      %xor3A_765 = arith.xori %or3A_764, %add3A_757 : vector<16x512xi32>
      %add3A_766 = arith.addi %add3A_757, %xor3A_765 : vector<16x512xi32>
      %shift_left3A_767 = arith.constant 6 : i32
      %shift_left3A_768 = vector.broadcast %shift_left3A_767 : i32 to vector<16x512xi32>
      %shift_left3A_769 = arith.shli %xor3A_765, %shift_left3A_768 : vector<16x512xi32>
      %shift_right_logical3A_770 = arith.constant 26 : i32
      %shift_right_logical3A_771 = vector.broadcast %shift_right_logical3A_770 : i32 to vector<16x512xi32>
      %shift_right_logical3A_772 = arith.shrui %xor3A_765, %shift_right_logical3A_771 : vector<16x512xi32>
      %or3A_773 = arith.ori %shift_left3A_769, %shift_right_logical3A_772 : vector<16x512xi32>
      %xor3A_774 = arith.xori %or3A_773, %add3A_766 : vector<16x512xi32>
      %add3A_775 = arith.constant -1244255485 : i32
      %add3A_776 = vector.broadcast %add3A_775 : i32 to vector<16x512xi32>
      %add3A_777 = arith.addi %add3A_766, %add3A_776 : vector<16x512xi32>
      %add3A_778 = arith.constant 64467762 : i32
      %add3A_779 = vector.broadcast %add3A_778 : i32 to vector<16x512xi32>
      %add3A_780 = arith.addi %xor3A_774, %add3A_779 : vector<16x512xi32>
      %xor3A_781 = arith.xori %add3A_777, %add3A_780 : vector<16x512xi32>
      %shift_right_logical3A_782 = arith.constant 9 : i32
      %shift_right_logical3A_783 = vector.broadcast %shift_right_logical3A_782 : i32 to vector<16x512xi32>
      %shift_right_logical3A_784 = arith.shrui %xor3A_781, %shift_right_logical3A_783 : vector<16x512xi32>
      %or3A_785 = arith.constant 1065353216 : i32
      %or3A_786 = vector.broadcast %or3A_785 : i32 to vector<16x512xi32>
      %or3A_787 = arith.ori %shift_right_logical3A_784, %or3A_786 : vector<16x512xi32>
      %bitcast_convert_type3A_788 = tpu.bitcast %or3A_787 : vector<16x512xi32> -> vector<16x512xf32>
      %sub3A_789 = arith.constant 1.000000e+00 : f32
      %sub3A_790 = vector.broadcast %sub3A_789 : f32 to vector<16x512xf32>
      %sub3A_791 = arith.subf %bitcast_convert_type3A_788, %sub3A_790 : vector<16x512xf32>
      %mul3A_792 = arith.constant 1.000000e+00 : f32
      %mul3A_793 = vector.broadcast %mul3A_792 : f32 to vector<16x512xf32>
      %mul3A_794 = arith.mulf %sub3A_791, %mul3A_793 : vector<16x512xf32>
      %add3A_795 = arith.constant 1.17549435E-38 : f32
      %add3A_796 = vector.broadcast %add3A_795 : f32 to vector<16x512xf32>
      %add3A_797 = arith.addf %mul3A_794, %add3A_796 : vector<16x512xf32>
      %max3A_798 = arith.constant 1.17549435E-38 : f32
      %max3A_799 = vector.broadcast %max3A_798 : f32 to vector<16x512xf32>
      %max3A_800 = arith.maximumf %max3A_799, %add3A_797 : vector<16x512xf32>
      %log3A_801 = math.log %max3A_800 : vector<16x512xf32>
      %neg3A_802 = arith.constant 0.000000e+00 : f32
      %neg3A_803 = vector.broadcast %neg3A_802 : f32 to vector<16x512xf32>
      %neg3A_804 = arith.subf %neg3A_803, %log3A_801 : vector<16x512xf32>
      %log3A_805 = math.log %neg3A_804 : vector<16x512xf32>
      %neg3A_806 = arith.constant 0.000000e+00 : f32
      %neg3A_807 = vector.broadcast %neg3A_806 : f32 to vector<16x512xf32>
      %neg3A_808 = arith.subf %neg3A_807, %log3A_805 : vector<16x512xf32>
      %div3A_809 = arith.constant 1.200000e-01 : f32
      %div3A_810 = vector.broadcast %div3A_809 : f32 to vector<16x512xf32>
      %div3A_811 = arith.divf %get3A_556, %div3A_810 : vector<16x512xf32>
      %add3A_812 = arith.addf %div3A_811, %neg3A_808 : vector<16x512xf32>
      %gt3A_813 = arith.cmpf ogt, %add3A_812, %select_n3A_546 : vector<16x512xf32>
      %select_n3A_814 = arith.select %gt3A_813, %add3A_812, %select_n3A_546 : vector<16x512xi1>, vector<16x512xf32>
      %select_n3A_815 = arith.select %gt3A_813, %add3A_560, %select_n3A_547 : vector<16x512xi1>, vector<16x512xi32>
      %scan3A_816 = arith.constant 3 : i32
      %scan3A_817 = arith.addi %scan3A_24, %scan3A_816 : i32
      %mul3A_818 = arith.constant 16 : i32
      %mul3A_819 = arith.muli %scan3A_817, %mul3A_818 : i32
      %get3A_820 = arith.constant 0 : index
      %get3A_821 = arith.index_cast %mul3A_819 : i32 to index
      %get3A_822 = arith.constant 0 : index
      %get3A_823 = vector.load %arg1[%get3A_820, %get3A_821, %get3A_822] : memref<1x512x512xf32, #tpu.memory_space<vmem>>, vector<1x16x512xf32>
      %get3A_824 = vector.shape_cast %get3A_823 : vector<1x16x512xf32> to vector<16x512xf32>
      %mul3A_825 = arith.constant 8192 : i32
      %mul3A_826 = arith.muli %mul3A_825, %scan3A_817 : i32
      %add3A_827 = vector.broadcast %mul3A_826 : i32 to vector<16x512xi32>
      %add3A_828 = arith.addi %add3A_827, %add3A : vector<16x512xi32>
      %add3A_829 = vector.broadcast %mul3A_0 : i32 to vector<16x512xi32>
      %add3A_830 = arith.addi %add3A_829, %add3A_828 : vector<16x512xi32>
      %broadcast_in_dim3A_831 = arith.constant 0 : i32
      %broadcast_in_dim3A_832 = vector.broadcast %broadcast_in_dim3A_831 : i32 to vector<16x512xi32>
      %add3A_833 = arith.constant 64467757 : i32
      %add3A_834 = vector.broadcast %add3A_833 : i32 to vector<16x512xi32>
      %add3A_835 = arith.addi %broadcast_in_dim3A_832, %add3A_834 : vector<16x512xi32>
      %add3A_836 = arith.constant -1378843660 : i32
      %add3A_837 = vector.broadcast %add3A_836 : i32 to vector<16x512xi32>
      %add3A_838 = arith.addi %add3A_830, %add3A_837 : vector<16x512xi32>
      %add3A_839 = arith.addi %add3A_835, %add3A_838 : vector<16x512xi32>
      %shift_left3A_840 = arith.constant 13 : i32
      %shift_left3A_841 = vector.broadcast %shift_left3A_840 : i32 to vector<16x512xi32>
      %shift_left3A_842 = arith.shli %add3A_838, %shift_left3A_841 : vector<16x512xi32>
      %shift_right_logical3A_843 = arith.constant 19 : i32
      %shift_right_logical3A_844 = vector.broadcast %shift_right_logical3A_843 : i32 to vector<16x512xi32>
      %shift_right_logical3A_845 = arith.shrui %add3A_838, %shift_right_logical3A_844 : vector<16x512xi32>
      %or3A_846 = arith.ori %shift_left3A_842, %shift_right_logical3A_845 : vector<16x512xi32>
      %xor3A_847 = arith.xori %or3A_846, %add3A_839 : vector<16x512xi32>
      %add3A_848 = arith.addi %add3A_839, %xor3A_847 : vector<16x512xi32>
      %shift_left3A_849 = arith.constant 15 : i32
      %shift_left3A_850 = vector.broadcast %shift_left3A_849 : i32 to vector<16x512xi32>
      %shift_left3A_851 = arith.shli %xor3A_847, %shift_left3A_850 : vector<16x512xi32>
      %shift_right_logical3A_852 = arith.constant 17 : i32
      %shift_right_logical3A_853 = vector.broadcast %shift_right_logical3A_852 : i32 to vector<16x512xi32>
      %shift_right_logical3A_854 = arith.shrui %xor3A_847, %shift_right_logical3A_853 : vector<16x512xi32>
      %or3A_855 = arith.ori %shift_left3A_851, %shift_right_logical3A_854 : vector<16x512xi32>
      %xor3A_856 = arith.xori %or3A_855, %add3A_848 : vector<16x512xi32>
      %add3A_857 = arith.addi %add3A_848, %xor3A_856 : vector<16x512xi32>
      %shift_left3A_858 = arith.constant 26 : i32
      %shift_left3A_859 = vector.broadcast %shift_left3A_858 : i32 to vector<16x512xi32>
      %shift_left3A_860 = arith.shli %xor3A_856, %shift_left3A_859 : vector<16x512xi32>
      %shift_right_logical3A_861 = arith.constant 6 : i32
      %shift_right_logical3A_862 = vector.broadcast %shift_right_logical3A_861 : i32 to vector<16x512xi32>
      %shift_right_logical3A_863 = arith.shrui %xor3A_856, %shift_right_logical3A_862 : vector<16x512xi32>
      %or3A_864 = arith.ori %shift_left3A_860, %shift_right_logical3A_863 : vector<16x512xi32>
      %xor3A_865 = arith.xori %or3A_864, %add3A_857 : vector<16x512xi32>
      %add3A_866 = arith.addi %add3A_857, %xor3A_865 : vector<16x512xi32>
      %shift_left3A_867 = arith.constant 6 : i32
      %shift_left3A_868 = vector.broadcast %shift_left3A_867 : i32 to vector<16x512xi32>
      %shift_left3A_869 = arith.shli %xor3A_865, %shift_left3A_868 : vector<16x512xi32>
      %shift_right_logical3A_870 = arith.constant 26 : i32
      %shift_right_logical3A_871 = vector.broadcast %shift_right_logical3A_870 : i32 to vector<16x512xi32>
      %shift_right_logical3A_872 = arith.shrui %xor3A_865, %shift_right_logical3A_871 : vector<16x512xi32>
      %or3A_873 = arith.ori %shift_left3A_869, %shift_right_logical3A_872 : vector<16x512xi32>
      %xor3A_874 = arith.xori %or3A_873, %add3A_866 : vector<16x512xi32>
      %add3A_875 = arith.constant -1378843660 : i32
      %add3A_876 = vector.broadcast %add3A_875 : i32 to vector<16x512xi32>
      %add3A_877 = arith.addi %add3A_866, %add3A_876 : vector<16x512xi32>
      %add3A_878 = arith.constant -1244255484 : i32
      %add3A_879 = vector.broadcast %add3A_878 : i32 to vector<16x512xi32>
      %add3A_880 = arith.addi %xor3A_874, %add3A_879 : vector<16x512xi32>
      %add3A_881 = arith.addi %add3A_877, %add3A_880 : vector<16x512xi32>
      %shift_left3A_882 = arith.constant 17 : i32
      %shift_left3A_883 = vector.broadcast %shift_left3A_882 : i32 to vector<16x512xi32>
      %shift_left3A_884 = arith.shli %add3A_880, %shift_left3A_883 : vector<16x512xi32>
      %shift_right_logical3A_885 = arith.constant 15 : i32
      %shift_right_logical3A_886 = vector.broadcast %shift_right_logical3A_885 : i32 to vector<16x512xi32>
      %shift_right_logical3A_887 = arith.shrui %add3A_880, %shift_right_logical3A_886 : vector<16x512xi32>
      %or3A_888 = arith.ori %shift_left3A_884, %shift_right_logical3A_887 : vector<16x512xi32>
      %xor3A_889 = arith.xori %or3A_888, %add3A_881 : vector<16x512xi32>
      %add3A_890 = arith.addi %add3A_881, %xor3A_889 : vector<16x512xi32>
      %shift_left3A_891 = arith.constant 29 : i32
      %shift_left3A_892 = vector.broadcast %shift_left3A_891 : i32 to vector<16x512xi32>
      %shift_left3A_893 = arith.shli %xor3A_889, %shift_left3A_892 : vector<16x512xi32>
      %shift_right_logical3A_894 = arith.constant 3 : i32
      %shift_right_logical3A_895 = vector.broadcast %shift_right_logical3A_894 : i32 to vector<16x512xi32>
      %shift_right_logical3A_896 = arith.shrui %xor3A_889, %shift_right_logical3A_895 : vector<16x512xi32>
      %or3A_897 = arith.ori %shift_left3A_893, %shift_right_logical3A_896 : vector<16x512xi32>
      %xor3A_898 = arith.xori %or3A_897, %add3A_890 : vector<16x512xi32>
      %add3A_899 = arith.addi %add3A_890, %xor3A_898 : vector<16x512xi32>
      %shift_left3A_900 = arith.constant 16 : i32
      %shift_left3A_901 = vector.broadcast %shift_left3A_900 : i32 to vector<16x512xi32>
      %shift_left3A_902 = arith.shli %xor3A_898, %shift_left3A_901 : vector<16x512xi32>
      %shift_right_logical3A_903 = arith.constant 16 : i32
      %shift_right_logical3A_904 = vector.broadcast %shift_right_logical3A_903 : i32 to vector<16x512xi32>
      %shift_right_logical3A_905 = arith.shrui %xor3A_898, %shift_right_logical3A_904 : vector<16x512xi32>
      %or3A_906 = arith.ori %shift_left3A_902, %shift_right_logical3A_905 : vector<16x512xi32>
      %xor3A_907 = arith.xori %or3A_906, %add3A_899 : vector<16x512xi32>
      %add3A_908 = arith.addi %add3A_899, %xor3A_907 : vector<16x512xi32>
      %shift_left3A_909 = arith.constant 24 : i32
      %shift_left3A_910 = vector.broadcast %shift_left3A_909 : i32 to vector<16x512xi32>
      %shift_left3A_911 = arith.shli %xor3A_907, %shift_left3A_910 : vector<16x512xi32>
      %shift_right_logical3A_912 = arith.constant 8 : i32
      %shift_right_logical3A_913 = vector.broadcast %shift_right_logical3A_912 : i32 to vector<16x512xi32>
      %shift_right_logical3A_914 = arith.shrui %xor3A_907, %shift_right_logical3A_913 : vector<16x512xi32>
      %or3A_915 = arith.ori %shift_left3A_911, %shift_right_logical3A_914 : vector<16x512xi32>
      %xor3A_916 = arith.xori %or3A_915, %add3A_908 : vector<16x512xi32>
      %add3A_917 = arith.constant -1244255485 : i32
      %add3A_918 = vector.broadcast %add3A_917 : i32 to vector<16x512xi32>
      %add3A_919 = arith.addi %add3A_908, %add3A_918 : vector<16x512xi32>
      %add3A_920 = arith.constant 64467759 : i32
      %add3A_921 = vector.broadcast %add3A_920 : i32 to vector<16x512xi32>
      %add3A_922 = arith.addi %xor3A_916, %add3A_921 : vector<16x512xi32>
      %add3A_923 = arith.addi %add3A_919, %add3A_922 : vector<16x512xi32>
      %shift_left3A_924 = arith.constant 13 : i32
      %shift_left3A_925 = vector.broadcast %shift_left3A_924 : i32 to vector<16x512xi32>
      %shift_left3A_926 = arith.shli %add3A_922, %shift_left3A_925 : vector<16x512xi32>
      %shift_right_logical3A_927 = arith.constant 19 : i32
      %shift_right_logical3A_928 = vector.broadcast %shift_right_logical3A_927 : i32 to vector<16x512xi32>
      %shift_right_logical3A_929 = arith.shrui %add3A_922, %shift_right_logical3A_928 : vector<16x512xi32>
      %or3A_930 = arith.ori %shift_left3A_926, %shift_right_logical3A_929 : vector<16x512xi32>
      %xor3A_931 = arith.xori %or3A_930, %add3A_923 : vector<16x512xi32>
      %add3A_932 = arith.addi %add3A_923, %xor3A_931 : vector<16x512xi32>
      %shift_left3A_933 = arith.constant 15 : i32
      %shift_left3A_934 = vector.broadcast %shift_left3A_933 : i32 to vector<16x512xi32>
      %shift_left3A_935 = arith.shli %xor3A_931, %shift_left3A_934 : vector<16x512xi32>
      %shift_right_logical3A_936 = arith.constant 17 : i32
      %shift_right_logical3A_937 = vector.broadcast %shift_right_logical3A_936 : i32 to vector<16x512xi32>
      %shift_right_logical3A_938 = arith.shrui %xor3A_931, %shift_right_logical3A_937 : vector<16x512xi32>
      %or3A_939 = arith.ori %shift_left3A_935, %shift_right_logical3A_938 : vector<16x512xi32>
      %xor3A_940 = arith.xori %or3A_939, %add3A_932 : vector<16x512xi32>
      %add3A_941 = arith.addi %add3A_932, %xor3A_940 : vector<16x512xi32>
      %shift_left3A_942 = arith.constant 26 : i32
      %shift_left3A_943 = vector.broadcast %shift_left3A_942 : i32 to vector<16x512xi32>
      %shift_left3A_944 = arith.shli %xor3A_940, %shift_left3A_943 : vector<16x512xi32>
      %shift_right_logical3A_945 = arith.constant 6 : i32
      %shift_right_logical3A_946 = vector.broadcast %shift_right_logical3A_945 : i32 to vector<16x512xi32>
      %shift_right_logical3A_947 = arith.shrui %xor3A_940, %shift_right_logical3A_946 : vector<16x512xi32>
      %or3A_948 = arith.ori %shift_left3A_944, %shift_right_logical3A_947 : vector<16x512xi32>
      %xor3A_949 = arith.xori %or3A_948, %add3A_941 : vector<16x512xi32>
      %add3A_950 = arith.addi %add3A_941, %xor3A_949 : vector<16x512xi32>
      %shift_left3A_951 = arith.constant 6 : i32
      %shift_left3A_952 = vector.broadcast %shift_left3A_951 : i32 to vector<16x512xi32>
      %shift_left3A_953 = arith.shli %xor3A_949, %shift_left3A_952 : vector<16x512xi32>
      %shift_right_logical3A_954 = arith.constant 26 : i32
      %shift_right_logical3A_955 = vector.broadcast %shift_right_logical3A_954 : i32 to vector<16x512xi32>
      %shift_right_logical3A_956 = arith.shrui %xor3A_949, %shift_right_logical3A_955 : vector<16x512xi32>
      %or3A_957 = arith.ori %shift_left3A_953, %shift_right_logical3A_956 : vector<16x512xi32>
      %xor3A_958 = arith.xori %or3A_957, %add3A_950 : vector<16x512xi32>
      %add3A_959 = arith.constant 64467757 : i32
      %add3A_960 = vector.broadcast %add3A_959 : i32 to vector<16x512xi32>
      %add3A_961 = arith.addi %add3A_950, %add3A_960 : vector<16x512xi32>
      %add3A_962 = arith.constant -1378843657 : i32
      %add3A_963 = vector.broadcast %add3A_962 : i32 to vector<16x512xi32>
      %add3A_964 = arith.addi %xor3A_958, %add3A_963 : vector<16x512xi32>
      %add3A_965 = arith.addi %add3A_961, %add3A_964 : vector<16x512xi32>
      %shift_left3A_966 = arith.constant 17 : i32
      %shift_left3A_967 = vector.broadcast %shift_left3A_966 : i32 to vector<16x512xi32>
      %shift_left3A_968 = arith.shli %add3A_964, %shift_left3A_967 : vector<16x512xi32>
      %shift_right_logical3A_969 = arith.constant 15 : i32
      %shift_right_logical3A_970 = vector.broadcast %shift_right_logical3A_969 : i32 to vector<16x512xi32>
      %shift_right_logical3A_971 = arith.shrui %add3A_964, %shift_right_logical3A_970 : vector<16x512xi32>
      %or3A_972 = arith.ori %shift_left3A_968, %shift_right_logical3A_971 : vector<16x512xi32>
      %xor3A_973 = arith.xori %or3A_972, %add3A_965 : vector<16x512xi32>
      %add3A_974 = arith.addi %add3A_965, %xor3A_973 : vector<16x512xi32>
      %shift_left3A_975 = arith.constant 29 : i32
      %shift_left3A_976 = vector.broadcast %shift_left3A_975 : i32 to vector<16x512xi32>
      %shift_left3A_977 = arith.shli %xor3A_973, %shift_left3A_976 : vector<16x512xi32>
      %shift_right_logical3A_978 = arith.constant 3 : i32
      %shift_right_logical3A_979 = vector.broadcast %shift_right_logical3A_978 : i32 to vector<16x512xi32>
      %shift_right_logical3A_980 = arith.shrui %xor3A_973, %shift_right_logical3A_979 : vector<16x512xi32>
      %or3A_981 = arith.ori %shift_left3A_977, %shift_right_logical3A_980 : vector<16x512xi32>
      %xor3A_982 = arith.xori %or3A_981, %add3A_974 : vector<16x512xi32>
      %add3A_983 = arith.addi %add3A_974, %xor3A_982 : vector<16x512xi32>
      %shift_left3A_984 = arith.constant 16 : i32
      %shift_left3A_985 = vector.broadcast %shift_left3A_984 : i32 to vector<16x512xi32>
      %shift_left3A_986 = arith.shli %xor3A_982, %shift_left3A_985 : vector<16x512xi32>
      %shift_right_logical3A_987 = arith.constant 16 : i32
      %shift_right_logical3A_988 = vector.broadcast %shift_right_logical3A_987 : i32 to vector<16x512xi32>
      %shift_right_logical3A_989 = arith.shrui %xor3A_982, %shift_right_logical3A_988 : vector<16x512xi32>
      %or3A_990 = arith.ori %shift_left3A_986, %shift_right_logical3A_989 : vector<16x512xi32>
      %xor3A_991 = arith.xori %or3A_990, %add3A_983 : vector<16x512xi32>
      %add3A_992 = arith.addi %add3A_983, %xor3A_991 : vector<16x512xi32>
      %shift_left3A_993 = arith.constant 24 : i32
      %shift_left3A_994 = vector.broadcast %shift_left3A_993 : i32 to vector<16x512xi32>
      %shift_left3A_995 = arith.shli %xor3A_991, %shift_left3A_994 : vector<16x512xi32>
      %shift_right_logical3A_996 = arith.constant 8 : i32
      %shift_right_logical3A_997 = vector.broadcast %shift_right_logical3A_996 : i32 to vector<16x512xi32>
      %shift_right_logical3A_998 = arith.shrui %xor3A_991, %shift_right_logical3A_997 : vector<16x512xi32>
      %or3A_999 = arith.ori %shift_left3A_995, %shift_right_logical3A_998 : vector<16x512xi32>
      %xor3A_1000 = arith.xori %or3A_999, %add3A_992 : vector<16x512xi32>
      %add3A_1001 = arith.constant -1378843660 : i32
      %add3A_1002 = vector.broadcast %add3A_1001 : i32 to vector<16x512xi32>
      %add3A_1003 = arith.addi %add3A_992, %add3A_1002 : vector<16x512xi32>
      %add3A_1004 = arith.constant -1244255481 : i32
      %add3A_1005 = vector.broadcast %add3A_1004 : i32 to vector<16x512xi32>
      %add3A_1006 = arith.addi %xor3A_1000, %add3A_1005 : vector<16x512xi32>
      %add3A_1007 = arith.addi %add3A_1003, %add3A_1006 : vector<16x512xi32>
      %shift_left3A_1008 = arith.constant 13 : i32
      %shift_left3A_1009 = vector.broadcast %shift_left3A_1008 : i32 to vector<16x512xi32>
      %shift_left3A_1010 = arith.shli %add3A_1006, %shift_left3A_1009 : vector<16x512xi32>
      %shift_right_logical3A_1011 = arith.constant 19 : i32
      %shift_right_logical3A_1012 = vector.broadcast %shift_right_logical3A_1011 : i32 to vector<16x512xi32>
      %shift_right_logical3A_1013 = arith.shrui %add3A_1006, %shift_right_logical3A_1012 : vector<16x512xi32>
      %or3A_1014 = arith.ori %shift_left3A_1010, %shift_right_logical3A_1013 : vector<16x512xi32>
      %xor3A_1015 = arith.xori %or3A_1014, %add3A_1007 : vector<16x512xi32>
      %add3A_1016 = arith.addi %add3A_1007, %xor3A_1015 : vector<16x512xi32>
      %shift_left3A_1017 = arith.constant 15 : i32
      %shift_left3A_1018 = vector.broadcast %shift_left3A_1017 : i32 to vector<16x512xi32>
      %shift_left3A_1019 = arith.shli %xor3A_1015, %shift_left3A_1018 : vector<16x512xi32>
      %shift_right_logical3A_1020 = arith.constant 17 : i32
      %shift_right_logical3A_1021 = vector.broadcast %shift_right_logical3A_1020 : i32 to vector<16x512xi32>
      %shift_right_logical3A_1022 = arith.shrui %xor3A_1015, %shift_right_logical3A_1021 : vector<16x512xi32>
      %or3A_1023 = arith.ori %shift_left3A_1019, %shift_right_logical3A_1022 : vector<16x512xi32>
      %xor3A_1024 = arith.xori %or3A_1023, %add3A_1016 : vector<16x512xi32>
      %add3A_1025 = arith.addi %add3A_1016, %xor3A_1024 : vector<16x512xi32>
      %shift_left3A_1026 = arith.constant 26 : i32
      %shift_left3A_1027 = vector.broadcast %shift_left3A_1026 : i32 to vector<16x512xi32>
      %shift_left3A_1028 = arith.shli %xor3A_1024, %shift_left3A_1027 : vector<16x512xi32>
      %shift_right_logical3A_1029 = arith.constant 6 : i32
      %shift_right_logical3A_1030 = vector.broadcast %shift_right_logical3A_1029 : i32 to vector<16x512xi32>
      %shift_right_logical3A_1031 = arith.shrui %xor3A_1024, %shift_right_logical3A_1030 : vector<16x512xi32>
      %or3A_1032 = arith.ori %shift_left3A_1028, %shift_right_logical3A_1031 : vector<16x512xi32>
      %xor3A_1033 = arith.xori %or3A_1032, %add3A_1025 : vector<16x512xi32>
      %add3A_1034 = arith.addi %add3A_1025, %xor3A_1033 : vector<16x512xi32>
      %shift_left3A_1035 = arith.constant 6 : i32
      %shift_left3A_1036 = vector.broadcast %shift_left3A_1035 : i32 to vector<16x512xi32>
      %shift_left3A_1037 = arith.shli %xor3A_1033, %shift_left3A_1036 : vector<16x512xi32>
      %shift_right_logical3A_1038 = arith.constant 26 : i32
      %shift_right_logical3A_1039 = vector.broadcast %shift_right_logical3A_1038 : i32 to vector<16x512xi32>
      %shift_right_logical3A_1040 = arith.shrui %xor3A_1033, %shift_right_logical3A_1039 : vector<16x512xi32>
      %or3A_1041 = arith.ori %shift_left3A_1037, %shift_right_logical3A_1040 : vector<16x512xi32>
      %xor3A_1042 = arith.xori %or3A_1041, %add3A_1034 : vector<16x512xi32>
      %add3A_1043 = arith.constant -1244255485 : i32
      %add3A_1044 = vector.broadcast %add3A_1043 : i32 to vector<16x512xi32>
      %add3A_1045 = arith.addi %add3A_1034, %add3A_1044 : vector<16x512xi32>
      %add3A_1046 = arith.constant 64467762 : i32
      %add3A_1047 = vector.broadcast %add3A_1046 : i32 to vector<16x512xi32>
      %add3A_1048 = arith.addi %xor3A_1042, %add3A_1047 : vector<16x512xi32>
      %xor3A_1049 = arith.xori %add3A_1045, %add3A_1048 : vector<16x512xi32>
      %shift_right_logical3A_1050 = arith.constant 9 : i32
      %shift_right_logical3A_1051 = vector.broadcast %shift_right_logical3A_1050 : i32 to vector<16x512xi32>
      %shift_right_logical3A_1052 = arith.shrui %xor3A_1049, %shift_right_logical3A_1051 : vector<16x512xi32>
      %or3A_1053 = arith.constant 1065353216 : i32
      %or3A_1054 = vector.broadcast %or3A_1053 : i32 to vector<16x512xi32>
      %or3A_1055 = arith.ori %shift_right_logical3A_1052, %or3A_1054 : vector<16x512xi32>
      %bitcast_convert_type3A_1056 = tpu.bitcast %or3A_1055 : vector<16x512xi32> -> vector<16x512xf32>
      %sub3A_1057 = arith.constant 1.000000e+00 : f32
      %sub3A_1058 = vector.broadcast %sub3A_1057 : f32 to vector<16x512xf32>
      %sub3A_1059 = arith.subf %bitcast_convert_type3A_1056, %sub3A_1058 : vector<16x512xf32>
      %mul3A_1060 = arith.constant 1.000000e+00 : f32
      %mul3A_1061 = vector.broadcast %mul3A_1060 : f32 to vector<16x512xf32>
      %mul3A_1062 = arith.mulf %sub3A_1059, %mul3A_1061 : vector<16x512xf32>
      %add3A_1063 = arith.constant 1.17549435E-38 : f32
      %add3A_1064 = vector.broadcast %add3A_1063 : f32 to vector<16x512xf32>
      %add3A_1065 = arith.addf %mul3A_1062, %add3A_1064 : vector<16x512xf32>
      %max3A_1066 = arith.constant 1.17549435E-38 : f32
      %max3A_1067 = vector.broadcast %max3A_1066 : f32 to vector<16x512xf32>
      %max3A_1068 = arith.maximumf %max3A_1067, %add3A_1065 : vector<16x512xf32>
      %log3A_1069 = math.log %max3A_1068 : vector<16x512xf32>
      %neg3A_1070 = arith.constant 0.000000e+00 : f32
      %neg3A_1071 = vector.broadcast %neg3A_1070 : f32 to vector<16x512xf32>
      %neg3A_1072 = arith.subf %neg3A_1071, %log3A_1069 : vector<16x512xf32>
      %log3A_1073 = math.log %neg3A_1072 : vector<16x512xf32>
      %neg3A_1074 = arith.constant 0.000000e+00 : f32
      %neg3A_1075 = vector.broadcast %neg3A_1074 : f32 to vector<16x512xf32>
      %neg3A_1076 = arith.subf %neg3A_1075, %log3A_1073 : vector<16x512xf32>
      %div3A_1077 = arith.constant 1.200000e-01 : f32
      %div3A_1078 = vector.broadcast %div3A_1077 : f32 to vector<16x512xf32>
      %div3A_1079 = arith.divf %get3A_824, %div3A_1078 : vector<16x512xf32>
      %add3A_1080 = arith.addf %div3A_1079, %neg3A_1076 : vector<16x512xf32>
      %gt3A_1081 = arith.cmpf ogt, %add3A_1080, %select_n3A_814 : vector<16x512xf32>
      %select_n3A_1082 = arith.select %gt3A_1081, %add3A_1080, %select_n3A_814 : vector<16x512xi1>, vector<16x512xf32>
      %select_n3A_1083 = arith.select %gt3A_1081, %add3A_828, %select_n3A_815 : vector<16x512xi1>, vector<16x512xi32>
      scf.yield %select_n3A_1082, %select_n3A_1083 : vector<16x512xf32>, vector<16x512xi32>
    }
    %scan3A_12 = arith.constant 32 : i32
    %swap3A = arith.constant 0 : index
    %swap3A_13 = arith.constant 0 : index
    %swap3A_14 = arith.constant 0 : index
    %swap3A_15 = vector.load %arg2[%swap3A, %swap3A_13, %swap3A_14] : memref<1x16x512xf32, #tpu.memory_space<vmem>>, vector<1x16x512xf32>
    %swap3A_16 = vector.shape_cast %swap3A_15 : vector<1x16x512xf32> to vector<16x512xf32>
    %swap3A_17 = vector.shape_cast %scan3A_11#0 : vector<16x512xf32> to vector<1x16x512xf32>
    tpu.vector_store %arg2[%swap3A, %swap3A_13, %swap3A_14], %swap3A_17 {strides = array<i32>} : memref<1x16x512xf32, #tpu.memory_space<vmem>>, vector<1x16x512xf32>,
    %swap3A_18 = arith.constant 0 : index
    %swap3A_19 = arith.constant 0 : index
    %swap3A_20 = arith.constant 0 : index
    %swap3A_21 = vector.load %arg3[%swap3A_18, %swap3A_19, %swap3A_20] : memref<1x16x512xi32, #tpu.memory_space<vmem>>, vector<1x16x512xi32>
    %swap3A_22 = vector.shape_cast %swap3A_21 : vector<1x16x512xi32> to vector<16x512xi32>
    %swap3A_23 = vector.shape_cast %scan3A_11#1 : vector<16x512xi32> to vector<1x16x512xi32>
    tpu.vector_store %arg3[%swap3A_18, %swap3A_19, %swap3A_20], %swap3A_23 {strides = array<i32>} : memref<1x16x512xi32, #tpu.memory_space<vmem>>, vector<1x16x512xi32>,
    return
  }
  func.func @transform_0(%arg0: i32) -> (i32, i32, i32) {
    %c0_i32 = arith.constant 0 : i32
    %c0_i32_0 = arith.constant 0 : i32
    %c0_i32_1 = arith.constant 0 : i32
    return %arg0, %c0_i32, %c0_i32_0 : i32, i32, i32
  }
  func.func @transform_1(%arg0: i32) -> (i32, i32, i32) {
    %c0_i32 = arith.constant 0 : i32
    %c0_i32_0 = arith.constant 0 : i32
    %c0_i32_1 = arith.constant 0 : i32
    return %arg0, %c0_i32, %c0_i32_0 : i32, i32, i32
  }
  func.func @transform_2(%arg0: i32) -> (i32, i32, i32) {
    %c0_i32 = arith.constant 0 : i32
    %c0_i32_0 = arith.constant 0 : i32
    %c0_i32_1 = arith.constant 0 : i32
    return %arg0, %c0_i32, %c0_i32_0 : i32, i32, i32
  }
}

module attributes {stable_mosaic.version = 14 : i64} {
  func.func @_finalize_kernel(%arg0: memref<96x8192xf32, #tpu.memory_space<vmem>>, %arg1: memref<96x8192xi32, #tpu.memory_space<vmem>>, %arg2: memref<32x16xf32, #tpu.memory_space<vmem>>, %arg3: memref<32x16xi32, #tpu.memory_space<vmem>>, %arg4: memref<128x2xf32, #tpu.memory_space<vmem>>) attributes {dimension_semantics = [], scalar_prefetch = 0 : i64, scratch_operands = 0 : i64, tpu.core_type = #tpu.core_type<tc>} {
    %get3A = arith.constant 0 : index
    %get3A_0 = arith.constant 0 : index
    %get3A_1 = vector.load %arg0[%get3A, %get3A_0] : memref<96x8192xf32, #tpu.memory_space<vmem>>, vector<96x8192xf32>
    %get3A_2 = arith.constant 0 : index
    %get3A_3 = arith.constant 0 : index
    %get3A_4 = vector.load %arg1[%get3A_2, %get3A_3] : memref<96x8192xi32, #tpu.memory_space<vmem>>, vector<96x8192xi32>
    %reduce_max3A = arith.constant dense<0xFF800000> : vector<96xf32>
    %reduce_max3A_5 = vector.multi_reduction <maximumf>, %get3A_1, %reduce_max3A [1] : vector<96x8192xf32> to vector<96xf32>
    %broadcast_in_dim3A = vector.shape_cast %reduce_max3A_5 : vector<96xf32> to vector<96x1xf32>
    %eq3A = vector.broadcast %broadcast_in_dim3A : vector<96x1xf32> to vector<96x8192xf32>
    %eq3A_6 = arith.cmpf oeq, %get3A_1, %eq3A : vector<96x8192xf32>
    %jit3A = arith.constant 2147483647 : i32
    %broadcast_in_dim3A_7 = vector.broadcast %jit3A : i32 to vector<96x8192xi32>
    %select_n3A = arith.select %eq3A_6, %get3A_4, %broadcast_in_dim3A_7 : vector<96x8192xi1>, vector<96x8192xi32>
    %reduce_min3A = arith.constant dense<2147483647> : vector<96xi32>
    %reduce_min3A_8 = vector.multi_reduction <minsi>, %select_n3A, %reduce_min3A [1] : vector<96x8192xi32> to vector<96xi32>
    %get3A_9 = arith.constant 0 : index
    %get3A_10 = arith.constant 0 : index
    %get3A_11 = vector.load %arg2[%get3A_9, %get3A_10] : memref<32x16xf32, #tpu.memory_space<vmem>>, vector<32x16xf32>
    %get3A_12 = arith.constant 0 : index
    %get3A_13 = arith.constant 0 : index
    %get3A_14 = vector.load %arg3[%get3A_12, %get3A_13] : memref<32x16xi32, #tpu.memory_space<vmem>>, vector<32x16xi32>
    %reduce_min3A_15 = arith.constant dense<0x7F800000> : vector<32xf32>
    %reduce_min3A_16 = vector.multi_reduction <minimumf>, %get3A_11, %reduce_min3A_15 [1] : vector<32x16xf32> to vector<32xf32>
    %broadcast_in_dim3A_17 = vector.shape_cast %reduce_min3A_16 : vector<32xf32> to vector<32x1xf32>
    %eq3A_18 = vector.broadcast %broadcast_in_dim3A_17 : vector<32x1xf32> to vector<32x16xf32>
    %eq3A_19 = arith.cmpf oeq, %get3A_11, %eq3A_18 : vector<32x16xf32>
    %jit3A_20 = arith.constant 2147483647 : i32
    %broadcast_in_dim3A_21 = vector.broadcast %jit3A_20 : i32 to vector<32x16xi32>
    %select_n3A_22 = arith.select %eq3A_19, %get3A_14, %broadcast_in_dim3A_21 : vector<32x16xi1>, vector<32x16xi32>
    %reduce_min3A_23 = arith.constant dense<2147483647> : vector<32xi32>
    %reduce_min3A_24 = vector.multi_reduction <minsi>, %select_n3A_22, %reduce_min3A_23 [1] : vector<32x16xi32> to vector<32xi32>
    %concatenate3A = tpu.concatenate %reduce_min3A_8, %reduce_min3A_24 in 0 : vector<96xi32>, vector<32xi32> -> vector<128xi32>
    %jit3A_25 = arith.constant 512 : i32
    %div3A = vector.broadcast %jit3A_25 : i32 to vector<128xi32>
    %div3A_26 = arith.divsi %concatenate3A, %div3A : vector<128xi32>
    %sign3A = arith.constant 0 : i32
    %sign3A_27 = vector.broadcast %sign3A : i32 to vector<128xi32>
    %sign3A_28 = arith.cmpi sgt, %concatenate3A, %sign3A_27 : vector<128xi32>
    %sign3A_29 = arith.extui %sign3A_28 : vector<128xi1> to vector<128xi32>
    %sign3A_30 = arith.constant 0 : i32
    %sign3A_31 = vector.broadcast %sign3A_30 : i32 to vector<128xi32>
    %sign3A_32 = arith.cmpi slt, %concatenate3A, %sign3A_31 : vector<128xi32>
    %sign3A_33 = arith.extui %sign3A_32 : vector<128xi1> to vector<128xi32>
    %sign3A_34 = arith.subi %sign3A_29, %sign3A_33 : vector<128xi32>
    %sign3A_35 = arith.constant 0 : i32
    %sign3A_36 = arith.cmpi sgt, %jit3A_25, %sign3A_35 : i32
    %sign3A_37 = arith.extui %sign3A_36 : i1 to i32
    %sign3A_38 = arith.constant 0 : i32
    %sign3A_39 = arith.cmpi slt, %jit3A_25, %sign3A_38 : i32
    %sign3A_40 = arith.extui %sign3A_39 : i1 to i32
    %sign3A_41 = arith.subi %sign3A_37, %sign3A_40 : i32
    %ne3A = vector.broadcast %sign3A_41 : i32 to vector<128xi32>
    %ne3A_42 = arith.cmpi ne, %sign3A_34, %ne3A : vector<128xi32>
    %rem3A = vector.broadcast %jit3A_25 : i32 to vector<128xi32>
    %rem3A_43 = arith.remsi %concatenate3A, %rem3A : vector<128xi32>
    %ne3A_44 = arith.constant 0 : i32
    %ne3A_45 = vector.broadcast %ne3A_44 : i32 to vector<128xi32>
    %ne3A_46 = arith.cmpi ne, %rem3A_43, %ne3A_45 : vector<128xi32>
    %and3A = arith.andi %ne3A_42, %ne3A_46 : vector<128xi1>
    %sub3A = arith.constant 1 : i32
    %sub3A_47 = vector.broadcast %sub3A : i32 to vector<128xi32>
    %sub3A_48 = arith.subi %div3A_26, %sub3A_47 : vector<128xi32>
    %select_n3A_49 = arith.select %and3A, %sub3A_48, %div3A_26 : vector<128xi1>, vector<128xi32>
    %convert_element_type3A = arith.sitofp %select_n3A_49 : vector<128xi32> to vector<128xf32>
    %div3A_50 = arith.constant 5.110000e+02 : f32
    %div3A_51 = vector.broadcast %div3A_50 : f32 to vector<128xf32>
    %div3A_52 = arith.divf %convert_element_type3A, %div3A_51 : vector<128xf32>
    %jit3A_53 = arith.constant 512 : i32
    %eq3A_54 = arith.constant 0 : i32
    %eq3A_55 = arith.cmpi eq, %jit3A_53, %eq3A_54 : i32
    %jit3A_56 = arith.constant 1 : i32
    %select_n3A_57 = arith.select %eq3A_55, %jit3A_56, %jit3A_53 : i32
    %rem3A_58 = vector.broadcast %select_n3A_57 : i32 to vector<128xi32>
    %rem3A_59 = arith.remsi %concatenate3A, %rem3A_58 : vector<128xi32>
    %ne3A_60 = arith.constant 0 : i32
    %ne3A_61 = vector.broadcast %ne3A_60 : i32 to vector<128xi32>
    %ne3A_62 = arith.cmpi ne, %rem3A_59, %ne3A_61 : vector<128xi32>
    %lt3A = arith.constant 0 : i32
    %lt3A_63 = vector.broadcast %lt3A : i32 to vector<128xi32>
    %lt3A_64 = arith.cmpi slt, %rem3A_59, %lt3A_63 : vector<128xi32>
    %lt3A_65 = arith.constant 0 : i32
    %lt3A_66 = arith.cmpi slt, %select_n3A_57, %lt3A_65 : i32
    %ne3A_67 = vector.broadcast %lt3A_66 : i1 to vector<128xi1>
    %ne3A_68 = vector.broadcast %ne3A_67 : vector<128xi1> to vector<128xi1>
    %ne3A_69 = arith.xori %lt3A_64, %ne3A_68 : vector<128xi1>
    %and3A_70 = arith.andi %ne3A_69, %ne3A_62 : vector<128xi1>
    %add3A = vector.broadcast %select_n3A_57 : i32 to vector<128xi32>
    %add3A_71 = arith.addi %rem3A_59, %add3A : vector<128xi32>
    %select_n3A_72 = arith.select %and3A_70, %add3A_71, %rem3A_59 : vector<128xi1>, vector<128xi32>
    %convert_element_type3A_73 = arith.sitofp %select_n3A_72 : vector<128xi32> to vector<128xf32>
    %div3A_74 = arith.constant 5.110000e+02 : f32
    %div3A_75 = vector.broadcast %div3A_74 : f32 to vector<128xf32>
    %div3A_76 = arith.divf %convert_element_type3A_73, %div3A_75 : vector<128xf32>
    %broadcast_in_dim3A_77 = vector.shape_cast %div3A_76 : vector<128xf32> to vector<128x1xf32>
    %broadcast_in_dim3A_78 = vector.shape_cast %div3A_52 : vector<128xf32> to vector<128x1xf32>
    %concatenate3A_79 = tpu.concatenate %broadcast_in_dim3A_77, %broadcast_in_dim3A_78 in 1 : vector<128x1xf32>, vector<128x1xf32> -> vector<128x2xf32>
    %swap3A = arith.constant 0 : index
    %swap3A_80 = arith.constant 0 : index
    %swap3A_81 = vector.load %arg4[%swap3A, %swap3A_80] : memref<128x2xf32, #tpu.memory_space<vmem>>, vector<128x2xf32>
    tpu.vector_store %arg4[%swap3A, %swap3A_80], %concatenate3A_79 {strides = array<i32>} : memref<128x2xf32, #tpu.memory_space<vmem>>, vector<128x2xf32>,
    return
  }
}

</mosaic_0001>

<sc_bundles>
// kernel: kernel.7.cloned.1.call-start
scs
__scs_entry_jumppad:
0x0: {  	(pc) =	sbr.rel $0x88, $3  }
0x1: {  	(tag) =	ssettag $0x0;
	lr =	simm.s32 $0x1  }
0x2: {  	[smem:$0x3F9E] =	sst lr;
	_ =	strace $0xD0000000  }
0x3: {  	_ = 	snop  }
0x4: {  	_ = 	snop  }
0x5: {  	_ = 	snop  }
0x6: {  	_ = 	snop  }
0x7: {  	_ = 	snop  }
__scs_overlays_trampoline_lowered:
0x8: {  	[smem:$0x3FAD] =	sst s0  }
0x9: {  	[smem:$0x3FAE] =	sst s1  }
0xa: {  	[smem:$0x3FAF] =	sst s2  }
0xb: {  	[smem:$0x3FB0] =	sst s3  }
0xc: {  	[smem:$0x3FB1] =	sst s4  }
0xd: {  	[smem:$0x3FB2] =	sst s5  }
0xe: {  	[smem:$0x3FB3] =	sst s6  }
0xf: {  	[smem:$0x3FB4] =	sst s7  }
0x10: {  	[smem:$0x3FB5] =	sst s8  }
0x11: {  	[smem:$0x3FB6] =	sst s9;
	s0 =	simm.s32 @!p0 $0x0  }
0x12: {  	s1 =	sld [smem:$0x3F9C];
	s0 =	simm.s32 @p0 $0x1  }
0x13: {  	[smem:$0x3FB7] =	sst s0;
	s0 =	simm.s32 @!p1 $0x0  }
0x14: {  	s2 =	sld [smem:$0x3F9B];
	s0 =	simm.s32 @p1 $0x1  }
0x15: {  	[smem:$0x3FB8] =	sst s0;
	s0 =	simm.s32 @!p2 $0x0  }
0x16: {  	s3 =	sld [smem:$0x3FDB];
	s0 =	simm.s32 @p2 $0x1  }
0x17: {  	s4 =	simm.s32 $0x1BF5;
	[smem:$0x3FBA] =	sst s0  }
0x18: {  	s0 =	sld [smem:$0x3F9D];
	_ =	swait.ge [sflag:s4], $0x0  }
0x19: {  	s7 =	sld [smem:$0x3F9E]  }
0x1a: {  	s8 =	sadd.s32 $0xFFFFE003, lr  }
0x1b: {  	s9 =	sadd.s32 $0xFFFFFEF7, lr;
	s5 =	simm.s32 $0xFFFFFFFF;
	p2 =	slt.u32 s8, $0xFFFFF086  }
0x1c: {  	p1 =	slt.u32 s9, $0xF7A;
	s5 =	simm.s32 @!p2 $0x0  }
0x1d: {  	s5 =	simm.s32 @p1 $0x1;
	p0 =	seq.s32 s7, s2  }
0x1e: {  	s7 =	smul.u32 @!p0 $0xF7A, s2;
	p2 =	seq.s32 @!p0 s5, $0x0  }
0x1f: {  	s9 =	smul.u32 $0xF7A, s1;
	s8 =	simm.s32 @!p0 $0x1BF5;
	p2 =	por !p2, p0  }
0x20: {  	[sflag:s8] =	ssyncset.s32 @!p0 $0xFFFFF086;
	s6 =	sadd.s32 @!p0 s3, s7;
	s7 =	simm.s32 @!p0 $0x108  }
0x21: {  	s3 =	sadd.s32 s3, s9;
	s6 =	sadd.s32 @!p0 $0x88, s6;
	s7 =	simm.s32 @p2 $0x1082  }
0x22: {  	[simem:s7], [sflag:s8] =	dma.local @!p0 [hbm:s6], $0xF7A  }
0x23: {  	s9 =	sor.u32 $0xD0000000, s2;
	s6 =	simm.s32 $0x108;
	_ =	swait.ge @!p0 [sflag:s8], $0x0  }
0x24: {  	s3 =	sadd.s32 $0x88, s3;
	s6 =	simm.s32 @!p1 $0x1082;
	[sflag:s4] =	ssyncset.s32 $0xFFFFF086  }
0x25: {  	[simem:s6], [sflag:s4] =	dma.local [hbm:s3], $0xF7A  }
0x26: {  	[smem:$0x3F9E] =	sst s1;
	(tag) =	ssettag s2;
	_ =	strace s9  }
0x27: {  	s1 =	sld [smem:$0x3FAE]  }
0x28: {  	s2 =	sld [smem:$0x3FAF]  }
0x29: {  	s4 =	sld [smem:$0x3FB1]  }
0x2a: {  	p0 =	seq.s32 s5, $0x0;
	s5 =	sld [smem:$0x3FB2]  }
0x2b: {  	s6 =	sld [smem:$0x3FB3]  }
0x2c: {  	s7 =	sld [smem:$0x3FB4]  }
0x2d: {  	s3 =	simm.s32 $0x108;
	s8 =	sld [smem:$0x3FB5]  }
0x2e: {  	s3 =	simm.s32 @!p0 $0x1082;
	s9 =	sld [smem:$0x3FB6]  }
0x2f: {  	lr =	sadd.s32 s0, s3;
	s0 =	sld [smem:$0x3FAD]  }
0x30: {  	s3 =	sld [smem:$0x3FB0]  }
0x31: {  	[smem:$0x3FB9] =	sst s10  }
0x32: {  	s10 =	sld [smem:$0x3FB7];
	_ =	sdelay $0x3  }
0x33: {  	p0 =	seq.s32 s10, $0x1;
	s10 =	sld [smem:$0x3FB9];
	_ =	sdelay $0x3  }
0x34: {  	[smem:$0x3FB9] =	sst s10  }
0x35: {  	s10 =	sld [smem:$0x3FB8];
	_ =	sdelay $0x3  }
0x36: {  	p1 =	seq.s32 s10, $0x1;
	s10 =	sld [smem:$0x3FB9];
	_ =	sdelay $0x3  }
0x37: {  	[smem:$0x3FB9] =	sst s10  }
0x38: {  	s10 =	sld [smem:$0x3FBA]  }
0x39: {  	_ = 	snop;
	(pc) =	sbr.ind lr, $3  }
0x3a: {  	_ = 	snop  }
0x3b: {  	_ = 	snop  }
0x3c: {  	p2 =	seq.s32 s10, $0x1;
	s10 =	sld [smem:$0x3FB9]  }
0x3d: {  	_ =	shalt  }
0x3e: {  	_ =	shalt  }
0x3f: {  	_ =	shalt  }
0x40: {  	_ =	shalt  }
0x41: {  	_ =	shalt  }
0x42: {  	_ =	shalt  }
0x43: {  	_ =	shalt  }
0x44: {  	_ =	shalt  }
0x45: {  	_ =	shalt  }
0x46: {  	_ =	shalt  }
0x47: {  	_ =	shalt  }
0x48: {  	_ =	shalt  }
0x49: {  	_ =	shalt  }
0x4a: {  	_ =	shalt  }
0x4b: {  	_ =	shalt  }
0x4c: {  	_ =	shalt  }
0x4d: {  	_ =	shalt  }
0x4e: {  	_ =	shalt  }
0x4f: {  	_ =	shalt  }
0x50: {  	_ =	shalt  }
0x51: {  	_ =	shalt  }
0x52: {  	_ =	shalt  }
0x53: {  	_ =	shalt  }
0x54: {  	_ =	shalt  }
0x55: {  	_ =	shalt  }
0x56: {  	_ =	shalt  }
0x57: {  	_ =	shalt  }
0x58: {  	_ =	shalt  }
0x59: {  	_ =	shalt  }
0x5a: {  	_ =	shalt  }
0x5b: {  	_ =	shalt  }
0x5c: {  	_ =	shalt  }
0x5d: {  	_ =	shalt  }
0x5e: {  	_ =	shalt  }
0x5f: {  	_ =	shalt  }
0x60: {  	_ =	shalt  }
0x61: {  	_ =	shalt  }
0x62: {  	_ =	shalt  }
0x63: {  	_ =	shalt  }
0x64: {  	_ =	shalt  }
0x65: {  	_ =	shalt  }
0x66: {  	_ =	shalt  }
0x67: {  	_ =	shalt  }
0x68: {  	_ =	shalt  }
0x69: {  	_ =	shalt  }
0x6a: {  	_ =	shalt  }
0x6b: {  	_ =	shalt  }
0x6c: {  	_ =	shalt  }
0x6d: {  	_ =	shalt  }
0x6e: {  	_ =	shalt  }
0x6f: {  	_ =	shalt  }
0x70: {  	_ =	shalt  }
0x71: {  	_ =	shalt  }
0x72: {  	_ =	shalt  }
0x73: {  	_ =	shalt  }
0x74: {  	_ =	shalt  }
0x75: {  	_ =	shalt  }
0x76: {  	_ =	shalt  }
0x77: {  	_ =	shalt  }
0x78: {  	_ =	shalt  }
0x79: {  	_ =	shalt  }
0x7a: {  	_ =	shalt  }
0x7b: {  	_ =	shalt  }
0x7c: {  	_ =	shalt  }
0x7d: {  	_ =	shalt  }
0x7e: {  	_ =	shalt  }
0x7f: {  	_ =	shalt  }
0x80: {  	_ =	shalt  }
0x81: {  	_ =	shalt  }
0x82: {  	_ =	shalt  }
0x83: {  	_ =	shalt  }
0x84: {  	_ =	shalt  }
0x85: {  	_ =	shalt  }
0x86: {  	_ =	shalt  }
0x87: {  	_ =	shalt  }
.Lfunc_end0:
.L_simem_size_0:
called_computation.1_lowered:
.L_overlay_start_0:
0x88: {  	s2 =	sld [smem:$0x3FD9]  }
0x89: {  	s3 =	sld [smem:$0x3FFE];
	_ =	sdelay $0x1  }
0x8a: {  	s1 =	srdreg.scid  }
0x8b: {  	s0 =	sand.u32 $0x1, s1  }
0x8c: {  	s16 =	sshll.u32 s0, $0xA;
	s2 =	sadd.s32 s3, s2  }
0x8d: {  	s2 =	sadd.s32 s2, s16  }
0x8e: {  	[smem:$0x3FC5] =	sst s2  }
0x8f: {  	_ = 	snop  }
0x90: {  	(tm) =	ssettm $0x1  }
0x91: {  	s17 =	sld [smem:$0x3FFB];
	_ =	sdelay $0x3  }
0x92: {  	_ =	strace s17  }
0x93: {  	s2 =	sld [smem:$0x3FFC];
	_ =	sdelay $0x3  }
0x94: {  	_ =	strace s2  }
0x95: {  	s2 =	sld [smem:$0x3FFD];
	_ =	sdelay $0x3  }
0x96: {  	_ =	strace s2  }
0x97: {  	_ =	strace $0x8FFFFFFF  }
0x98: {  	s18 =	sld [smem:$0x3FDB];
	_ =	sdelay $0x1  }
0x99: {  	s19 =	simm.s32 $_scs_section_size  }
0x9a: {  	s4 =	simm.s32 $_size__tile_overlayer_lowered;
	s5 =	simm.s32 $_tile_overlayer_lowered  }
0x9b: {  	s22 =	simm.s32 $0x1BFF;
	s21 =	sshll.u32 s5, $0x1;
	s2 =	sadd.s32 s19, s18  }
0x9c: {  	s6 =	simm.s32 $0x0;
	s20 =	sshll.u32 s4, $0x1;
	s4 =	sadd.s32 s21, s2  }
0x9d: {  	[timem:s6], [sflag:s22] =	dma.local [hbm:s4], s20  }
0x9e: {  	_ =	swait.ge [sflag:s22], s20  }
0x9f: {  	s3 =	ssub.s32 $0x0, s20;
	[sflag:s22] =	ssyncset.done $0x0  }
0xa0: {  	[sflag:s22] =	ssyncadd.s32 s3;
	_ =	sdelay $0x1  }
0xa1: {  	s23 =	simm.s32 $0x1B8B  }
0xa2: {  	_ =	swait.ge [sflag:s23], $0x1  }
0xa3: {  	[sflag:s23] =	ssyncset.done $0x0  }
0xa4: {  	s25 =	simm.s32 $0x1B8E;
	s24 =	sld [smem:$0x3FFE];
	[sflag:s23] =	ssyncadd.s32 $0xFFFFFFFF  }
0xa5: {  	s26 =	simm.s32 $execute0_lowered;
	[smem:$0x3FD2] =	sst s25  }
0xa6: {  	s4 =	sshll.u32 s26, $0x1;
	_ =	strace $0x80000049;
	[dreg:$0x1] =	wrdreg $0xFFFFFFFF  }
0xa7: {  	s28 =	simm.s32 $_size_execute0_lowered;
	s2 =	sadd.s32 s2, s4;
	[dreg:$0x0] =	wrdreg $0x0  }
0xa8: {  	s4 =	sshll.u32 s28, $0x1;
	[dreg:$0x2] =	wrdreg s2  }
0xa9: {  	[dreg:$0x3] =	wrdreg s4  }
0xaa: {  	[dreg:$0x4] =	wrdreg $0xC0  }
0xab: {  	_ =	task [dreg:s6], $0x5FFFF  }
0xac: {  	[dreg:$0x1] =	wrdreg $0xFFFFFFFF  }
0xad: {  	[dreg:$0x0] =	wrdreg $0x60  }
0xae: {  	[dreg:$0x2] =	wrdreg s24  }
0xaf: {  	[dreg:$0x3] =	wrdreg $0x9  }
0xb0: {  	_ =	task.clear_ibuf [dreg:s6], $0x4FFFF;
	_ =	strace $0x90000049  }
0xb1: {  	s29 =	simm.s32 $0x9;
	_ =	strace $0x8000004B  }
0xb2: {  	_ =	swait.ge [sflag:s29], $0x1  }
0xb3: {  	[sflag:s29] =	ssyncadd.s32 $0xFFFFFFFF  }
0xb4: {  	_ =	strace $0x9000004B  }
0xb5: {  	_ =	sfence  }
0xb6: {  	s30 =	sld [smem:$0x0];
	_ =	sdelay $0x2  }
0xb7: {  	s31 =	sshll.u32 s1, $0xD;
	s1 =	sshrl.u32 s1, $0x2  }
0xb8: {  	s3 =	sand.u32 $0x4000, s31;
	s1 =	sadd.s32 s1, s30  }
0xb9: {  	s0 =	sor.u32 s3, s0;
	s1 =	sshll.u32 s1, $0x11  }
0xba: {  	s0 =	sor.u32 s1, s0  }
0xbb: {  	s0 =	sadd.s32 $0x8F2B, s0  }
0xbc: {  	[sflag:s0] =	ssyncadd.remote.s32 $0x1  }
0xbd: {  	_ =	sfence.sel $0xFFFF  }
0xbe: {  	[dreg:$0x0] =	wrdreg $0xFFFFFFFF;
	(pc) =	sbr.abs _section_cstart, $3  }
0xbf: {  	[dreg:$0x1] =	wrdreg $0xFFFFFFFF  }
0xc0: {  	_ =	task.clear_ibuf [dreg:s6], $0x2FFFF;
	_ =	strace $0x9FFFFFFF  }
0xc1: {  	(tm) =	ssettm $0x7FFFFFFF  }
tec
execute0_lowered:
.L_overlay_start_1:
0x0: {  	(tag) =	ssettag $0x1  }
0x1: {  	s4 =	rddreg [dreg:$0x0]  }
0x2: {  	s0 =	rddreg [dreg:$0x1];
	s2 =	simm.s32 $0x0;
	s3 =	srdreg.scid  }
0x3: {  	s1 =	stileid.u32;
	s9 =	simm.s32 $0x4000;
	s10 =	simm.s32 $0x4080  }
0x4: {  	s11 =	simm.s32 $0x0;
	s5 =	sand.u32 $0x1, s3;
	s30 =	sshll.u32 s1, $0x1  }
0x5: {  	[smem:$0x7FF] =	sst s2;
	s3 =	sadd.s32 $0x2000, s4;
	s6 =	sor.u32 s5, s30  }
0x6: {  	_ =	strace $0x8000004A;
	s5 =	ssub.s32 $0x2, s5;
	s7 =	sshll.u32 s6, $0x4  }
0x7: {  	s31 =	sshrl.u32 s5, $0x1;
	s6 =	sshll.u32 s6, $0x12;
	s7 =	sadd.s32 s7, s4  }
0x8: {  	v0 =	vlaneseq.u32;
	s8 =	ssub.s32 s5, s31;
	s4 =	sor.u32 $0x1800000, s6;
	s5 =	sadd.s32 $0x402000, s7  }
0x9: {  	v2 =	vimm.s32 $0x0;
	s6 =	sadd.s32 $0x402200, s7;
	s7 =	smax.u32 s8, $0x1;
	s8 =	simm.s32 $0x1;
	v1 =	vor.u32 s4, v0  }
.LBB2_1:
0xa: {  	v3 =	vimm.f32 $+Inf;
	s12 =	simm.s32 $0x0;
	v4 =	vimm.s32 $0x0;
	s13 =	simm.s32 $0x0  }
.LBB2_2:
0xb: {  	s17 =	sadd.s32 $0x0, s12  }
0xc: {  	v5 =	vor.u32 s17, v1;
	s16 =	sadd.s32 $0x30, s17;
	s15 =	sadd.s32 $0x20, s17  }
0xd: {  	s18 =	sadd.s32 $0x10, s17;
	v6 =	vor.u32 s16, v1;
	v7 =	vor.u32 s15, v1;
	v8 =	vadd.s32 $0xB1A83721, v5  }
0xe: {  	v9 =	vor.u32 s18, v1;
	v5 =	vadd.s32 $0xADD083F4, v5;
	v10 =	vadd.s32 $0xB1A83721, v6  }
0xf: {  	v11 =	vadd.s32 $0xB1A83721, v7;
	v6 =	vadd.s32 $0xADD083F4, v6;
	v12 =	vadd.s32 $0xB1A83721, v9  }
0x10: {  	v9 =	vadd.s32 $0xADD083F4, v9;
	v7 =	vadd.s32 $0xADD083F4, v7;
	v13 =	vshrl.u32 v5, $0x13  }
0x11: {  	v5 =	vshll.u32 v5, $0xD;
	v14 =	vshrl.u32 v6, $0x13;
	v6 =	vshll.u32 v6, $0xD  }
0x12: {  	v15 =	vshrl.u32 v9, $0x13;
	v16 =	vshrl.u32 v7, $0x13;
	v7 =	vshll.u32 v7, $0xD  }
0x13: {  	v5 =	vor.u32 v13, v5;
	v9 =	vshll.u32 v9, $0xD;
	v6 =	vor.u32 v14, v6  }
0x14: {  	v5 =	vxor.u32 v8, v5;
	v9 =	vor.u32 v15, v9;
	v7 =	vor.u32 v16, v7  }
0x15: {  	v8 =	vadd.s32 v8, v5;
	v7 =	vxor.u32 v11, v7;
	v6 =	vxor.u32 v10, v6  }
0x16: {  	v13 =	vshrl.u32 v5, $0x11;
	v5 =	vshll.u32 v5, $0xF;
	v9 =	vxor.u32 v12, v9  }
0x17: {  	v10 =	vadd.s32 v10, v6;
	v14 =	vshrl.u32 v6, $0x11;
	v6 =	vshll.u32 v6, $0xF  }
0x18: {  	v11 =	vadd.s32 v11, v7;
	v15 =	vshrl.u32 v7, $0x11;
	v7 =	vshll.u32 v7, $0xF  }
0x19: {  	v12 =	vadd.s32 v12, v9;
	v39 =	vshrl.u32 v9, $0x11;
	v9 =	vshll.u32 v9, $0xF  }
0x1a: {  	v5 =	vor.u32 v13, v5;
	v7 =	vor.u32 v15, v7;
	v6 =	vor.u32 v14, v6  }
0x1b: {  	v5 =	vxor.u32 v8, v5;
	v9 =	vor.u32 v39, v9;
	v6 =	vxor.u32 v10, v6  }
0x1c: {  	v8 =	vadd.s32 v8, v5;
	v9 =	vxor.u32 v12, v9;
	v7 =	vxor.u32 v11, v7  }
0x1d: {  	v13 =	vshrl.u32 v5, $0x6;
	v5 =	vshll.u32 v5, $0x1A;
	v10 =	vadd.s32 v10, v6  }
0x1e: {  	v11 =	vadd.s32 v11, v7;
	v14 =	vshrl.u32 v6, $0x6;
	v6 =	vshll.u32 v6, $0x1A  }
0x1f: {  	v12 =	vadd.s32 v12, v9;
	v15 =	vshrl.u32 v7, $0x6;
	v7 =	vshll.u32 v7, $0x1A  }
0x20: {  	v5 =	vor.u32 v13, v5;
	v13 =	vshrl.u32 v9, $0x6;
	v9 =	vshll.u32 v9, $0x1A  }
0x21: {  	v9 =	vor.u32 v13, v9;
	v7 =	vor.u32 v15, v7;
	v6 =	vor.u32 v14, v6  }
0x22: {  	v5 =	vxor.u32 v8, v5;
	v7 =	vxor.u32 v11, v7;
	v6 =	vxor.u32 v10, v6  }
0x23: {  	v8 =	vadd.s32 v8, v5;
	v13 =	vshrl.u32 v5, $0x1A;
	v9 =	vxor.u32 v12, v9  }
0x24: {  	v5 =	vshll.u32 v5, $0x6;
	v10 =	vadd.s32 v10, v6;
	v14 =	vshrl.u32 v6, $0x1A  }
0x25: {  	v11 =	vadd.s32 v11, v7;
	v15 =	vshrl.u32 v7, $0x1A;
	v6 =	vshll.u32 v6, $0x6  }
0x26: {  	v12 =	vadd.s32 v12, v9;
	v40 =	vshrl.u32 v9, $0x1A;
	v7 =	vshll.u32 v7, $0x6  }
0x27: {  	v5 =	vor.u32 v13, v5;
	v9 =	vshll.u32 v9, $0x6;
	v6 =	vor.u32 v14, v6  }
0x28: {  	v5 =	vxor.u32 v8, v5;
	v9 =	vor.u32 v40, v9;
	v7 =	vor.u32 v15, v7  }
0x29: {  	v9 =	vxor.u32 v12, v9;
	v7 =	vxor.u32 v11, v7;
	v6 =	vxor.u32 v10, v6  }
0x2a: {  	v5 =	vadd.s32 $0xB5D62B04, v5;
	v7 =	vadd.s32 $0xB5D62B04, v7;
	v6 =	vadd.s32 $0xB5D62B04, v6  }
0x2b: {  	v8 =	vadd.s32 v5, v8;
	v13 =	vshrl.u32 v5, $0xF;
	v9 =	vadd.s32 $0xB5D62B04, v9  }
0x2c: {  	v5 =	vshll.u32 v5, $0x11;
	v10 =	vadd.s32 v6, v10;
	v14 =	vshrl.u32 v6, $0xF  }
0x2d: {  	v11 =	vadd.s32 v7, v11;
	v15 =	vshrl.u32 v7, $0xF;
	v6 =	vshll.u32 v6, $0x11  }
0x2e: {  	v12 =	vadd.s32 v9, v12;
	v41 =	vshrl.u32 v9, $0xF;
	v7 =	vshll.u32 v7, $0x11  }
0x2f: {  	v8 =	vadd.s32 $0xADD083F4, v8;
	v5 =	vor.u32 v13, v5;
	v9 =	vshll.u32 v9, $0x11  }
0x30: {  	v11 =	vadd.s32 $0xADD083F4, v11;
	v10 =	vadd.s32 $0xADD083F4, v10;
	v6 =	vor.u32 v14, v6  }
0x31: {  	v12 =	vadd.s32 $0xADD083F4, v12;
	v9 =	vor.u32 v41, v9;
	v7 =	vor.u32 v15, v7  }
0x32: {  	v5 =	vxor.u32 v8, v5;
	v7 =	vxor.u32 v11, v7;
	v6 =	vxor.u32 v10, v6  }
0x33: {  	v8 =	vadd.s32 v8, v5;
	v13 =	vshrl.u32 v5, $0x3;
	v9 =	vxor.u32 v12, v9  }
0x34: {  	v5 =	vshll.u32 v5, $0x1D;
	v10 =	vadd.s32 v10, v6;
	v14 =	vshrl.u32 v6, $0x3  }
0x35: {  	v11 =	vadd.s32 v11, v7;
	v15 =	vshrl.u32 v7, $0x3;
	v6 =	vshll.u32 v6, $0x1D  }
0x36: {  	v12 =	vadd.s32 v12, v9;
	v42 =	vshrl.u32 v9, $0x3;
	v7 =	vshll.u32 v7, $0x1D  }
0x37: {  	v5 =	vor.u32 v13, v5;
	v9 =	vshll.u32 v9, $0x1D;
	v6 =	vor.u32 v14, v6  }
0x38: {  	v5 =	vxor.u32 v8, v5;
	v9 =	vor.u32 v42, v9;
	v7 =	vor.u32 v15, v7  }
0x39: {  	v8 =	vadd.s32 v8, v5;
	v7 =	vxor.u32 v11, v7;
	v6 =	vxor.u32 v10, v6  }
0x3a: {  	v13 =	vshrl.u32 v5, $0x10;
	v5 =	vshll.u32 v5, $0x10;
	v9 =	vxor.u32 v12, v9  }
0x3b: {  	v10 =	vadd.s32 v10, v6;
	v14 =	vshrl.u32 v6, $0x10;
	v6 =	vshll.u32 v6, $0x10  }
0x3c: {  	v11 =	vadd.s32 v11, v7;
	v15 =	vshrl.u32 v7, $0x10;
	v7 =	vshll.u32 v7, $0x10  }
0x3d: {  	v12 =	vadd.s32 v12, v9;
	v43 =	vshrl.u32 v9, $0x10;
	v9 =	vshll.u32 v9, $0x10  }
0x3e: {  	v5 =	vor.u32 v13, v5;
	v7 =	vor.u32 v15, v7;
	v6 =	vor.u32 v14, v6  }
0x3f: {  	v5 =	vxor.u32 v8, v5;
	v9 =	vor.u32 v43, v9;
	v6 =	vxor.u32 v10, v6  }
0x40: {  	v8 =	vadd.s32 v8, v5;
	v9 =	vxor.u32 v12, v9;
	v7 =	vxor.u32 v11, v7  }
0x41: {  	v13 =	vshrl.u32 v5, $0x8;
	v5 =	vshll.u32 v5, $0x18;
	v10 =	vadd.s32 v10, v6  }
0x42: {  	v11 =	vadd.s32 v11, v7;
	v14 =	vshrl.u32 v6, $0x8;
	v6 =	vshll.u32 v6, $0x18  }
0x43: {  	v12 =	vadd.s32 v12, v9;
	v15 =	vshrl.u32 v7, $0x8;
	v7 =	vshll.u32 v7, $0x18  }
0x44: {  	v5 =	vor.u32 v13, v5;
	v13 =	vshrl.u32 v9, $0x8;
	v9 =	vshll.u32 v9, $0x18  }
0x45: {  	v9 =	vor.u32 v13, v9;
	v7 =	vor.u32 v15, v7;
	v6 =	vor.u32 v14, v6  }
0x46: {  	v5 =	vxor.u32 v8, v5;
	v7 =	vxor.u32 v11, v7;
	v6 =	vxor.u32 v10, v6  }
0x47: {  	v5 =	vadd.s32 $0x3D7B32F, v5;
	v9 =	vxor.u32 v12, v9;
	v6 =	vadd.s32 $0x3D7B32F, v6  }
0x48: {  	v8 =	vadd.s32 v5, v8;
	v9 =	vadd.s32 $0x3D7B32F, v9;
	v7 =	vadd.s32 $0x3D7B32F, v7  }
0x49: {  	v13 =	vshrl.u32 v5, $0x13;
	v5 =	vshll.u32 v5, $0xD;
	v10 =	vadd.s32 v6, v10  }
0x4a: {  	v11 =	vadd.s32 v7, v11;
	v14 =	vshrl.u32 v6, $0x13;
	v6 =	vshll.u32 v6, $0xD  }
0x4b: {  	v12 =	vadd.s32 v9, v12;
	v15 =	vshrl.u32 v7, $0x13;
	v7 =	vshll.u32 v7, $0xD  }
0x4c: {  	v8 =	vadd.s32 $0xB5D62B03, v8;
	v44 =	vshrl.u32 v9, $0x13;
	v9 =	vshll.u32 v9, $0xD  }
0x4d: {  	v5 =	vor.u32 v13, v5;
	v10 =	vadd.s32 $0xB5D62B03, v10;
	v6 =	vor.u32 v14, v6  }
0x4e: {  	v12 =	vadd.s32 $0xB5D62B03, v12;
	v11 =	vadd.s32 $0xB5D62B03, v11;
	v7 =	vor.u32 v15, v7  }
0x4f: {  	v5 =	vxor.u32 v8, v5;
	v9 =	vor.u32 v44, v9;
	v6 =	vxor.u32 v10, v6  }
0x50: {  	v8 =	vadd.s32 v8, v5;
	v9 =	vxor.u32 v12, v9;
	v7 =	vxor.u32 v11, v7  }
0x51: {  	v13 =	vshrl.u32 v5, $0x11;
	v5 =	vshll.u32 v5, $0xF;
	v10 =	vadd.s32 v10, v6  }
0x52: {  	v11 =	vadd.s32 v11, v7;
	v14 =	vshrl.u32 v6, $0x11;
	v6 =	vshll.u32 v6, $0xF  }
0x53: {  	v12 =	vadd.s32 v12, v9;
	v15 =	vshrl.u32 v7, $0x11;
	v7 =	vshll.u32 v7, $0xF  }
0x54: {  	v5 =	vor.u32 v13, v5;
	v13 =	vshrl.u32 v9, $0x11;
	v9 =	vshll.u32 v9, $0xF  }
0x55: {  	v9 =	vor.u32 v13, v9;
	v7 =	vor.u32 v15, v7;
	v6 =	vor.u32 v14, v6  }
0x56: {  	v5 =	vxor.u32 v8, v5;
	v7 =	vxor.u32 v11, v7;
	v6 =	vxor.u32 v10, v6  }
0x57: {  	v8 =	vadd.s32 v8, v5;
	v13 =	vshrl.u32 v5, $0x6;
	v9 =	vxor.u32 v12, v9  }
0x58: {  	v5 =	vshll.u32 v5, $0x1A;
	v10 =	vadd.s32 v10, v6;
	v14 =	vshrl.u32 v6, $0x6  }
0x59: {  	v11 =	vadd.s32 v11, v7;
	v15 =	vshrl.u32 v7, $0x6;
	v6 =	vshll.u32 v6, $0x1A  }
0x5a: {  	v12 =	vadd.s32 v12, v9;
	v45 =	vshrl.u32 v9, $0x6;
	v7 =	vshll.u32 v7, $0x1A  }
0x5b: {  	v5 =	vor.u32 v13, v5;
	v9 =	vshll.u32 v9, $0x1A;
	v6 =	vor.u32 v14, v6  }
0x5c: {  	v5 =	vxor.u32 v8, v5;
	v9 =	vor.u32 v45, v9;
	v7 =	vor.u32 v15, v7  }
0x5d: {  	v8 =	vadd.s32 v8, v5;
	v7 =	vxor.u32 v11, v7;
	v6 =	vxor.u32 v10, v6  }
0x5e: {  	v13 =	vshrl.u32 v5, $0x1A;
	v5 =	vshll.u32 v5, $0x6;
	v9 =	vxor.u32 v12, v9  }
0x5f: {  	v10 =	vadd.s32 v10, v6;
	v14 =	vshrl.u32 v6, $0x1A;
	v6 =	vshll.u32 v6, $0x6  }
0x60: {  	v11 =	vadd.s32 v11, v7;
	v15 =	vshrl.u32 v7, $0x1A;
	v7 =	vshll.u32 v7, $0x6  }
0x61: {  	v12 =	vadd.s32 v12, v9;
	v46 =	vshrl.u32 v9, $0x1A;
	v9 =	vshll.u32 v9, $0x6  }
0x62: {  	v5 =	vor.u32 v13, v5;
	v7 =	vor.u32 v15, v7;
	v6 =	vor.u32 v14, v6  }
0x63: {  	v5 =	vxor.u32 v8, v5;
	v9 =	vor.u32 v46, v9;
	v6 =	vxor.u32 v10, v6  }
0x64: {  	v5 =	vadd.s32 $0xADD083F7, v5;
	v9 =	vxor.u32 v12, v9;
	v7 =	vxor.u32 v11, v7  }
0x65: {  	v9 =	vadd.s32 $0xADD083F7, v9;
	v7 =	vadd.s32 $0xADD083F7, v7;
	v6 =	vadd.s32 $0xADD083F7, v6  }
0x66: {  	v8 =	vadd.s32 v5, v8;
	v13 =	vshrl.u32 v5, $0xF;
	v5 =	vshll.u32 v5, $0x11  }
0x67: {  	v10 =	vadd.s32 v6, v10;
	v14 =	vshrl.u32 v6, $0xF;
	v6 =	vshll.u32 v6, $0x11  }
0x68: {  	v11 =	vadd.s32 v7, v11;
	v15 =	vshrl.u32 v7, $0xF;
	v7 =	vshll.u32 v7, $0x11  }
0x69: {  	v12 =	vadd.s32 v9, v12;
	v47 =	vshrl.u32 v9, $0xF;
	v9 =	vshll.u32 v9, $0x11  }
0x6a: {  	v8 =	vadd.s32 $0x3D7B32D, v8;
	v5 =	vor.u32 v13, v5;
	v10 =	vadd.s32 $0x3D7B32D, v10  }
0x6b: {  	v11 =	vadd.s32 $0x3D7B32D, v11;
	v7 =	vor.u32 v15, v7;
	v6 =	vor.u32 v14, v6  }
0x6c: {  	v5 =	vxor.u32 v8, v5;
	v12 =	vadd.s32 $0x3D7B32D, v12;
	v9 =	vor.u32 v47, v9  }
0x6d: {  	v8 =	vadd.s32 v8, v5;
	v7 =	vxor.u32 v11, v7;
	v6 =	vxor.u32 v10, v6  }
0x6e: {  	v13 =	vshrl.u32 v5, $0x3;
	v5 =	vshll.u32 v5, $0x1D;
	v9 =	vxor.u32 v12, v9  }
0x6f: {  	v10 =	vadd.s32 v10, v6;
	v14 =	vshrl.u32 v6, $0x3;
	v6 =	vshll.u32 v6, $0x1D  }
0x70: {  	v11 =	vadd.s32 v11, v7;
	v15 =	vshrl.u32 v7, $0x3;
	v7 =	vshll.u32 v7, $0x1D  }
0x71: {  	v12 =	vadd.s32 v12, v9;
	v48 =	vshrl.u32 v9, $0x3;
	v9 =	vshll.u32 v9, $0x1D  }
0x72: {  	v5 =	vor.u32 v13, v5;
	v7 =	vor.u32 v15, v7;
	v6 =	vor.u32 v14, v6  }
0x73: {  	v5 =	vxor.u32 v8, v5;
	v9 =	vor.u32 v48, v9;
	v6 =	vxor.u32 v10, v6  }
0x74: {  	v8 =	vadd.s32 v8, v5;
	v9 =	vxor.u32 v12, v9;
	v7 =	vxor.u32 v11, v7  }
0x75: {  	v13 =	vshrl.u32 v5, $0x10;
	v5 =	vshll.u32 v5, $0x10;
	v10 =	vadd.s32 v10, v6  }
0x76: {  	v11 =	vadd.s32 v11, v7;
	v14 =	vshrl.u32 v6, $0x10;
	v6 =	vshll.u32 v6, $0x10  }
0x77: {  	v12 =	vadd.s32 v12, v9;
	v15 =	vshrl.u32 v7, $0x10;
	v7 =	vshll.u32 v7, $0x10  }
0x78: {  	v5 =	vor.u32 v13, v5;
	v13 =	vshrl.u32 v9, $0x10;
	v9 =	vshll.u32 v9, $0x10  }
0x79: {  	v9 =	vor.u32 v13, v9;
	v7 =	vor.u32 v15, v7;
	v6 =	vor.u32 v14, v6  }
0x7a: {  	v5 =	vxor.u32 v8, v5;
	v7 =	vxor.u32 v11, v7;
	v6 =	vxor.u32 v10, v6  }
0x7b: {  	v8 =	vadd.s32 v8, v5;
	v13 =	vshrl.u32 v5, $0x8;
	v9 =	vxor.u32 v12, v9  }
0x7c: {  	v5 =	vshll.u32 v5, $0x18;
	v10 =	vadd.s32 v10, v6;
	v14 =	vshrl.u32 v6, $0x8  }
0x7d: {  	v11 =	vadd.s32 v11, v7;
	v15 =	vshrl.u32 v7, $0x8;
	v6 =	vshll.u32 v6, $0x18  }
0x7e: {  	v12 =	vadd.s32 v12, v9;
	v49 =	vshrl.u32 v9, $0x8;
	v7 =	vshll.u32 v7, $0x18  }
0x7f: {  	v5 =	vor.u32 v13, v5;
	v9 =	vshll.u32 v9, $0x18;
	v6 =	vor.u32 v14, v6  }
0x80: {  	v5 =	vxor.u32 v8, v5;
	v9 =	vor.u32 v49, v9;
	v7 =	vor.u32 v15, v7  }
0x81: {  	v9 =	vxor.u32 v12, v9;
	v7 =	vxor.u32 v11, v7;
	v6 =	vxor.u32 v10, v6  }
0x82: {  	v5 =	vadd.s32 $0xB5D62B07, v5;
	v7 =	vadd.s32 $0xB5D62B07, v7;
	v6 =	vadd.s32 $0xB5D62B07, v6  }
0x83: {  	v8 =	vadd.s32 v5, v8;
	v13 =	vshrl.u32 v5, $0x13;
	v9 =	vadd.s32 $0xB5D62B07, v9  }
0x84: {  	v5 =	vshll.u32 v5, $0xD;
	v10 =	vadd.s32 v6, v10;
	v14 =	vshrl.u32 v6, $0x13  }
0x85: {  	v11 =	vadd.s32 v7, v11;
	v15 =	vshrl.u32 v7, $0x13;
	v6 =	vshll.u32 v6, $0xD  }
0x86: {  	v12 =	vadd.s32 v9, v12;
	v50 =	vshrl.u32 v9, $0x13;
	v7 =	vshll.u32 v7, $0xD  }
0x87: {  	v8 =	vadd.s32 $0xADD083F4, v8;
	v5 =	vor.u32 v13, v5;
	v9 =	vshll.u32 v9, $0xD  }
0x88: {  	v11 =	vadd.s32 $0xADD083F4, v11;
	v10 =	vadd.s32 $0xADD083F4, v10;
	v6 =	vor.u32 v14, v6  }
0x89: {  	v12 =	vadd.s32 $0xADD083F4, v12;
	v9 =	vor.u32 v50, v9;
	v7 =	vor.u32 v15, v7  }
0x8a: {  	v5 =	vxor.u32 v8, v5;
	v7 =	vxor.u32 v11, v7;
	v6 =	vxor.u32 v10, v6  }
0x8b: {  	v8 =	vadd.s32 v8, v5;
	v13 =	vshrl.u32 v5, $0x11;
	v9 =	vxor.u32 v12, v9  }
0x8c: {  	v5 =	vshll.u32 v5, $0xF;
	v10 =	vadd.s32 v10, v6;
	v14 =	vshrl.u32 v6, $0x11  }
0x8d: {  	v11 =	vadd.s32 v11, v7;
	v15 =	vshrl.u32 v7, $0x11;
	v6 =	vshll.u32 v6, $0xF  }
0x8e: {  	v12 =	vadd.s32 v12, v9;
	v51 =	vshrl.u32 v9, $0x11;
	v7 =	vshll.u32 v7, $0xF  }
0x8f: {  	v5 =	vor.u32 v13, v5;
	v9 =	vshll.u32 v9, $0xF;
	v6 =	vor.u32 v14, v6  }
0x90: {  	v5 =	vxor.u32 v8, v5;
	v9 =	vor.u32 v51, v9;
	v7 =	vor.u32 v15, v7  }
0x91: {  	v8 =	vadd.s32 v8, v5;
	v7 =	vxor.u32 v11, v7;
	v6 =	vxor.u32 v10, v6  }
0x92: {  	v13 =	vshrl.u32 v5, $0x6;
	v5 =	vshll.u32 v5, $0x1A;
	v9 =	vxor.u32 v12, v9  }
0x93: {  	v10 =	vadd.s32 v10, v6;
	v14 =	vshrl.u32 v6, $0x6;
	v6 =	vshll.u32 v6, $0x1A  }
0x94: {  	v11 =	vadd.s32 v11, v7;
	v15 =	vshrl.u32 v7, $0x6;
	v7 =	vshll.u32 v7, $0x1A  }
0x95: {  	v12 =	vadd.s32 v12, v9;
	v52 =	vshrl.u32 v9, $0x6;
	v9 =	vshll.u32 v9, $0x1A  }
0x96: {  	v5 =	vor.u32 v13, v5;
	v7 =	vor.u32 v15, v7;
	v6 =	vor.u32 v14, v6  }
0x97: {  	v5 =	vxor.u32 v8, v5;
	v9 =	vor.u32 v52, v9;
	v6 =	vxor.u32 v10, v6  }
0x98: {  	v8 =	vadd.s32 v8, v5;
	v9 =	vxor.u32 v12, v9;
	v7 =	vxor.u32 v11, v7  }
0x99: {  	v13 =	vshrl.u32 v5, $0x1A;
	v5 =	vshll.u32 v5, $0x6;
	v10 =	vadd.s32 v10, v6  }
0x9a: {  	v11 =	vadd.s32 v11, v7;
	v14 =	vshrl.u32 v6, $0x1A;
	v6 =	vshll.u32 v6, $0x6  }
0x9b: {  	v15 =	vadd.s32 $0xB5D62B03, v8;
	v53 =	vshrl.u32 v7, $0x1A;
	v7 =	vshll.u32 v7, $0x6  }
0x9c: {  	v12 =	vadd.s32 v12, v9;
	v17 =	vshrl.u32 v9, $0x1A;
	v9 =	vshll.u32 v9, $0x6  }
0x9d: {  	v5 =	vor.u32 v13, v5;
	v13 =	vadd.s32 $0xB5D62B03, v11;
	v18 =	vadd.s32 $0xB5D62B03, v10  }
0x9e: {  	v19 =	vadd.s32 $0xB5D62B03, v12;
	v7 =	vor.u32 v53, v7;
	v6 =	vor.u32 v14, v6  }
0x9f: {  	v5 =	vxor.u32 v8, v5;
	v8 =	vor.u32 v17, v9;
	v6 =	vxor.u32 v10, v6  }
0xa0: {  	v5 =	vadd.s32 $0x3D7B332, v5;
	v8 =	vxor.u32 v12, v8;
	v7 =	vxor.u32 v11, v7  }
0xa1: {  	v8 =	vadd.s32 $0x3D7B332, v8;
	v7 =	vadd.s32 $0x3D7B332, v7;
	v6 =	vadd.s32 $0x3D7B332, v6  }
0xa2: {  	v5 =	vxor.u32 v15, v5;
	v7 =	vxor.u32 v13, v7;
	v6 =	vxor.u32 v18, v6  }
0xa3: {  	v5 =	vshrl.u32 v5, $0x9;
	v8 =	vxor.u32 v19, v8;
	v6 =	vshrl.u32 v6, $0x9  }
0xa4: {  	v5 =	vor.u32 $0x3F800000, v5;
	v8 =	vshrl.u32 v8, $0x9;
	v7 =	vshrl.u32 v7, $0x9  }
0xa5: {  	v5 =	vadd.f32 $-1.000000000e+00, v5;
	v7 =	vor.u32 $0x3F800000, v7;
	v6 =	vor.u32 $0x3F800000, v6  }
0xa6: {  	v8 =	vor.u32 $0x3F800000, v8;
	v9 =	vadd.f32 $-1.000000000e+00, v7;
	v10 =	vadd.f32 $-1.000000000e+00, v6  }
0xa7: {  	v61 =	vor.u32 s15, v0;
	v8 =	vadd.f32 $-1.000000000e+00, v8;
	v5 =	vadd.f32 $1.175494350e-38, v5  }
0xa8: {  	s14 =	sshll.u32 s13, $0xE;
	v62 =	vor.u32 s18, v0;
	v9 =	vadd.f32 $1.175494350e-38, v9;
	v10 =	vadd.f32 $1.175494350e-38, v10  }
0xa9: {  	s14 =	sor.u32 s4, s14;
	v6 =	vor.u32 s17, v0;
	v8 =	vadd.f32 $1.175494350e-38, v8;
	v11 =	vmax.f32 v5, $1.175494350e-38  }
0xaa: {  	s19 =	sshrl.u32 s14, $0x3;
	v12 =	vand.u32 $0x7FFFFF, v11;
	v9 =	vmax.f32 v9, $1.175494350e-38;
	v10 =	vmax.f32 v10, $1.175494350e-38  }
0xab: {  	s31 =	simm.s32 $0x0;
	s30 =	sadd.s32 s3, s19;
	v13 =	vmax.f32 v8, $1.175494350e-38;
	v12 =	vor.u32 $0x3F800000, v12;
	v8 =	vand.u32 $0x7FFFFF, v10  }
0xac: {  	[tilespmem:s31], [sflag:$0x1] =	stream.linear.gather [hbm4b:s30+s31], $0x4000, $0x38;
	v15 =	vand.u32 $0x7FFFFF, v13;
	v54 =	vand.u32 $0x7FFFFF, v9;
	v14 =	vmul.f32 $5.000000000e-01, v12;
	[tilespmem:$0x4100] =	vst v63  }
0xad: {  	_ =	swait.ge [sflag:s8], $0x4000;
	vm1 =	vgt.f32 v12, $1.414213540e+00;
	v15 =	vor.u32 $0x3F800000, v15;
	v16 =	vor.u32 $0x3F800000, v54  }
0xae: {  	[sflag:s8] =	ssyncset.done $0x0;
	v21 =	vmul.f32 $5.000000000e-01, v16;
	v12 =	vsel vm1, v14, v12;
	v14 =	vmul.f32 $5.000000000e-01, v15  }
0xaf: {  	[sflag:s8] =	ssyncadd.s32 $0xFFFFC000;
	s17 =	simm.s32 $0x20;
	vm0 =	vgt.f32 v15, $1.414213540e+00;
	vm2 =	vgt.f32 v16, $1.414213540e+00;
	v57 =	vadd.f32 $1.000000000e+00, v12  }
0xb0: {  	s14 =	sadd.s32 $0x40, s12;
	v55 =	vld [tilespmem:s17+$0x10];
	v8 =	vor.u32 $0x3F800000, v8;
	v16 =	vsel vm2, v21, v16;
	v14 =	vsel vm0, v14, v15  }
0xb1: {  	s15 =	sadd.s32 $0x20, s14;
	v56 =	vld [tilespmem:s17+$0x0];
	v15 =	vmul.f32 $5.000000000e-01, v8;
	v23 =	vadd.f32 $1.000000000e+00, v14;
	(erf) = vrcp.f32 v57  }
0xb2: {  	v32 =	vor.u32 s15, v1;
	v22 =	vld [tilespmem:s17+$0xFFFFFFE0];
	vm3 =	vgt.f32 v8, $1.414213540e+00;
	v58 =	vadd.f32 $1.000000000e+00, v16  }
0xb3: {  	v7 =	vor.u32 s14, v1;
	v15 =	vsel vm3, v15, v8;
	(erf) = vrcp.f32 v23  }
0xb4: {  	v5 =	vor.u32 s16, v0;
	s16 =	sadd.s32 $0x30, s14;
	v59 =	vadd.f32 $1.000000000e+00, v15;
	(erf) = vrcp.f32 v58  }
0xb5: {  	v20 =	vld [tilespmem:s17+$0xFFFFFFF0];
	v63 =	vor.u32 s16, v1;
	v11 =	vshra.s32 v11, $0x17;
	v17 =	vmul.f32 $-8.333333010e+00, v55  }
0xb6: {  	v10 =	vshra.s32 v10, $0x17;
	v18 =	vmul.f32 $-8.333333010e+00, v56;
	(erf) = vrcp.f32 v59  }
0xb7: {  	v9 =	vshra.s32 v9, $0x17;
	v13 =	vshra.s32 v13, $0x17;
	v60 =	vmul.f32 $-8.333333010e+00, v22  }
0xb8: {  	v34 =	vsel vm1, $0x1, v2;
	v17 =	vmul.f32 $1.442695020e+00, v17;
	v18 =	vmul.f32 $1.442695020e+00, v18  }
0xb9: {  	v19 =	vmul.f32 $1.442695020e+00, v60;
	v37 =	vsel vm3, $0x1, v2;
	v12 =	vadd.f32 $-1.000000000e+00, v12  }
0xba: {  	v25 =	vsel vm2, $0x1, v2;
	v26 =	vsel vm0, $0x1, v2;
	v8 =	vmul.f32 $-8.333333010e+00, v20;
	v33 =	vpop (erf)  }
0xbb: {  	v11 =	vadd.s32 v34, v11;
	v14 =	vadd.f32 $-1.000000000e+00, v14;
	v12 =	vmul.f32 v33, v12  }
0xbc: {  	v16 =	vadd.f32 $-1.000000000e+00, v16;
	v31 =	vmul.f32 $1.442695020e+00, v8;
	(erf) = vpow2.f32 v17;
	v35 =	vpop (erf)  }
0xbd: {  	v10 =	vadd.s32 v37, v10;
	v36 =	vmul.f32 v12, v12;
	v14 =	vmul.f32 v35, v14;
	v24 =	vpop (erf)  }
0xbe: {  	v15 =	vadd.f32 $-1.000000000e+00, v15;
	(erf) = vpow2.f32 v18;
	v16 =	vmul.f32 v24, v16  }
0xbf: {  	v13 =	vadd.s32 v26, v13;
	v28 =	vpop (erf);
	v38 =	vmul.f32 $1.111111120e-01, v36;
	v27 =	vmul.f32 v14, v14  }
0xc0: {  	v9 =	vadd.s32 v25, v9;
	(erf) = vpow2.f32 v31;
	v15 =	vmul.f32 v28, v15  }
0xc1: {  	v41 =	vmul.f32 v16, v16;
	v39 =	vadd.f32 $1.428571490e-01, v38;
	v40 =	vmul.f32 $1.111111120e-01, v27  }
0xc2: {  	v11 =	vadd.s32 $0xFFFFFF81, v11;
	(erf) = vpow2.f32 v19;
	v42 =	vmul.f32 v15, v15  }
0xc3: {  	v43 =	vmul.f32 $1.111111120e-01, v41;
	v18 =	vmul.f32 v39, v36;
	v19 =	vadd.f32 $1.428571490e-01, v40  }
0xc4: {  	v10 =	vadd.s32 $0xFFFFFF81, v10;
	v11 =	vcvt.s32.f32 v11;
	v44 =	vmul.f32 $1.111111120e-01, v42  }
0xc5: {  	v26 =	vadd.f32 $1.428571490e-01, v43;
	v18 =	vadd.f32 $2.000000030e-01, v18;
	v19 =	vmul.f32 v19, v27  }
0xc6: {  	v9 =	vadd.s32 $0xFFFFFF81, v9;
	v10 =	vcvt.s32.f32 v10;
	v28 =	vadd.f32 $1.428571490e-01, v44  }
0xc7: {  	v26 =	vmul.f32 v26, v41;
	v18 =	vmul.f32 v18, v36;
	v19 =	vadd.f32 $2.000000030e-01, v19  }
0xc8: {  	v13 =	vadd.s32 $0xFFFFFF81, v13;
	v9 =	vcvt.s32.f32 v9;
	v28 =	vmul.f32 v28, v42  }
0xc9: {  	v26 =	vadd.f32 $2.000000030e-01, v26;
	v18 =	vadd.f32 $3.333333430e-01, v18;
	v19 =	vmul.f32 v19, v27  }
0xca: {  	v13 =	vcvt.s32.f32 v13;
	v12 =	vadd.f32 v12, v12;
	v28 =	vadd.f32 $2.000000030e-01, v28  }
0xcb: {  	v45 =	vmul.f32 v26, v41;
	v18 =	vmul.f32 v18, v36;
	v19 =	vadd.f32 $3.333333430e-01, v19  }
0xcc: {  	v11 =	vmul.f32 $-6.931471820e-01, v11;
	v14 =	vadd.f32 v14, v14;
	v46 =	vmul.f32 v28, v42  }
0xcd: {  	v23 =	vadd.f32 $3.333333430e-01, v45;
	v18 =	vmul.f32 v18, v12;
	v19 =	vmul.f32 v19, v27  }
0xce: {  	v13 =	vmul.f32 $-6.931471820e-01, v13;
	v16 =	vadd.f32 v16, v16;
	v26 =	vadd.f32 $3.333333430e-01, v46  }
0xcf: {  	v47 =	vpop (erf);
	v49 =	vmul.f32 v23, v41;
	v12 =	vadd.f32 v18, v12;
	v48 =	vmul.f32 v19, v14  }
0xd0: {  	v9 =	vmul.f32 $-6.931471820e-01, v9;
	v50 =	vpop (erf);
	v15 =	vadd.f32 v15, v15;
	v51 =	vmul.f32 v26, v42  }
0xd1: {  	s18 =	sadd.s32 $0x10, s14;
	v52 =	vpop (erf);
	v11 =	vsub.f32 v11, v12;
	v12 =	vadd.f32 v48, v14;
	v14 =	vmul.f32 v49, v16  }
0xd2: {  	v54 =	vor.u32 s18, v1;
	v10 =	vmul.f32 $-6.931471820e-01, v10;
	v53 =	vpop (erf);
	v24 =	vmul.f32 v51, v15  }
0xd3: {  	v11 =	vmul.f32 v53, v11;
	v12 =	vsub.f32 v13, v12;
	v13 =	vadd.f32 v14, v16  }
0xd4: {  	v8 =	vadd.s32 $0xB1A83721, v7;
	v7 =	vadd.s32 $0xADD083F4, v7;
	v14 =	vadd.f32 v24, v15  }
0xd5: {  	vm12 =	vlt.f32 v11, v3;
	v12 =	vmul.f32 v52, v12;
	v9 =	vsub.f32 v9, v13  }
0xd6: {  	v55 =	vshrl.u32 v7, $0x13;
	v3 =	vsel vm12, v11, v3;
	v4 =	vsel vm12, v6, v4  }
0xd7: {  	vm13 =	vlt.f32 v12, v3;
	v6 =	vmul.f32 v50, v9;
	v9 =	vsub.f32 v10, v14  }
0xd8: {  	v15 =	vadd.s32 $0xADD083F4, v32;
	v13 =	vadd.s32 $0xB1A83721, v63;
	v3 =	vsel vm13, v12, v3  }
0xd9: {  	v11 =	vadd.s32 $0xADD083F4, v63;
	vm14 =	vlt.f32 v6, v3;
	v9 =	vmul.f32 v47, v9  }
0xda: {  	v10 =	vadd.s32 $0xB1A83721, v32;
	v4 =	vsel vm13, v62, v4;
	v3 =	vsel vm14, v6, v3  }
0xdb: {  	v14 =	vadd.s32 $0xADD083F4, v54;
	v6 =	vsel vm14, v61, v4;
	vm15 =	vlt.f32 v9, v3  }
0xdc: {  	v12 =	vadd.s32 $0xB1A83721, v54;
	v4 =	vsel vm15, v9, v3;
	v3 =	vsel vm15, v5, v6  }
0xdd: {  	v5 =	vshll.u32 v7, $0xD;
	v6 =	vshrl.u32 v11, $0x13;
	v7 =	vshll.u32 v11, $0xD  }
0xde: {  	v9 =	vshrl.u32 v14, $0x13;
	v11 =	vshrl.u32 v15, $0x13;
	v15 =	vshll.u32 v15, $0xD  }
0xdf: {  	v14 =	vshll.u32 v14, $0xD;
	v5 =	vor.u32 v55, v5;
	v6 =	vor.u32 v6, v7  }
0xe0: {  	v7 =	vor.u32 v9, v14;
	v9 =	vor.u32 v11, v15;
	v5 =	vxor.u32 v8, v5  }
0xe1: {  	v9 =	vxor.u32 v10, v9;
	v6 =	vxor.u32 v13, v6;
	v7 =	vxor.u32 v12, v7  }
0xe2: {  	v8 =	vadd.s32 v8, v5;
	v11 =	vshrl.u32 v5, $0x11;
	v5 =	vshll.u32 v5, $0xF  }
0xe3: {  	v13 =	vadd.s32 v13, v6;
	v14 =	vshrl.u32 v6, $0x11;
	v6 =	vshll.u32 v6, $0xF  }
0xe4: {  	v10 =	vadd.s32 v10, v9;
	v15 =	vshrl.u32 v9, $0x11;
	v9 =	vshll.u32 v9, $0xF  }
0xe5: {  	v12 =	vadd.s32 v12, v7;
	v56 =	vshrl.u32 v7, $0x11;
	v7 =	vshll.u32 v7, $0xF  }
0xe6: {  	v5 =	vor.u32 v11, v5;
	v9 =	vor.u32 v15, v9;
	v6 =	vor.u32 v14, v6  }
0xe7: {  	v7 =	vor.u32 v56, v7;
	v5 =	vxor.u32 v8, v5;
	v6 =	vxor.u32 v13, v6  }
0xe8: {  	v7 =	vxor.u32 v12, v7;
	v9 =	vxor.u32 v10, v9;
	v8 =	vadd.s32 v8, v5  }
0xe9: {  	v11 =	vshrl.u32 v5, $0x6;
	v5 =	vshll.u32 v5, $0x1A;
	v13 =	vadd.s32 v13, v6  }
0xea: {  	v10 =	vadd.s32 v10, v9;
	v14 =	vshrl.u32 v6, $0x6;
	v6 =	vshll.u32 v6, $0x1A  }
0xeb: {  	v12 =	vadd.s32 v12, v7;
	v15 =	vshrl.u32 v9, $0x6;
	v9 =	vshll.u32 v9, $0x1A  }
0xec: {  	v5 =	vor.u32 v11, v5;
	v11 =	vshrl.u32 v7, $0x6;
	v7 =	vshll.u32 v7, $0x1A  }
0xed: {  	v9 =	vor.u32 v15, v9;
	v6 =	vor.u32 v14, v6;
	v7 =	vor.u32 v11, v7  }
0xee: {  	v5 =	vxor.u32 v8, v5;
	v9 =	vxor.u32 v10, v9;
	v6 =	vxor.u32 v13, v6  }
0xef: {  	v8 =	vadd.s32 v8, v5;
	v11 =	vshrl.u32 v5, $0x1A;
	v7 =	vxor.u32 v12, v7  }
0xf0: {  	v5 =	vshll.u32 v5, $0x6;
	v13 =	vadd.s32 v13, v6;
	v14 =	vshrl.u32 v6, $0x1A  }
0xf1: {  	v10 =	vadd.s32 v10, v9;
	v15 =	vshrl.u32 v9, $0x1A;
	v6 =	vshll.u32 v6, $0x6  }
0xf2: {  	v9 =	vshll.u32 v9, $0x6;
	v12 =	vadd.s32 v12, v7;
	v57 =	vshrl.u32 v7, $0x1A  }
0xf3: {  	v5 =	vor.u32 v11, v5;
	v7 =	vshll.u32 v7, $0x6;
	v6 =	vor.u32 v14, v6  }
0xf4: {  	v9 =	vor.u32 v15, v9;
	v5 =	vxor.u32 v8, v5;
	v7 =	vor.u32 v57, v7  }
0xf5: {  	v9 =	vxor.u32 v10, v9;
	v6 =	vxor.u32 v13, v6;
	v7 =	vxor.u32 v12, v7  }
0xf6: {  	v5 =	vadd.s32 $0xB5D62B04, v5;
	v9 =	vadd.s32 $0xB5D62B04, v9;
	v6 =	vadd.s32 $0xB5D62B04, v6  }
0xf7: {  	v8 =	vadd.s32 v5, v8;
	v11 =	vshrl.u32 v5, $0xF;
	v7 =	vadd.s32 $0xB5D62B04, v7  }
0xf8: {  	v5 =	vshll.u32 v5, $0x11;
	v13 =	vadd.s32 v6, v13;
	v14 =	vshrl.u32 v6, $0xF  }
0xf9: {  	v10 =	vadd.s32 v9, v10;
	v15 =	vshrl.u32 v9, $0xF;
	v6 =	vshll.u32 v6, $0x11  }
0xfa: {  	v9 =	vshll.u32 v9, $0x11;
	v12 =	vadd.s32 v7, v12;
	v58 =	vshrl.u32 v7, $0xF  }
0xfb: {  	v8 =	vadd.s32 $0xADD083F4, v8;
	v5 =	vor.u32 v11, v5;
	v7 =	vshll.u32 v7, $0x11  }
0xfc: {  	v10 =	vadd.s32 $0xADD083F4, v10;
	v11 =	vadd.s32 $0xADD083F4, v13;
	v6 =	vor.u32 v14, v6  }
0xfd: {  	v9 =	vor.u32 v15, v9;
	v12 =	vadd.s32 $0xADD083F4, v12;
	v7 =	vor.u32 v58, v7  }
0xfe: {  	v5 =	vxor.u32 v8, v5;
	v9 =	vxor.u32 v10, v9;
	v6 =	vxor.u32 v11, v6  }
0xff: {  	v8 =	vadd.s32 v8, v5;
	v13 =	vshrl.u32 v5, $0x3;
	v7 =	vxor.u32 v12, v7  }
0x100: {  	v5 =	vshll.u32 v5, $0x1D;
	v11 =	vadd.s32 v11, v6;
	v14 =	vshrl.u32 v6, $0x3  }
0x101: {  	v10 =	vadd.s32 v10, v9;
	v15 =	vshrl.u32 v9, $0x3;
	v6 =	vshll.u32 v6, $0x1D  }
0x102: {  	v9 =	vshll.u32 v9, $0x1D;
	v12 =	vadd.s32 v12, v7;
	v59 =	vshrl.u32 v7, $0x3  }
0x103: {  	v5 =	vor.u32 v13, v5;
	v7 =	vshll.u32 v7, $0x1D;
	v6 =	vor.u32 v14, v6  }
0x104: {  	v9 =	vor.u32 v15, v9;
	v5 =	vxor.u32 v8, v5;
	v7 =	vor.u32 v59, v7  }
0x105: {  	v9 =	vxor.u32 v10, v9;
	v6 =	vxor.u32 v11, v6;
	v8 =	vadd.s32 v8, v5  }
0x106: {  	v13 =	vshrl.u32 v5, $0x10;
	v5 =	vshll.u32 v5, $0x10;
	v7 =	vxor.u32 v12, v7  }
0x107: {  	v11 =	vadd.s32 v11, v6;
	v14 =	vshrl.u32 v6, $0x10;
	v6 =	vshll.u32 v6, $0x10  }
0x108: {  	v10 =	vadd.s32 v10, v9;
	v15 =	vshrl.u32 v9, $0x10;
	v9 =	vshll.u32 v9, $0x10  }
0x109: {  	v12 =	vadd.s32 v12, v7;
	v60 =	vshrl.u32 v7, $0x10;
	v7 =	vshll.u32 v7, $0x10  }
0x10a: {  	v5 =	vor.u32 v13, v5;
	v9 =	vor.u32 v15, v9;
	v6 =	vor.u32 v14, v6  }
0x10b: {  	v5 =	vxor.u32 v8, v5;
	v7 =	vor.u32 v60, v7;
	v6 =	vxor.u32 v11, v6  }
0x10c: {  	v9 =	vxor.u32 v10, v9;
	v8 =	vadd.s32 v8, v5;
	v7 =	vxor.u32 v12, v7  }
0x10d: {  	v13 =	vshrl.u32 v5, $0x8;
	v5 =	vshll.u32 v5, $0x18;
	v11 =	vadd.s32 v11, v6  }
0x10e: {  	v10 =	vadd.s32 v10, v9;
	v14 =	vshrl.u32 v6, $0x8;
	v6 =	vshll.u32 v6, $0x18  }
0x10f: {  	v15 =	vshrl.u32 v9, $0x8;
	v9 =	vshll.u32 v9, $0x18;
	v12 =	vadd.s32 v12, v7  }
0x110: {  	v5 =	vor.u32 v13, v5;
	v13 =	vshrl.u32 v7, $0x8;
	v7 =	vshll.u32 v7, $0x18  }
0x111: {  	v9 =	vor.u32 v15, v9;
	v6 =	vor.u32 v14, v6;
	v7 =	vor.u32 v13, v7  }
0x112: {  	v5 =	vxor.u32 v8, v5;
	v9 =	vxor.u32 v10, v9;
	v6 =	vxor.u32 v11, v6  }
0x113: {  	v5 =	vadd.s32 $0x3D7B32F, v5;
	v7 =	vxor.u32 v12, v7;
	v6 =	vadd.s32 $0x3D7B32F, v6  }
0x114: {  	v9 =	vadd.s32 $0x3D7B32F, v9;
	v8 =	vadd.s32 v5, v8;
	v7 =	vadd.s32 $0x3D7B32F, v7  }
0x115: {  	v13 =	vshrl.u32 v5, $0x13;
	v5 =	vshll.u32 v5, $0xD;
	v11 =	vadd.s32 v6, v11  }
0x116: {  	v10 =	vadd.s32 v9, v10;
	v14 =	vshrl.u32 v6, $0x13;
	v6 =	vshll.u32 v6, $0xD  }
0x117: {  	v15 =	vshrl.u32 v9, $0x13;
	v9 =	vshll.u32 v9, $0xD;
	v12 =	vadd.s32 v7, v12  }
0x118: {  	v8 =	vadd.s32 $0xB5D62B03, v8;
	v61 =	vshrl.u32 v7, $0x13;
	v7 =	vshll.u32 v7, $0xD  }
0x119: {  	v5 =	vor.u32 v13, v5;
	v11 =	vadd.s32 $0xB5D62B03, v11;
	v6 =	vor.u32 v14, v6  }
0x11a: {  	v10 =	vadd.s32 $0xB5D62B03, v10;
	v9 =	vor.u32 v15, v9;
	v12 =	vadd.s32 $0xB5D62B03, v12  }
0x11b: {  	v5 =	vxor.u32 v8, v5;
	v7 =	vor.u32 v61, v7;
	v6 =	vxor.u32 v11, v6  }
0x11c: {  	v9 =	vxor.u32 v10, v9;
	v8 =	vadd.s32 v8, v5;
	v7 =	vxor.u32 v12, v7  }
0x11d: {  	v13 =	vshrl.u32 v5, $0x11;
	v5 =	vshll.u32 v5, $0xF;
	v11 =	vadd.s32 v11, v6  }
0x11e: {  	v10 =	vadd.s32 v10, v9;
	v14 =	vshrl.u32 v6, $0x11;
	v6 =	vshll.u32 v6, $0xF  }
0x11f: {  	v15 =	vshrl.u32 v9, $0x11;
	v9 =	vshll.u32 v9, $0xF;
	v12 =	vadd.s32 v12, v7  }
0x120: {  	v5 =	vor.u32 v13, v5;
	v13 =	vshrl.u32 v7, $0x11;
	v7 =	vshll.u32 v7, $0xF  }
0x121: {  	v9 =	vor.u32 v15, v9;
	v6 =	vor.u32 v14, v6;
	v7 =	vor.u32 v13, v7  }
0x122: {  	v5 =	vxor.u32 v8, v5;
	v9 =	vxor.u32 v10, v9;
	v13 =	vxor.u32 v11, v6  }
0x123: {  	v14 =	vadd.s32 v8, v5;
	v15 =	vshrl.u32 v5, $0x6;
	v62 =	vxor.u32 v12, v7  }
0x124: {  	v5 =	vshll.u32 v5, $0x1A;
	v8 =	vadd.s32 v11, v13;
	v11 =	vshrl.u32 v13, $0x6  }
0x125: {  	v6 =	vadd.s32 v10, v9;
	v10 =	vshrl.u32 v9, $0x6;
	v13 =	vshll.u32 v13, $0x1A  }
0x126: {  	v9 =	vshll.u32 v9, $0x1A;
	v7 =	vadd.s32 v12, v62;
	v12 =	vshrl.u32 v62, $0x6  }
0x127: {  	v5 =	vor.u32 v15, v5;
	v15 =	vshll.u32 v62, $0x1A;
	v13 =	vor.u32 v11, v13  }
0x128: {  	v9 =	vor.u32 v10, v9;
	v63 =	vxor.u32 v14, v5;
	v12 =	vor.u32 v12, v15  }
0x129: {  	v11 =	vxor.u32 v6, v9;
	v13 =	vxor.u32 v8, v13;
	v5 =	vadd.s32 v14, v63  }
0x12a: {  	s19 =	simm.s32 $0x80;
	v9 =	vshrl.u32 v63, $0x1A;
	v10 =	vshll.u32 v63, $0x6;
	v12 =	vxor.u32 v7, v12  }
.LBB2_3:
0x12b: {  	p0 =	sne.s32 s19, $0x3FC0;
	v8 =	vadd.s32 v8, v13;
	v14 =	vshrl.u32 v13, $0x1A;
	v13 =	vshll.u32 v13, $0x6  }
0x12c: {  	v6 =	vadd.s32 v6, v11;
	v15 =	vshrl.u32 v11, $0x1A;
	v11 =	vshll.u32 v11, $0x6  }
0x12d: {  	v7 =	vadd.s32 v7, v12;
	v16 =	vshrl.u32 v12, $0x1A;
	v12 =	vshll.u32 v12, $0x6  }
0x12e: {  	v9 =	vor.u32 v9, v10;
	v10 =	vor.u32 v15, v11;
	v11 =	vor.u32 v14, v13  }
0x12f: {  	v9 =	vxor.u32 v5, v9;
	v12 =	vor.u32 v16, v12;
	v11 =	vxor.u32 v8, v11  }
0x130: {  	v9 =	vadd.s32 $0xADD083F7, v9;
	v12 =	vxor.u32 v7, v12;
	v10 =	vxor.u32 v6, v10  }
0x131: {  	v12 =	vadd.s32 $0xADD083F7, v12;
	v10 =	vadd.s32 $0xADD083F7, v10;
	v11 =	vadd.s32 $0xADD083F7, v11  }
0x132: {  	v5 =	vadd.s32 v9, v5;
	v13 =	vshrl.u32 v9, $0xF;
	v9 =	vshll.u32 v9, $0x11  }
0x133: {  	v8 =	vadd.s32 v11, v8;
	v14 =	vshrl.u32 v11, $0xF;
	v11 =	vshll.u32 v11, $0x11  }
0x134: {  	v6 =	vadd.s32 v10, v6;
	v15 =	vshrl.u32 v10, $0xF;
	v10 =	vshll.u32 v10, $0x11  }
0x135: {  	v7 =	vadd.s32 v12, v7;
	v16 =	vshrl.u32 v12, $0xF;
	v12 =	vshll.u32 v12, $0x11  }
0x136: {  	v5 =	vadd.s32 $0x3D7B32D, v5;
	v9 =	vor.u32 v13, v9;
	v8 =	vadd.s32 $0x3D7B32D, v8  }
0x137: {  	v6 =	vadd.s32 $0x3D7B32D, v6;
	v10 =	vor.u32 v15, v10;
	v11 =	vor.u32 v14, v11  }
0x138: {  	v9 =	vxor.u32 v5, v9;
	v7 =	vadd.s32 $0x3D7B32D, v7;
	v12 =	vor.u32 v16, v12  }
0x139: {  	v5 =	vadd.s32 v5, v9;
	v10 =	vxor.u32 v6, v10;
	v11 =	vxor.u32 v8, v11  }
0x13a: {  	v13 =	vshrl.u32 v9, $0x3;
	v9 =	vshll.u32 v9, $0x1D;
	v12 =	vxor.u32 v7, v12  }
0x13b: {  	v8 =	vadd.s32 v8, v11;
	v14 =	vshrl.u32 v11, $0x3;
	v11 =	vshll.u32 v11, $0x1D  }
0x13c: {  	v6 =	vadd.s32 v6, v10;
	v15 =	vshrl.u32 v10, $0x3;
	v10 =	vshll.u32 v10, $0x1D  }
0x13d: {  	v7 =	vadd.s32 v7, v12;
	v16 =	vshrl.u32 v12, $0x3;
	v12 =	vshll.u32 v12, $0x1D  }
0x13e: {  	v9 =	vor.u32 v13, v9;
	v10 =	vor.u32 v15, v10;
	v11 =	vor.u32 v14, v11  }
0x13f: {  	v9 =	vxor.u32 v5, v9;
	v12 =	vor.u32 v16, v12;
	v11 =	vxor.u32 v8, v11  }
0x140: {  	v5 =	vadd.s32 v5, v9;
	v12 =	vxor.u32 v7, v12;
	v10 =	vxor.u32 v6, v10  }
0x141: {  	v13 =	vshrl.u32 v9, $0x10;
	v9 =	vshll.u32 v9, $0x10;
	v8 =	vadd.s32 v8, v11  }
0x142: {  	v6 =	vadd.s32 v6, v10;
	v14 =	vshrl.u32 v11, $0x10;
	v11 =	vshll.u32 v11, $0x10  }
0x143: {  	v7 =	vadd.s32 v7, v12;
	v15 =	vshrl.u32 v10, $0x10;
	v10 =	vshll.u32 v10, $0x10  }
0x144: {  	v9 =	vor.u32 v13, v9;
	v13 =	vshrl.u32 v12, $0x10;
	v12 =	vshll.u32 v12, $0x10  }
0x145: {  	v12 =	vor.u32 v13, v12;
	v10 =	vor.u32 v15, v10;
	v11 =	vor.u32 v14, v11  }
0x146: {  	v9 =	vxor.u32 v5, v9;
	v10 =	vxor.u32 v6, v10;
	v11 =	vxor.u32 v8, v11  }
0x147: {  	v5 =	vadd.s32 v5, v9;
	v13 =	vshrl.u32 v9, $0x8;
	v12 =	vxor.u32 v7, v12  }
0x148: {  	v9 =	vshll.u32 v9, $0x18;
	v8 =	vadd.s32 v8, v11;
	v14 =	vshrl.u32 v11, $0x8  }
0x149: {  	v6 =	vadd.s32 v6, v10;
	v15 =	vshrl.u32 v10, $0x8;
	v11 =	vshll.u32 v11, $0x18  }
0x14a: {  	v7 =	vadd.s32 v7, v12;
	v16 =	vshrl.u32 v12, $0x8;
	v10 =	vshll.u32 v10, $0x18  }
0x14b: {  	v9 =	vor.u32 v13, v9;
	v12 =	vshll.u32 v12, $0x18;
	v11 =	vor.u32 v14, v11  }
0x14c: {  	v9 =	vxor.u32 v5, v9;
	v12 =	vor.u32 v16, v12;
	v10 =	vor.u32 v15, v10  }
0x14d: {  	v12 =	vxor.u32 v7, v12;
	v10 =	vxor.u32 v6, v10;
	v11 =	vxor.u32 v8, v11  }
0x14e: {  	v9 =	vadd.s32 $0xB5D62B07, v9;
	v10 =	vadd.s32 $0xB5D62B07, v10;
	v11 =	vadd.s32 $0xB5D62B07, v11  }
0x14f: {  	v5 =	vadd.s32 v9, v5;
	v13 =	vshrl.u32 v9, $0x13;
	v12 =	vadd.s32 $0xB5D62B07, v12  }
0x150: {  	v9 =	vshll.u32 v9, $0xD;
	v8 =	vadd.s32 v11, v8;
	v14 =	vshrl.u32 v11, $0x13  }
0x151: {  	v6 =	vadd.s32 v10, v6;
	v15 =	vshrl.u32 v10, $0x13;
	v11 =	vshll.u32 v11, $0xD  }
0x152: {  	v7 =	vadd.s32 v12, v7;
	v16 =	vshrl.u32 v12, $0x13;
	v10 =	vshll.u32 v10, $0xD  }
0x153: {  	v5 =	vadd.s32 $0xADD083F4, v5;
	v9 =	vor.u32 v13, v9;
	v12 =	vshll.u32 v12, $0xD  }
0x154: {  	v6 =	vadd.s32 $0xADD083F4, v6;
	v8 =	vadd.s32 $0xADD083F4, v8;
	v11 =	vor.u32 v14, v11  }
0x155: {  	v7 =	vadd.s32 $0xADD083F4, v7;
	v12 =	vor.u32 v16, v12;
	v10 =	vor.u32 v15, v10  }
0x156: {  	v9 =	vxor.u32 v5, v9;
	v10 =	vxor.u32 v6, v10;
	v11 =	vxor.u32 v8, v11  }
0x157: {  	v5 =	vadd.s32 v5, v9;
	v13 =	vshrl.u32 v9, $0x11;
	v12 =	vxor.u32 v7, v12  }
0x158: {  	v9 =	vshll.u32 v9, $0xF;
	v8 =	vadd.s32 v8, v11;
	v14 =	vshrl.u32 v11, $0x11  }
0x159: {  	v6 =	vadd.s32 v6, v10;
	v15 =	vshrl.u32 v10, $0x11;
	v11 =	vshll.u32 v11, $0xF  }
0x15a: {  	v7 =	vadd.s32 v7, v12;
	v16 =	vshrl.u32 v12, $0x11;
	v10 =	vshll.u32 v10, $0xF  }
0x15b: {  	v9 =	vor.u32 v13, v9;
	v12 =	vshll.u32 v12, $0xF;
	v11 =	vor.u32 v14, v11  }
0x15c: {  	v9 =	vxor.u32 v5, v9;
	v12 =	vor.u32 v16, v12;
	v10 =	vor.u32 v15, v10  }
0x15d: {  	v5 =	vadd.s32 v5, v9;
	v10 =	vxor.u32 v6, v10;
	v11 =	vxor.u32 v8, v11  }
0x15e: {  	v13 =	vshrl.u32 v9, $0x6;
	v9 =	vshll.u32 v9, $0x1A;
	v12 =	vxor.u32 v7, v12  }
0x15f: {  	v8 =	vadd.s32 v8, v11;
	v14 =	vshrl.u32 v11, $0x6;
	v11 =	vshll.u32 v11, $0x1A  }
0x160: {  	v6 =	vadd.s32 v6, v10;
	v15 =	vshrl.u32 v10, $0x6;
	v10 =	vshll.u32 v10, $0x1A  }
0x161: {  	v7 =	vadd.s32 v7, v12;
	v16 =	vshrl.u32 v12, $0x6;
	v12 =	vshll.u32 v12, $0x1A  }
0x162: {  	v9 =	vor.u32 v13, v9;
	v10 =	vor.u32 v15, v10;
	v11 =	vor.u32 v14, v11  }
0x163: {  	v9 =	vxor.u32 v5, v9;
	v12 =	vor.u32 v16, v12;
	v11 =	vxor.u32 v8, v11  }
0x164: {  	v5 =	vadd.s32 v5, v9;
	v12 =	vxor.u32 v7, v12;
	v10 =	vxor.u32 v6, v10  }
0x165: {  	v13 =	vshrl.u32 v9, $0x1A;
	v9 =	vshll.u32 v9, $0x6;
	v8 =	vadd.s32 v8, v11  }
0x166: {  	v6 =	vadd.s32 v6, v10;
	v14 =	vshrl.u32 v11, $0x1A;
	v11 =	vshll.u32 v11, $0x6  }
0x167: {  	v15 =	vadd.s32 $0xB5D62B03, v5;
	v16 =	vshrl.u32 v10, $0x1A;
	v10 =	vshll.u32 v10, $0x6  }
0x168: {  	v7 =	vadd.s32 v7, v12;
	v17 =	vshrl.u32 v12, $0x1A;
	v12 =	vshll.u32 v12, $0x6  }
0x169: {  	v9 =	vor.u32 v13, v9;
	v13 =	vadd.s32 $0xB5D62B03, v6;
	v18 =	vadd.s32 $0xB5D62B03, v8  }
0x16a: {  	v19 =	vadd.s32 $0xB5D62B03, v7;
	v10 =	vor.u32 v16, v10;
	v11 =	vor.u32 v14, v11  }
0x16b: {  	v5 =	vxor.u32 v5, v9;
	v9 =	vor.u32 v17, v12;
	v8 =	vxor.u32 v8, v11  }
0x16c: {  	v5 =	vadd.s32 $0x3D7B332, v5;
	v7 =	vxor.u32 v7, v9;
	v6 =	vxor.u32 v6, v10  }
0x16d: {  	v7 =	vadd.s32 $0x3D7B332, v7;
	v6 =	vadd.s32 $0x3D7B332, v6;
	v8 =	vadd.s32 $0x3D7B332, v8  }
0x16e: {  	v5 =	vxor.u32 v15, v5;
	v6 =	vxor.u32 v13, v6;
	v8 =	vxor.u32 v18, v8  }
0x16f: {  	v5 =	vshrl.u32 v5, $0x9;
	v7 =	vxor.u32 v19, v7;
	v8 =	vshrl.u32 v8, $0x9  }
0x170: {  	v5 =	vor.u32 $0x3F800000, v5;
	v7 =	vshrl.u32 v7, $0x9;
	v6 =	vshrl.u32 v6, $0x9  }
0x171: {  	v5 =	vadd.f32 $-1.000000000e+00, v5;
	v6 =	vor.u32 $0x3F800000, v6;
	v8 =	vor.u32 $0x3F800000, v8  }
0x172: {  	v7 =	vor.u32 $0x3F800000, v7;
	v9 =	vadd.f32 $-1.000000000e+00, v6;
	v8 =	vadd.f32 $-1.000000000e+00, v8  }
0x173: {  	v6 =	vor.u32 s14, v0;
	s14 =	sadd.s32 s19, s12;
	v10 =	vadd.f32 $-1.000000000e+00, v7;
	v5 =	vadd.f32 $1.175494350e-38, v5  }
0x174: {  	v7 =	vor.u32 s14, v1;
	v9 =	vadd.f32 $1.175494350e-38, v9;
	v8 =	vadd.f32 $1.175494350e-38, v8  }
0x175: {  	v10 =	vadd.f32 $1.175494350e-38, v10;
	v13 =	vmax.f32 v5, $1.175494350e-38;
	v5 =	vor.u32 s16, v0  }
0x176: {  	v11 =	vand.u32 $0x7FFFFF, v13;
	v14 =	vmax.f32 v9, $1.175494350e-38;
	v15 =	vmax.f32 v8, $1.175494350e-38  }
0x177: {  	v16 =	vmax.f32 v10, $1.175494350e-38;
	v8 =	vor.u32 $0x3F800000, v11;
	v9 =	vand.u32 $0x7FFFFF, v15  }
0x178: {  	s17 =	sadd.s32 $0x40, s17;
	v11 =	vand.u32 $0x7FFFFF, v16;
	v12 =	vand.u32 $0x7FFFFF, v14;
	v10 =	vmul.f32 $5.000000000e-01, v8  }
0x179: {  	vm1 =	vgt.f32 v8, $1.414213540e+00;
	v11 =	vor.u32 $0x3F800000, v11;
	v9 =	vor.u32 $0x3F800000, v9;
	v17 =	vld [tilespmem:s17+$0x10]  }
0x17a: {  	v12 =	vor.u32 $0x3F800000, v12;
	v18 =	vsel vm1, v10, v8;
	v8 =	vmul.f32 $5.000000000e-01, v11;
	v10 =	vld [tilespmem:s17+$0x0]  }
0x17b: {  	vm0 =	vgt.f32 v11, $1.414213540e+00;
	v21 =	vmul.f32 $5.000000000e-01, v12;
	v19 =	vadd.f32 $1.000000000e+00, v18;
	v20 =	vld [tilespmem:s17+$0xFFFFFFF0]  }
0x17c: {  	vm2 =	vgt.f32 v12, $1.414213540e+00;
	v23 =	vsel vm0, v8, v11;
	v8 =	vmul.f32 $5.000000000e-01, v9;
	v22 =	vld [tilespmem:s17+$0xFFFFFFE0]  }
0x17d: {  	v21 =	vsel vm2, v21, v12;
	v11 =	vadd.f32 $1.000000000e+00, v23;
	(erf) = vrcp.f32 v19  }
0x17e: {  	vm3 =	vgt.f32 v9, $1.414213540e+00;
	v12 =	vadd.f32 $1.000000000e+00, v21;
	v17 =	vmul.f32 $-8.333333010e+00, v17  }
0x17f: {  	v19 =	vsel vm3, v8, v9;
	v10 =	vmul.f32 $-8.333333010e+00, v10;
	(erf) = vrcp.f32 v11  }
0x180: {  	v8 =	vmul.f32 $-8.333333010e+00, v20;
	v20 =	vadd.f32 $1.000000000e+00, v19;
	(erf) = vrcp.f32 v12  }
0x181: {  	v9 =	vor.u32 s15, v0;
	v17 =	vmul.f32 $1.442695020e+00, v17;
	v22 =	vmul.f32 $-8.333333010e+00, v22  }
0x182: {  	s16 =	sadd.s32 $0x30, s14;
	v11 =	vor.u32 s18, v0;
	v24 =	vmul.f32 $1.442695020e+00, v10;
	(erf) = vrcp.f32 v20  }
0x183: {  	s15 =	sadd.s32 $0x20, s14;
	v12 =	vor.u32 s16, v1;
	v25 =	vmul.f32 $1.442695020e+00, v8;
	(erf) = vpow2.f32 v17  }
0x184: {  	v10 =	vor.u32 s15, v1;
	v17 =	vmul.f32 $1.442695020e+00, v22;
	(erf) = vpow2.f32 v24  }
0x185: {  	v18 =	vadd.f32 $-1.000000000e+00, v18;
	v8 =	vadd.s32 $0xB1A83721, v7;
	(erf) = vpow2.f32 v25  }
0x186: {  	v13 =	vshra.s32 v13, $0x17;
	v15 =	vshra.s32 v15, $0x17;
	v20 =	vpop (erf);
	(erf) = vpow2.f32 v17  }
0x187: {  	v14 =	vshra.s32 v14, $0x17;
	v17 =	vmul.f32 v20, v18;
	v18 =	vadd.f32 $-1.000000000e+00, v23  }
0x188: {  	v16 =	vshra.s32 v16, $0x17;
	v21 =	vadd.f32 $-1.000000000e+00, v21;
	v20 =	vsel vm1, $0x1, v2;
	v22 =	vpop (erf)  }
0x189: {  	v23 =	vmul.f32 v17, v17;
	v18 =	vmul.f32 v22, v18;
	v22 =	vsel vm3, $0x1, v2;
	v24 =	vpop (erf)  }
0x18a: {  	v19 =	vadd.f32 $-1.000000000e+00, v19;
	v25 =	vsel vm2, $0x1, v2;
	v21 =	vmul.f32 v24, v21  }
0x18b: {  	v26 =	vsel vm0, $0x1, v2;
	v24 =	vmul.f32 $1.111111120e-01, v23;
	v27 =	vmul.f32 v18, v18;
	v28 =	vpop (erf)  }
0x18c: {  	v13 =	vadd.s32 v20, v13;
	v15 =	vadd.s32 v22, v15;
	v19 =	vmul.f32 v28, v19;
	v20 =	vpop (erf)  }
0x18d: {  	v28 =	vmul.f32 v21, v21;
	v22 =	vadd.f32 $1.428571490e-01, v24;
	v24 =	vmul.f32 $1.111111120e-01, v27;
	v29 =	vpop (erf)  }
0x18e: {  	v16 =	vadd.s32 v26, v16;
	v14 =	vadd.s32 v25, v14;
	v25 =	vmul.f32 v19, v19;
	v26 =	vpop (erf)  }
0x18f: {  	v30 =	vmul.f32 $1.111111120e-01, v28;
	v22 =	vmul.f32 v22, v23;
	v24 =	vadd.f32 $1.428571490e-01, v24;
	v31 =	vpop (erf)  }
0x190: {  	v13 =	vadd.s32 $0xFFFFFF81, v13;
	v15 =	vadd.s32 $0xFFFFFF81, v15;
	v32 =	vmul.f32 $1.111111120e-01, v25  }
0x191: {  	v30 =	vadd.f32 $1.428571490e-01, v30;
	v22 =	vadd.f32 $2.000000030e-01, v22;
	v24 =	vmul.f32 v24, v27  }
0x192: {  	v14 =	vadd.s32 $0xFFFFFF81, v14;
	v13 =	vcvt.s32.f32 v13;
	v32 =	vadd.f32 $1.428571490e-01, v32  }
0x193: {  	v30 =	vmul.f32 v30, v28;
	v22 =	vmul.f32 v22, v23;
	v24 =	vadd.f32 $2.000000030e-01, v24  }
0x194: {  	v16 =	vadd.s32 $0xFFFFFF81, v16;
	v15 =	vcvt.s32.f32 v15;
	v32 =	vmul.f32 v32, v25  }
0x195: {  	v30 =	vadd.f32 $2.000000030e-01, v30;
	v22 =	vadd.f32 $3.333333430e-01, v22;
	v24 =	vmul.f32 v24, v27  }
0x196: {  	v14 =	vcvt.s32.f32 v14;
	v17 =	vadd.f32 v17, v17;
	v32 =	vadd.f32 $2.000000030e-01, v32  }
0x197: {  	v22 =	vmul.f32 v22, v23;
	v23 =	vadd.f32 $3.333333430e-01, v24;
	v24 =	vmul.f32 v30, v28  }
0x198: {  	v16 =	vcvt.s32.f32 v16;
	v18 =	vadd.f32 v18, v18;
	v30 =	vmul.f32 v32, v25  }
0x199: {  	v22 =	vmul.f32 v22, v17;
	v23 =	vmul.f32 v23, v27;
	v24 =	vadd.f32 $3.333333430e-01, v24  }
0x19a: {  	v13 =	vmul.f32 $-6.931471820e-01, v13;
	v21 =	vadd.f32 v21, v21;
	v27 =	vadd.f32 $3.333333430e-01, v30  }
0x19b: {  	v17 =	vadd.f32 v22, v17;
	v22 =	vmul.f32 v23, v18;
	v23 =	vmul.f32 v24, v28  }
0x19c: {  	v16 =	vmul.f32 $-6.931471820e-01, v16;
	v19 =	vadd.f32 v19, v19;
	v24 =	vmul.f32 v27, v25  }
0x19d: {  	s18 =	sadd.s32 $0x10, s14;
	v13 =	vsub.f32 v13, v17;
	v17 =	vadd.f32 v22, v18;
	v18 =	vmul.f32 v23, v21  }
0x19e: {  	v14 =	vmul.f32 $-6.931471820e-01, v14;
	v22 =	vor.u32 s18, v1;
	v23 =	vmul.f32 v24, v19  }
0x19f: {  	v13 =	vmul.f32 v31, v13;
	v16 =	vsub.f32 v16, v17;
	v17 =	vadd.f32 v18, v21  }
0x1a0: {  	v7 =	vadd.s32 $0xADD083F4, v7;
	v15 =	vmul.f32 $-6.931471820e-01, v15;
	v18 =	vadd.f32 v23, v19  }
0x1a1: {  	vm0 =	vlt.f32 v13, v4;
	v16 =	vmul.f32 v26, v16;
	v14 =	vsub.f32 v14, v17  }
0x1a2: {  	v17 =	vadd.s32 $0xB1A83721, v12;
	v4 =	vsel vm0, v13, v4;
	v3 =	vsel vm0, v6, v3  }
0x1a3: {  	v13 =	vsub.f32 v15, v18;
	vm0 =	vlt.f32 v16, v4;
	v6 =	vmul.f32 v29, v14  }
0x1a4: {  	v14 =	vadd.s32 $0xB1A83721, v10;
	v4 =	vsel vm0, v16, v4;
	v3 =	vsel vm0, v11, v3  }
0x1a5: {  	v11 =	vadd.s32 $0xADD083F4, v12;
	v12 =	vmul.f32 v20, v13;
	vm0 =	vlt.f32 v6, v4  }
0x1a6: {  	v13 =	vadd.s32 $0xB1A83721, v22;
	v4 =	vsel vm0, v6, v4;
	v3 =	vsel vm0, v9, v3  }
0x1a7: {  	v6 =	vadd.s32 $0xADD083F4, v22;
	v9 =	vadd.s32 $0xADD083F4, v10;
	vm0 =	vlt.f32 v12, v4  }
0x1a8: {  	v10 =	vshrl.u32 v7, $0x13;
	v4 =	vsel vm0, v12, v4;
	v3 =	vsel vm0, v5, v3  }
0x1a9: {  	v5 =	vshll.u32 v7, $0xD;
	v7 =	vshrl.u32 v11, $0x13;
	v11 =	vshll.u32 v11, $0xD  }
0x1aa: {  	v15 =	vshrl.u32 v9, $0x13;
	v9 =	vshll.u32 v9, $0xD;
	v12 =	vshrl.u32 v6, $0x13  }
0x1ab: {  	v6 =	vshll.u32 v6, $0xD;
	v5 =	vor.u32 v10, v5;
	v7 =	vor.u32 v7, v11  }
0x1ac: {  	v9 =	vor.u32 v15, v9;
	v6 =	vor.u32 v12, v6;
	v5 =	vxor.u32 v8, v5  }
0x1ad: {  	v9 =	vxor.u32 v14, v9;
	v7 =	vxor.u32 v17, v7;
	v8 =	vadd.s32 v8, v5  }
0x1ae: {  	v6 =	vxor.u32 v13, v6;
	v10 =	vshrl.u32 v5, $0x11;
	v5 =	vshll.u32 v5, $0xF  }
0x1af: {  	v11 =	vadd.s32 v17, v7;
	v12 =	vshrl.u32 v7, $0x11;
	v7 =	vshll.u32 v7, $0xF  }
0x1b0: {  	v14 =	vadd.s32 v14, v9;
	v15 =	vshrl.u32 v9, $0x11;
	v9 =	vshll.u32 v9, $0xF  }
0x1b1: {  	v13 =	vadd.s32 v13, v6;
	v16 =	vshrl.u32 v6, $0x11;
	v6 =	vshll.u32 v6, $0xF  }
0x1b2: {  	v9 =	vor.u32 v15, v9;
	v5 =	vor.u32 v10, v5;
	v7 =	vor.u32 v12, v7  }
0x1b3: {  	v6 =	vor.u32 v16, v6;
	v5 =	vxor.u32 v8, v5;
	v7 =	vxor.u32 v11, v7  }
0x1b4: {  	v9 =	vxor.u32 v14, v9;
	v6 =	vxor.u32 v13, v6;
	v8 =	vadd.s32 v8, v5  }
0x1b5: {  	v10 =	vshrl.u32 v5, $0x6;
	v5 =	vshll.u32 v5, $0x1A;
	v11 =	vadd.s32 v11, v7  }
0x1b6: {  	v12 =	vadd.s32 v14, v9;
	v14 =	vshrl.u32 v7, $0x6;
	v7 =	vshll.u32 v7, $0x1A  }
0x1b7: {  	v15 =	vshrl.u32 v9, $0x6;
	v9 =	vshll.u32 v9, $0x1A;
	v13 =	vadd.s32 v13, v6  }
0x1b8: {  	v5 =	vor.u32 v10, v5;
	v10 =	vshrl.u32 v6, $0x6;
	v6 =	vshll.u32 v6, $0x1A  }
0x1b9: {  	v9 =	vor.u32 v15, v9;
	v7 =	vor.u32 v14, v7;
	v6 =	vor.u32 v10, v6  }
0x1ba: {  	v9 =	vxor.u32 v12, v9;
	v5 =	vxor.u32 v8, v5;
	v7 =	vxor.u32 v11, v7  }
0x1bb: {  	v8 =	vadd.s32 v8, v5;
	v10 =	vshrl.u32 v5, $0x1A;
	v6 =	vxor.u32 v13, v6  }
0x1bc: {  	v5 =	vshll.u32 v5, $0x6;
	v11 =	vadd.s32 v11, v7;
	v14 =	vshrl.u32 v7, $0x1A  }
0x1bd: {  	v12 =	vadd.s32 v12, v9;
	v15 =	vshrl.u32 v9, $0x1A;
	v7 =	vshll.u32 v7, $0x6  }
0x1be: {  	v9 =	vshll.u32 v9, $0x6;
	v13 =	vadd.s32 v13, v6;
	v16 =	vshrl.u32 v6, $0x1A  }
0x1bf: {  	v5 =	vor.u32 v10, v5;
	v6 =	vshll.u32 v6, $0x6;
	v7 =	vor.u32 v14, v7  }
0x1c0: {  	v9 =	vor.u32 v15, v9;
	v5 =	vxor.u32 v8, v5;
	v6 =	vor.u32 v16, v6  }
0x1c1: {  	v9 =	vxor.u32 v12, v9;
	v7 =	vxor.u32 v11, v7;
	v6 =	vxor.u32 v13, v6  }
0x1c2: {  	v9 =	vadd.s32 $0xB5D62B04, v9;
	v5 =	vadd.s32 $0xB5D62B04, v5;
	v7 =	vadd.s32 $0xB5D62B04, v7  }
0x1c3: {  	v8 =	vadd.s32 v5, v8;
	v10 =	vshrl.u32 v5, $0xF;
	v6 =	vadd.s32 $0xB5D62B04, v6  }
0x1c4: {  	v5 =	vshll.u32 v5, $0x11;
	v11 =	vadd.s32 v7, v11;
	v14 =	vshrl.u32 v7, $0xF  }
0x1c5: {  	v12 =	vadd.s32 v9, v12;
	v15 =	vshrl.u32 v9, $0xF;
	v7 =	vshll.u32 v7, $0x11  }
0x1c6: {  	v9 =	vshll.u32 v9, $0x11;
	v13 =	vadd.s32 v6, v13;
	v16 =	vshrl.u32 v6, $0xF  }
0x1c7: {  	v8 =	vadd.s32 $0xADD083F4, v8;
	v5 =	vor.u32 v10, v5;
	v6 =	vshll.u32 v6, $0x11  }
0x1c8: {  	v10 =	vadd.s32 $0xADD083F4, v12;
	v11 =	vadd.s32 $0xADD083F4, v11;
	v7 =	vor.u32 v14, v7  }
0x1c9: {  	v9 =	vor.u32 v15, v9;
	v12 =	vadd.s32 $0xADD083F4, v13;
	v6 =	vor.u32 v16, v6  }
0x1ca: {  	v5 =	vxor.u32 v8, v5;
	v9 =	vxor.u32 v10, v9;
	v7 =	vxor.u32 v11, v7  }
0x1cb: {  	v8 =	vadd.s32 v8, v5;
	v13 =	vshrl.u32 v5, $0x3;
	v6 =	vxor.u32 v12, v6  }
0x1cc: {  	v5 =	vshll.u32 v5, $0x1D;
	v11 =	vadd.s32 v11, v7;
	v14 =	vshrl.u32 v7, $0x3  }
0x1cd: {  	v10 =	vadd.s32 v10, v9;
	v15 =	vshrl.u32 v9, $0x3;
	v7 =	vshll.u32 v7, $0x1D  }
0x1ce: {  	v9 =	vshll.u32 v9, $0x1D;
	v12 =	vadd.s32 v12, v6;
	v16 =	vshrl.u32 v6, $0x3  }
0x1cf: {  	v5 =	vor.u32 v13, v5;
	v6 =	vshll.u32 v6, $0x1D;
	v7 =	vor.u32 v14, v7  }
0x1d0: {  	v9 =	vor.u32 v15, v9;
	v5 =	vxor.u32 v8, v5;
	v6 =	vor.u32 v16, v6  }
0x1d1: {  	v9 =	vxor.u32 v10, v9;
	v7 =	vxor.u32 v11, v7;
	v8 =	vadd.s32 v8, v5  }
0x1d2: {  	v13 =	vshrl.u32 v5, $0x10;
	v5 =	vshll.u32 v5, $0x10;
	v6 =	vxor.u32 v12, v6  }
0x1d3: {  	v11 =	vadd.s32 v11, v7;
	v14 =	vshrl.u32 v7, $0x10;
	v7 =	vshll.u32 v7, $0x10  }
0x1d4: {  	v10 =	vadd.s32 v10, v9;
	v15 =	vshrl.u32 v9, $0x10;
	v9 =	vshll.u32 v9, $0x10  }
0x1d5: {  	v12 =	vadd.s32 v12, v6;
	v16 =	vshrl.u32 v6, $0x10;
	v6 =	vshll.u32 v6, $0x10  }
0x1d6: {  	v5 =	vor.u32 v13, v5;
	v9 =	vor.u32 v15, v9;
	v7 =	vor.u32 v14, v7  }
0x1d7: {  	v5 =	vxor.u32 v8, v5;
	v6 =	vor.u32 v16, v6;
	v7 =	vxor.u32 v11, v7  }
0x1d8: {  	v9 =	vxor.u32 v10, v9;
	v8 =	vadd.s32 v8, v5;
	v6 =	vxor.u32 v12, v6  }
0x1d9: {  	v13 =	vshrl.u32 v5, $0x8;
	v5 =	vshll.u32 v5, $0x18;
	v11 =	vadd.s32 v11, v7  }
0x1da: {  	v10 =	vadd.s32 v10, v9;
	v14 =	vshrl.u32 v7, $0x8;
	v7 =	vshll.u32 v7, $0x18  }
0x1db: {  	v15 =	vshrl.u32 v9, $0x8;
	v9 =	vshll.u32 v9, $0x18;
	v12 =	vadd.s32 v12, v6  }
0x1dc: {  	v5 =	vor.u32 v13, v5;
	v13 =	vshrl.u32 v6, $0x8;
	v6 =	vshll.u32 v6, $0x18  }
0x1dd: {  	v9 =	vor.u32 v15, v9;
	v7 =	vor.u32 v14, v7;
	v6 =	vor.u32 v13, v6  }
0x1de: {  	v5 =	vxor.u32 v8, v5;
	v9 =	vxor.u32 v10, v9;
	v7 =	vxor.u32 v11, v7  }
0x1df: {  	v5 =	vadd.s32 $0x3D7B32F, v5;
	v6 =	vxor.u32 v12, v6;
	v7 =	vadd.s32 $0x3D7B32F, v7  }
0x1e0: {  	v9 =	vadd.s32 $0x3D7B32F, v9;
	v8 =	vadd.s32 v5, v8;
	v6 =	vadd.s32 $0x3D7B32F, v6  }
0x1e1: {  	v13 =	vshrl.u32 v5, $0x13;
	v5 =	vshll.u32 v5, $0xD;
	v11 =	vadd.s32 v7, v11  }
0x1e2: {  	v10 =	vadd.s32 v9, v10;
	v14 =	vshrl.u32 v7, $0x13;
	v7 =	vshll.u32 v7, $0xD  }
0x1e3: {  	v15 =	vshrl.u32 v9, $0x13;
	v9 =	vshll.u32 v9, $0xD;
	v12 =	vadd.s32 v6, v12  }
0x1e4: {  	v8 =	vadd.s32 $0xB5D62B03, v8;
	v16 =	vshrl.u32 v6, $0x13;
	v6 =	vshll.u32 v6, $0xD  }
0x1e5: {  	v5 =	vor.u32 v13, v5;
	v11 =	vadd.s32 $0xB5D62B03, v11;
	v7 =	vor.u32 v14, v7  }
0x1e6: {  	v10 =	vadd.s32 $0xB5D62B03, v10;
	v9 =	vor.u32 v15, v9;
	v12 =	vadd.s32 $0xB5D62B03, v12  }
0x1e7: {  	v5 =	vxor.u32 v8, v5;
	v6 =	vor.u32 v16, v6;
	v7 =	vxor.u32 v11, v7  }
0x1e8: {  	v9 =	vxor.u32 v10, v9;
	v8 =	vadd.s32 v8, v5;
	v6 =	vxor.u32 v12, v6  }
0x1e9: {  	v13 =	vshrl.u32 v5, $0x11;
	v5 =	vshll.u32 v5, $0xF;
	v11 =	vadd.s32 v11, v7  }
0x1ea: {  	v10 =	vadd.s32 v10, v9;
	v14 =	vshrl.u32 v7, $0x11;
	v7 =	vshll.u32 v7, $0xF  }
0x1eb: {  	v15 =	vshrl.u32 v9, $0x11;
	v9 =	vshll.u32 v9, $0xF;
	v12 =	vadd.s32 v12, v6  }
0x1ec: {  	v5 =	vor.u32 v13, v5;
	v13 =	vshrl.u32 v6, $0x11;
	v6 =	vshll.u32 v6, $0xF  }
0x1ed: {  	v9 =	vor.u32 v15, v9;
	v7 =	vor.u32 v14, v7;
	v6 =	vor.u32 v13, v6  }
0x1ee: {  	v5 =	vxor.u32 v8, v5;
	v9 =	vxor.u32 v10, v9;
	v7 =	vxor.u32 v11, v7  }
0x1ef: {  	v13 =	vadd.s32 v8, v5;
	v14 =	vshrl.u32 v5, $0x6;
	v15 =	vxor.u32 v12, v6  }
0x1f0: {  	v5 =	vshll.u32 v5, $0x1A;
	v8 =	vadd.s32 v11, v7;
	v11 =	vshrl.u32 v7, $0x6  }
0x1f1: {  	v6 =	vadd.s32 v10, v9;
	v10 =	vshrl.u32 v9, $0x6;
	v16 =	vshll.u32 v7, $0x1A  }
.Ltmp0:
0x1f2: {  	v9 =	vshll.u32 v9, $0x1A;
	v7 =	vadd.s32 v12, v15;
	v12 =	vshrl.u32 v15, $0x6;
	(pc) =	sbr.rel @p0 .LBB2_3-.Ltmp0, $4  }
0x1f3: {  	v5 =	vor.u32 v14, v5;
	v14 =	vshll.u32 v15, $0x1A;
	v15 =	vor.u32 v11, v16  }
0x1f4: {  	v9 =	vor.u32 v10, v9;
	v16 =	vxor.u32 v13, v5;
	v12 =	vor.u32 v12, v14  }
0x1f5: {  	v11 =	vxor.u32 v6, v9;
	v5 =	vadd.s32 v13, v16;
	v13 =	vxor.u32 v8, v15  }
0x1f6: {  	s19 =	sadd.s32 $0x40, s19;
	v9 =	vshrl.u32 v16, $0x1A;
	v10 =	vshll.u32 v16, $0x6;
	v12 =	vxor.u32 v7, v12  }
0x1f7: {  	v8 =	vadd.s32 v8, v13;
	v14 =	vshrl.u32 v13, $0x1A;
	v62 =	vshll.u32 v13, $0x6  }
0x1f8: {  	v6 =	vadd.s32 v6, v11;
	v15 =	vshrl.u32 v11, $0x1A;
	v63 =	vshll.u32 v11, $0x6  }
0x1f9: {  	v7 =	vadd.s32 v7, v12;
	v16 =	vshrl.u32 v12, $0x1A;
	v17 =	vshll.u32 v12, $0x6  }
0x1fa: {  	v9 =	vor.u32 v9, v10;
	v18 =	vor.u32 v15, v63;
	v19 =	vor.u32 v14, v62  }
0x1fb: {  	v9 =	vxor.u32 v5, v9;
	v12 =	vor.u32 v16, v17;
	v11 =	vxor.u32 v8, v19  }
0x1fc: {  	v9 =	vadd.s32 $0xADD083F7, v9;
	v12 =	vxor.u32 v7, v12;
	v10 =	vxor.u32 v6, v18  }
0x1fd: {  	v12 =	vadd.s32 $0xADD083F7, v12;
	v10 =	vadd.s32 $0xADD083F7, v10;
	v11 =	vadd.s32 $0xADD083F7, v11  }
0x1fe: {  	v5 =	vadd.s32 v9, v5;
	v20 =	vshrl.u32 v9, $0xF;
	v9 =	vshll.u32 v9, $0x11  }
0x1ff: {  	v8 =	vadd.s32 v11, v8;
	v21 =	vshrl.u32 v11, $0xF;
	v11 =	vshll.u32 v11, $0x11  }
0x200: {  	v6 =	vadd.s32 v10, v6;
	v22 =	vshrl.u32 v10, $0xF;
	v10 =	vshll.u32 v10, $0x11  }
0x201: {  	v7 =	vadd.s32 v12, v7;
	v23 =	vshrl.u32 v12, $0xF;
	v12 =	vshll.u32 v12, $0x11  }
0x202: {  	v5 =	vadd.s32 $0x3D7B32D, v5;
	v9 =	vor.u32 v20, v9;
	v8 =	vadd.s32 $0x3D7B32D, v8  }
0x203: {  	v6 =	vadd.s32 $0x3D7B32D, v6;
	v10 =	vor.u32 v22, v10;
	v11 =	vor.u32 v21, v11  }
0x204: {  	v9 =	vxor.u32 v5, v9;
	v7 =	vadd.s32 $0x3D7B32D, v7;
	v12 =	vor.u32 v23, v12  }
0x205: {  	v5 =	vadd.s32 v5, v9;
	v10 =	vxor.u32 v6, v10;
	v11 =	vxor.u32 v8, v11  }
0x206: {  	v24 =	vshrl.u32 v9, $0x3;
	v9 =	vshll.u32 v9, $0x1D;
	v12 =	vxor.u32 v7, v12  }
0x207: {  	v8 =	vadd.s32 v8, v11;
	v25 =	vshrl.u32 v11, $0x3;
	v11 =	vshll.u32 v11, $0x1D  }
0x208: {  	v6 =	vadd.s32 v6, v10;
	v26 =	vshrl.u32 v10, $0x3;
	v10 =	vshll.u32 v10, $0x1D  }
0x209: {  	v7 =	vadd.s32 v7, v12;
	v27 =	vshrl.u32 v12, $0x3;
	v12 =	vshll.u32 v12, $0x1D  }
0x20a: {  	v9 =	vor.u32 v24, v9;
	v10 =	vor.u32 v26, v10;
	v11 =	vor.u32 v25, v11  }
0x20b: {  	v9 =	vxor.u32 v5, v9;
	v12 =	vor.u32 v27, v12;
	v11 =	vxor.u32 v8, v11  }
0x20c: {  	v5 =	vadd.s32 v5, v9;
	v12 =	vxor.u32 v7, v12;
	v10 =	vxor.u32 v6, v10  }
0x20d: {  	v28 =	vshrl.u32 v9, $0x10;
	v9 =	vshll.u32 v9, $0x10;
	v8 =	vadd.s32 v8, v11  }
0x20e: {  	v6 =	vadd.s32 v6, v10;
	v29 =	vshrl.u32 v11, $0x10;
	v11 =	vshll.u32 v11, $0x10  }
0x20f: {  	v7 =	vadd.s32 v7, v12;
	v30 =	vshrl.u32 v10, $0x10;
	v10 =	vshll.u32 v10, $0x10  }
0x210: {  	v9 =	vor.u32 v28, v9;
	v31 =	vshrl.u32 v12, $0x10;
	v12 =	vshll.u32 v12, $0x10  }
0x211: {  	v12 =	vor.u32 v31, v12;
	v10 =	vor.u32 v30, v10;
	v11 =	vor.u32 v29, v11  }
0x212: {  	v9 =	vxor.u32 v5, v9;
	v10 =	vxor.u32 v6, v10;
	v11 =	vxor.u32 v8, v11  }
0x213: {  	v5 =	vadd.s32 v5, v9;
	v32 =	vshrl.u32 v9, $0x8;
	v12 =	vxor.u32 v7, v12  }
0x214: {  	v9 =	vshll.u32 v9, $0x18;
	v8 =	vadd.s32 v8, v11;
	v33 =	vshrl.u32 v11, $0x8  }
0x215: {  	v6 =	vadd.s32 v6, v10;
	v34 =	vshrl.u32 v10, $0x8;
	v11 =	vshll.u32 v11, $0x18  }
0x216: {  	v7 =	vadd.s32 v7, v12;
	v35 =	vshrl.u32 v12, $0x8;
	v10 =	vshll.u32 v10, $0x18  }
0x217: {  	v9 =	vor.u32 v32, v9;
	v12 =	vshll.u32 v12, $0x18;
	v11 =	vor.u32 v33, v11  }
0x218: {  	v9 =	vxor.u32 v5, v9;
	v12 =	vor.u32 v35, v12;
	v10 =	vor.u32 v34, v10  }
0x219: {  	v12 =	vxor.u32 v7, v12;
	v10 =	vxor.u32 v6, v10;
	v11 =	vxor.u32 v8, v11  }
0x21a: {  	v9 =	vadd.s32 $0xB5D62B07, v9;
	v10 =	vadd.s32 $0xB5D62B07, v10;
	v11 =	vadd.s32 $0xB5D62B07, v11  }
0x21b: {  	v5 =	vadd.s32 v9, v5;
	v36 =	vshrl.u32 v9, $0x13;
	v12 =	vadd.s32 $0xB5D62B07, v12  }
0x21c: {  	v9 =	vshll.u32 v9, $0xD;
	v8 =	vadd.s32 v11, v8;
	v37 =	vshrl.u32 v11, $0x13  }
0x21d: {  	v6 =	vadd.s32 v10, v6;
	v38 =	vshrl.u32 v10, $0x13;
	v11 =	vshll.u32 v11, $0xD  }
0x21e: {  	v7 =	vadd.s32 v12, v7;
	v39 =	vshrl.u32 v12, $0x13;
	v10 =	vshll.u32 v10, $0xD  }
0x21f: {  	v5 =	vadd.s32 $0xADD083F4, v5;
	v9 =	vor.u32 v36, v9;
	v12 =	vshll.u32 v12, $0xD  }
0x220: {  	v6 =	vadd.s32 $0xADD083F4, v6;
	v8 =	vadd.s32 $0xADD083F4, v8;
	v11 =	vor.u32 v37, v11  }
0x221: {  	v7 =	vadd.s32 $0xADD083F4, v7;
	v12 =	vor.u32 v39, v12;
	v10 =	vor.u32 v38, v10  }
0x222: {  	v9 =	vxor.u32 v5, v9;
	v10 =	vxor.u32 v6, v10;
	v11 =	vxor.u32 v8, v11  }
0x223: {  	v5 =	vadd.s32 v5, v9;
	v40 =	vshrl.u32 v9, $0x11;
	v12 =	vxor.u32 v7, v12  }
0x224: {  	v9 =	vshll.u32 v9, $0xF;
	v8 =	vadd.s32 v8, v11;
	v41 =	vshrl.u32 v11, $0x11  }
0x225: {  	v6 =	vadd.s32 v6, v10;
	v42 =	vshrl.u32 v10, $0x11;
	v11 =	vshll.u32 v11, $0xF  }
0x226: {  	v7 =	vadd.s32 v7, v12;
	v43 =	vshrl.u32 v12, $0x11;
	v10 =	vshll.u32 v10, $0xF  }
0x227: {  	v9 =	vor.u32 v40, v9;
	v12 =	vshll.u32 v12, $0xF;
	v11 =	vor.u32 v41, v11  }
0x228: {  	v9 =	vxor.u32 v5, v9;
	v12 =	vor.u32 v43, v12;
	v10 =	vor.u32 v42, v10  }
0x229: {  	v5 =	vadd.s32 v5, v9;
	v10 =	vxor.u32 v6, v10;
	v11 =	vxor.u32 v8, v11  }
0x22a: {  	v44 =	vshrl.u32 v9, $0x6;
	v9 =	vshll.u32 v9, $0x1A;
	v12 =	vxor.u32 v7, v12  }
0x22b: {  	v8 =	vadd.s32 v8, v11;
	v45 =	vshrl.u32 v11, $0x6;
	v11 =	vshll.u32 v11, $0x1A  }
0x22c: {  	v6 =	vadd.s32 v6, v10;
	v46 =	vshrl.u32 v10, $0x6;
	v10 =	vshll.u32 v10, $0x1A  }
0x22d: {  	v7 =	vadd.s32 v7, v12;
	v47 =	vshrl.u32 v12, $0x6;
	v12 =	vshll.u32 v12, $0x1A  }
0x22e: {  	v9 =	vor.u32 v44, v9;
	v10 =	vor.u32 v46, v10;
	v11 =	vor.u32 v45, v11  }
0x22f: {  	v9 =	vxor.u32 v5, v9;
	v12 =	vor.u32 v47, v12;
	v11 =	vxor.u32 v8, v11  }
0x230: {  	v5 =	vadd.s32 v5, v9;
	v12 =	vxor.u32 v7, v12;
	v10 =	vxor.u32 v6, v10  }
0x231: {  	v48 =	vshrl.u32 v9, $0x1A;
	v9 =	vshll.u32 v9, $0x6;
	v8 =	vadd.s32 v8, v11  }
0x232: {  	v6 =	vadd.s32 v6, v10;
	v49 =	vshrl.u32 v11, $0x1A;
	v11 =	vshll.u32 v11, $0x6  }
0x233: {  	v50 =	vadd.s32 $0xB5D62B03, v5;
	v51 =	vshrl.u32 v10, $0x1A;
	v10 =	vshll.u32 v10, $0x6  }
0x234: {  	v7 =	vadd.s32 v7, v12;
	v17 =	vshrl.u32 v12, $0x1A;
	v12 =	vshll.u32 v12, $0x6  }
0x235: {  	v9 =	vor.u32 v48, v9;
	v52 =	vadd.s32 $0xB5D62B03, v6;
	v18 =	vadd.s32 $0xB5D62B03, v8  }
0x236: {  	v19 =	vadd.s32 $0xB5D62B03, v7;
	v10 =	vor.u32 v51, v10;
	v11 =	vor.u32 v49, v11  }
0x237: {  	v5 =	vxor.u32 v5, v9;
	v53 =	vor.u32 v17, v12;
	v8 =	vxor.u32 v8, v11  }
0x238: {  	v5 =	vadd.s32 $0x3D7B332, v5;
	v7 =	vxor.u32 v7, v53;
	v6 =	vxor.u32 v6, v10  }
0x239: {  	v7 =	vadd.s32 $0x3D7B332, v7;
	v6 =	vadd.s32 $0x3D7B332, v6;
	v8 =	vadd.s32 $0x3D7B332, v8  }
0x23a: {  	v5 =	vxor.u32 v50, v5;
	v6 =	vxor.u32 v52, v6;
	v8 =	vxor.u32 v18, v8  }
0x23b: {  	v5 =	vshrl.u32 v5, $0x9;
	v7 =	vxor.u32 v19, v7;
	v8 =	vshrl.u32 v8, $0x9  }
0x23c: {  	v5 =	vor.u32 $0x3F800000, v5;
	v7 =	vshrl.u32 v7, $0x9;
	v6 =	vshrl.u32 v6, $0x9  }
0x23d: {  	v5 =	vadd.f32 $-1.000000000e+00, v5;
	v6 =	vor.u32 $0x3F800000, v6;
	v8 =	vor.u32 $0x3F800000, v8  }
0x23e: {  	v7 =	vor.u32 $0x3F800000, v7;
	v6 =	vadd.f32 $-1.000000000e+00, v6;
	v8 =	vadd.f32 $-1.000000000e+00, v8  }
0x23f: {  	v7 =	vadd.f32 $-1.000000000e+00, v7;
	v5 =	vadd.f32 $1.175494350e-38, v5  }
0x240: {  	v6 =	vadd.f32 $1.175494350e-38, v6;
	v8 =	vadd.f32 $1.175494350e-38, v8  }
0x241: {  	v7 =	vadd.f32 $1.175494350e-38, v7;
	v5 =	vmax.f32 v5, $1.175494350e-38  }
0x242: {  	v54 =	vand.u32 $0x7FFFFF, v5;
	v6 =	vmax.f32 v6, $1.175494350e-38;
	v8 =	vmax.f32 v8, $1.175494350e-38  }
0x243: {  	v7 =	vmax.f32 v7, $1.175494350e-38;
	v9 =	vor.u32 $0x3F800000, v54;
	v55 =	vand.u32 $0x7FFFFF, v8  }
0x244: {  	v57 =	vand.u32 $0x7FFFFF, v7;
	v58 =	vand.u32 $0x7FFFFF, v6;
	v56 =	vmul.f32 $5.000000000e-01, v9  }
0x245: {  	s17 =	sadd.s32 $0x40, s17;
	vm1 =	vgt.f32 v9, $1.414213540e+00;
	v12 =	vor.u32 $0x3F800000, v57;
	v10 =	vor.u32 $0x3F800000, v55  }
0x246: {  	v59 =	vld [tilespmem:s17+$0x10];
	v13 =	vor.u32 $0x3F800000, v58;
	v60 =	vmul.f32 $5.000000000e-01, v12;
	v9 =	vsel vm1, v56, v9  }
0x247: {  	vm0 =	vgt.f32 v12, $1.414213540e+00;
	v24 =	vmul.f32 $5.000000000e-01, v13;
	v62 =	vadd.f32 $1.000000000e+00, v9  }
0x248: {  	v61 =	vld [tilespmem:s17+$0x0];
	vm2 =	vgt.f32 v13, $1.414213540e+00;
	v26 =	vmul.f32 $5.000000000e-01, v10;
	v11 =	vsel vm0, v60, v12  }
0x249: {  	v25 =	vld [tilespmem:s17+$0xFFFFFFE0];
	v13 =	vsel vm2, v24, v13;
	v20 =	vadd.f32 $1.000000000e+00, v11;
	(erf) = vrcp.f32 v62  }
0x24a: {  	v63 =	vld [tilespmem:s17+$0xFFFFFFF0];
	vm3 =	vgt.f32 v10, $1.414213540e+00;
	v27 =	vadd.f32 $1.000000000e+00, v13  }
0x24b: {  	v14 =	vmul.f32 $-8.333333010e+00, v59;
	v10 =	vsel vm3, v26, v10;
	(erf) = vrcp.f32 v20  }
0x24c: {  	v29 =	vadd.f32 $1.000000000e+00, v10;
	(erf) = vrcp.f32 v27  }
0x24d: {  	v15 =	vmul.f32 $-8.333333010e+00, v61;
	v14 =	vmul.f32 $1.442695020e+00, v14  }
0x24e: {  	v30 =	vmul.f32 $-8.333333010e+00, v25;
	(erf) = vrcp.f32 v29  }
0x24f: {  	v15 =	vmul.f32 $1.442695020e+00, v15;
	v28 =	vmul.f32 $-8.333333010e+00, v63  }
0x250: {  	v31 =	vmul.f32 $1.442695020e+00, v30;
	v5 =	vshra.s32 v5, $0x17;
	v8 =	vshra.s32 v8, $0x17  }
0x251: {  	v6 =	vshra.s32 v6, $0x17;
	v7 =	vshra.s32 v7, $0x17;
	v9 =	vadd.f32 $-1.000000000e+00, v9  }
0x252: {  	v33 =	vsel vm1, $0x1, v2;
	v36 =	vsel vm3, $0x1, v2;
	v38 =	vsel vm2, $0x1, v2;
	v32 =	vpop (erf)  }
0x253: {  	v40 =	vsel vm0, $0x1, v2;
	v11 =	vadd.f32 $-1.000000000e+00, v11;
	v9 =	vmul.f32 v32, v9  }
0x254: {  	v5 =	vadd.s32 v33, v5;
	v12 =	vmul.f32 $1.442695020e+00, v28;
	v13 =	vadd.f32 $-1.000000000e+00, v13;
	v34 =	vpop (erf)  }
0x255: {  	v8 =	vadd.s32 v36, v8;
	v11 =	vmul.f32 v34, v11;
	v37 =	vpop (erf);
	v35 =	vmul.f32 v9, v9  }
0x256: {  	v10 =	vadd.f32 $-1.000000000e+00, v10;
	(erf) = vpow2.f32 v14;
	v13 =	vmul.f32 v37, v13  }
0x257: {  	v7 =	vadd.s32 v40, v7;
	v42 =	vpop (erf);
	v41 =	vmul.f32 v11, v11;
	v39 =	vmul.f32 $1.111111120e-01, v35  }
0x258: {  	v6 =	vadd.s32 v38, v6;
	(erf) = vpow2.f32 v15;
	v10 =	vmul.f32 v42, v10  }
0x259: {  	v45 =	vmul.f32 v13, v13;
	v44 =	vmul.f32 $1.111111120e-01, v41;
	v43 =	vadd.f32 $1.428571490e-01, v39  }
0x25a: {  	v5 =	vadd.s32 $0xFFFFFF81, v5;
	(erf) = vpow2.f32 v12;
	v46 =	vmul.f32 v10, v10  }
0x25b: {  	v47 =	vmul.f32 $1.111111120e-01, v45;
	v14 =	vadd.f32 $1.428571490e-01, v44;
	v12 =	vmul.f32 v43, v35  }
0x25c: {  	v8 =	vadd.s32 $0xFFFFFF81, v8;
	v5 =	vcvt.s32.f32 v5;
	v48 =	vmul.f32 $1.111111120e-01, v46  }
0x25d: {  	v18 =	vadd.f32 $1.428571490e-01, v47;
	v14 =	vmul.f32 v14, v41;
	v12 =	vadd.f32 $2.000000030e-01, v12  }
0x25e: {  	v6 =	vadd.s32 $0xFFFFFF81, v6;
	v8 =	vcvt.s32.f32 v8;
	v20 =	vadd.f32 $1.428571490e-01, v48  }
0x25f: {  	v18 =	vmul.f32 v18, v45;
	v14 =	vadd.f32 $2.000000030e-01, v14;
	v12 =	vmul.f32 v12, v35  }
0x260: {  	v7 =	vadd.s32 $0xFFFFFF81, v7;
	(erf) = vpow2.f32 v31;
	v20 =	vmul.f32 v20, v46  }
0x261: {  	v18 =	vadd.f32 $2.000000030e-01, v18;
	v14 =	vmul.f32 v14, v41;
	v12 =	vadd.f32 $3.333333430e-01, v12  }
0x262: {  	v6 =	vcvt.s32.f32 v6;
	v9 =	vadd.f32 v9, v9;
	v20 =	vadd.f32 $2.000000030e-01, v20  }
0x263: {  	v49 =	vmul.f32 v18, v45;
	v14 =	vadd.f32 $3.333333430e-01, v14;
	v12 =	vmul.f32 v12, v35  }
0x264: {  	v7 =	vcvt.s32.f32 v7;
	v11 =	vadd.f32 v11, v11;
	v50 =	vmul.f32 v20, v46  }
0x265: {  	v15 =	vadd.f32 $3.333333430e-01, v49;
	v14 =	vmul.f32 v14, v41;
	v12 =	vmul.f32 v12, v9  }
0x266: {  	v5 =	vmul.f32 $-6.931471820e-01, v5;
	v13 =	vadd.f32 v13, v13;
	v18 =	vadd.f32 $3.333333430e-01, v50  }
0x267: {  	v51 =	vpop (erf);
	v53 =	vmul.f32 v15, v45;
	v52 =	vmul.f32 v14, v11;
	v9 =	vadd.f32 v12, v9  }
0x268: {  	v7 =	vmul.f32 $-6.931471820e-01, v7;
	v54 =	vpop (erf);
	v10 =	vadd.f32 v10, v10;
	v55 =	vmul.f32 v18, v46  }
0x269: {  	v56 =	vpop (erf);
	v58 =	vmul.f32 v53, v13;
	v57 =	vadd.f32 v52, v11;
	v5 =	vsub.f32 v5, v9  }
0x26a: {  	v6 =	vmul.f32 $-6.931471820e-01, v6;
	v59 =	vpop (erf);
	v60 =	vmul.f32 v55, v10  }
0x26b: {  	v61 =	vadd.f32 v58, v13;
	v7 =	vsub.f32 v7, v57;
	v5 =	vmul.f32 v59, v5  }
0x26c: {  	v8 =	vmul.f32 $-6.931471820e-01, v8;
	v10 =	vadd.f32 v60, v10  }
0x26d: {  	v6 =	vsub.f32 v6, v61;
	v7 =	vmul.f32 v56, v7;
	vm12 =	vlt.f32 v5, v4  }
0x26e: {  	s13 =	sadd.s32 $0x1, s13;
	v4 =	vsel vm12, v5, v4  }
0x26f: {  	p0 =	sne.s32 s13, $0x10;
	v5 =	vmul.f32 v54, v6;
	v6 =	vsub.f32 v8, v10;
	vm13 =	vlt.f32 v7, v4  }
.Ltmp1:
0x270: {  	v63 =	vor.u32 s18, v0;
	v62 =	vor.u32 s14, v0;
	v4 =	vsel vm13, v7, v4;
	(pc) =	sbr.rel @p0 .LBB2_2-.Ltmp1, $4  }
0x271: {  	v3 =	vsel vm12, v62, v3;
	v6 =	vmul.f32 v51, v6;
	vm14 =	vlt.f32 v5, v4  }
0x272: {  	v7 =	vor.u32 s15, v0;
	v3 =	vsel vm13, v63, v3;
	v4 =	vsel vm14, v5, v4  }
0x273: {  	v5 =	vor.u32 s16, v0;
	v7 =	vsel vm14, v7, v3;
	vm15 =	vlt.f32 v6, v4  }
0x274: {  	s12 =	sadd.s32 $0x4000, s12;
	v3 =	vsel vm15, v6, v4;
	v4 =	vsel vm15, v5, v7  }
0x275: {  	[tilespmem:$0x4000] =	vst v3  }
0x276: {  	[tilespmem:$0x4080] =	vst v4  }
0x277: {  	[hbm4b:s5+s2] =	stream.linear.scatter [tilespmem:s9], [sflag:$0x1], $0x80, $0x38;
	[tilespmem:$0x4100] =	vst v63  }
0x278: {  	s11 =	sadd.s32 $0x1, s11;
	_ =	swait.ge [sflag:s8], $0x80  }
0x279: {  	p0 =	sne.s32 s11, s7;
	[sflag:s8] =	ssyncset.done $0x0  }
.Ltmp2:
0x27a: {  	[sflag:s8] =	ssyncadd.s32 $0xFFFFFF80;
	(pc) =	sbr.rel @p0 .LBB2_1-.Ltmp2, $4  }
0x27b: {  	[hbm4b:s6+s2] =	stream.linear.scatter [tilespmem:s10], [sflag:$0x1], $0x80, $0x38;
	[tilespmem:$0x4100] =	vst v63  }
0x27c: {  	_ =	swait.ge [sflag:s8], $0x80  }
0x27d: {  	[sflag:s8] =	ssyncset.done $0x0  }
0x27e: {  	[sflag:s8] =	ssyncadd.s32 $0xFFFFFF80  }
0x27f: {  	_ =	sfence.sel $0x180000  }
0x280: {  	[bflag:$0x0] =	sbarrier.arrive $0xFFFF  }
0x281: {  	p0 =	sne.s32 s1, $0x0;
	_ =	strace $0x9000004A  }
0x282: {  	s0 =	sadd.s32 @!p0 $0x100000, s0;
	[bflag:$0x2] =	sbarrier.arrive $0xFFFF  }
0x283: {  	[sflag:s0] =	ssyncadd.tile.s32 @!p0 $0x1;
	_ =	shalt  }
.Lfunc_end2:
_tile_overlayer_lowered:
.L_overlay_start_2:
0x284: {  	(tag) =	ssettag $0x2  }
0x285: {  	s0 =	rddreg [dreg:$0x0];
	s2 =	stileid.u32  }
0x286: {  	s1 =	rddreg [dreg:$0x1];
	p0 =	sne.s32 s2, $0x0  }
0x287: {  	s3 =	rddreg [dreg:$0x2];
	[bflag:$0x3] =	sbarrier.arrive $0xFFFF;
	s2 =	simm.s32 @!p0 $0x1C01  }
0x288: {  	[timem:s3], [sflag:s2] =	dma.local @!p0 [hbm:s0], s1  }
0x289: {  	s0 =	simm.s32 @!p0 $0x1  }
0x28a: {  	_ =	swait.ge @!p0 [sflag:s0], s1  }
0x28b: {  	s1 =	ssub.s32 @!p0 $0x0, s1;
	[sflag:s0] =	ssyncset.done @!p0 $0x0  }
0x28c: {  	[sflag:s0] =	ssyncadd.s32 @!p0 s1  }
0x28d: {  	[bflag:$0x3] =	sbarrier.arrive $0xFFFF  }
0x28e: {  	_ =	shalt  }

// kernel: sparse-core-data-format-call.cloned.1.call-start
scs
called_computation_lowered:
.L_overlay_start_0:
0x0: {  	s2 =	sld [smem:$0x3FD9]  }
0x1: {  	s3 =	sld [smem:$0x3FFE];
	_ =	sdelay $0x1  }
0x2: {  	s1 =	srdreg.scid  }
0x3: {  	s0 =	sand.u32 $0x1, s1  }
0x4: {  	s18 =	sshll.u32 s0, $0xA;
	s2 =	sadd.s32 s3, s2  }
0x5: {  	s2 =	sadd.s32 s2, s18  }
0x6: {  	[smem:$0x3FC5] =	sst s2  }
0x7: {  	_ = 	snop  }
0x8: {  	s2 =	sld [smem:$0x3FC9];
	(tm) =	ssettm $0x1  }
0x9: {  	s19 =	sld [smem:$0x3FFB];
	_ =	sdelay $0x3  }
0xa: {  	_ =	strace s19  }
0xb: {  	s3 =	sld [smem:$0x3FFC];
	_ =	sdelay $0x3  }
0xc: {  	_ =	strace s3  }
0xd: {  	s3 =	sld [smem:$0x3FFD];
	_ =	sdelay $0x3  }
0xe: {  	_ =	strace s3  }
0xf: {  	_ =	strace $0x8FFFFFFF  }
0x10: {  	s20 =	sld [smem:$0x3FDB];
	_ =	sdelay $0x1  }
0x11: {  	s4 =	simm.s32 $_scs_section_size  }
0x12: {  	s5 =	simm.s32 $_size__tile_overlayer_lowered;
	s6 =	simm.s32 $_tile_overlayer_lowered  }
0x13: {  	s23 =	simm.s32 $0x1BFF;
	s22 =	sshll.u32 s6, $0x1;
	s3 =	sadd.s32 s4, s20  }
0x14: {  	s7 =	simm.s32 $0x0;
	s21 =	sshll.u32 s5, $0x1;
	s5 =	sadd.s32 s22, s3  }
0x15: {  	[timem:s7], [sflag:s23] =	dma.local [hbm:s5], s21  }
0x16: {  	_ =	swait.ge [sflag:s23], s21  }
0x17: {  	s4 =	ssub.s32 $0x0, s21;
	[sflag:s23] =	ssyncset.done $0x0  }
0x18: {  	[sflag:s23] =	ssyncadd.s32 s4;
	_ =	sdelay $0x1  }
0x19: {  	s24 =	simm.s32 $0x1B8B  }
0x1a: {  	_ =	swait.ge [sflag:s24], $0x1  }
0x1b: {  	[sflag:s24] =	ssyncset.done $0x0  }
0x1c: {  	s26 =	simm.s32 $0x1B8E;
	s25 =	sld [smem:$0x3FFE];
	[sflag:s24] =	ssyncadd.s32 $0xFFFFFFFF  }
0x1d: {  	s27 =	simm.s32 $execute0_lowered;
	[smem:$0x3FD2] =	sst s26  }
0x1e: {  	s5 =	sshll.u32 s27, $0x1;
	_ =	strace $0x80000046;
	[dreg:$0x1] =	wrdreg $0xFFFFFFFF  }
0x1f: {  	s28 =	simm.s32 $_size_execute0_lowered;
	s3 =	sadd.s32 s3, s5;
	[dreg:$0x0] =	wrdreg $0x0  }
0x20: {  	s5 =	sshll.u32 s28, $0x1;
	[dreg:$0x2] =	wrdreg s3  }
0x21: {  	[dreg:$0x3] =	wrdreg s5  }
0x22: {  	[dreg:$0x4] =	wrdreg $0xC0  }
0x23: {  	_ =	task [dreg:s7], $0x5FFFF  }
0x24: {  	[dreg:$0x1] =	wrdreg $0xFFFFFFFF  }
0x25: {  	[dreg:$0x0] =	wrdreg $0x60  }
0x26: {  	[dreg:$0x2] =	wrdreg s2  }
0x27: {  	[dreg:$0x3] =	wrdreg s25  }
0x28: {  	[dreg:$0x4] =	wrdreg $0x9  }
0x29: {  	_ =	task.clear_ibuf [dreg:s7], $0x5FFFF;
	_ =	strace $0x90000046  }
0x2a: {  	s29 =	simm.s32 $0x9;
	_ =	strace $0x80000048  }
0x2b: {  	_ =	swait.ge [sflag:s29], $0x1  }
0x2c: {  	[sflag:s29] =	ssyncadd.s32 $0xFFFFFFFF  }
0x2d: {  	_ =	strace $0x90000048  }
0x2e: {  	_ =	sfence  }
0x2f: {  	s30 =	sld [smem:$0x0];
	_ =	sdelay $0x2  }
0x30: {  	s31 =	sshll.u32 s1, $0xD;
	s1 =	sshrl.u32 s1, $0x2  }
0x31: {  	s3 =	sand.u32 $0x4000, s31;
	s1 =	sadd.s32 s1, s30  }
0x32: {  	s0 =	sor.u32 s3, s0;
	s1 =	sshll.u32 s1, $0x11  }
0x33: {  	s0 =	sor.u32 s1, s0  }
0x34: {  	s0 =	sadd.s32 $0x8F2B, s0  }
0x35: {  	[sflag:s0] =	ssyncadd.remote.s32 $0x1  }
0x36: {  	_ =	sfence.sel $0xFFFF  }
0x37: {  	[dreg:$0x0] =	wrdreg $0xFFFFFFFF;
	(pc) =	sbr.abs _section_cstart, $3  }
0x38: {  	[dreg:$0x1] =	wrdreg $0xFFFFFFFF  }
0x39: {  	_ =	task.clear_ibuf [dreg:s7], $0x2FFFF;
	_ =	strace $0x9FFFFFFF  }
0x3a: {  	(tm) =	ssettm $0x7FFFFFFF  }
0x3b: {  	_ =	shalt  }
tec
execute0_lowered:
.L_overlay_start_1:
0x0: {  	(tag) =	ssettag $0x1  }
0x1: {  	s0 =	srdreg.scid  }
0x2: {  	s1 =	sshll.u32 s0, $0x4  }
0x3: {  	s2 =	rddreg [dreg:$0x0];
	s0 =	stileid.u32;
	s1 =	sand.u32 $0x10, s1  }
0x4: {  	s4 =	rddreg [dreg:$0x1];
	s7 =	simm.s32 $0x1;
	s1 =	sor.u32 s0, s1  }
0x5: {  	s8 =	simm.s32 $0x2;
	s9 =	simm.s32 $0x0;
	s3 =	sshll.u32 s1, $0x2  }
0x6: {  	s12 =	simm.s32 $0x0;
	s11 =	simm.s32 $0x0;
	s6 =	ssub.s32 $0x2000, s3  }
.Ltmp0:
0x7: {  	s4 =	sadd.s32 $0x2000, s4;
	s5 =	sand.u32 $0x7C, s6;
	(pc) =	sbr.rel .LBB1_1-.Ltmp0, $4  }
0x8: {  	s1 =	rddreg [dreg:$0x2];
	_ =	strace $0x80000047;
	p0 =	sne.s32 s5, $0x0  }
0x9: {  	s6 =	sshrl.u32 s6, $0x7;
	s5 =	simm.s32 $0x1;
	s7 =	simm.s32 @!p0 $0x0  }
0xa: {  	s10 =	smov.u32 s3;
	[sflag:s5] =	ssyncpa.u1 $0x0;
	s6 =	sadd.s32 s7, s6  }
0xb: {  	[sflag:s8] =	ssyncpa.u1 $0x0;
	s8 =	simm.s32 $0x0;
	s7 =	sadd.s32 $0x1, s6  }
.LBB1_9:
0xc: {  	s14 =	sadd.s32 $0x80, s10  }
0xd: {  	p1 =	sgt.s32 s14, $0x1FFF  }
0xe: {  	s14 =	smov.u32 @p1 s3;
	p1 =	sne.s32 s11, s7  }
.Ltmp1:
0xf: {  	p0 =	slt.u32 s11, $0x2;
	(pc) =	sbr.rel @!p1 .LBB1_10-.Ltmp1, $4  }
0x10: {  	s13 =	simm.s32 @!p0 $0x2  }
0x11: {  	s15 =	sadd.s32 $0x1, s11;
	_ =	swait.ge @!p0 [sflag:s13], $0x4000  }
0x12: {  	s12 =	smov.u32 s10;
	s9 =	sadd.s32 $0x4000, s9;
	[sflag:s13] =	ssyncset.done @!p0 $0x0  }
0x13: {  	s11 =	smov.u32 s15;
	s10 =	smov.u32 s14;
	[sflag:s13] =	ssyncadd.s32 @!p0 $0xFFFFC000  }
.LBB1_1:
0x14: {  	p0 =	sge.u32 s11, s6  }
0x15: {  	s13 =	sxor.u32 @!p0 $0xFFFFFFFF, s11  }
0x16: {  	s31 =	sadd.s32 $0xFFFFFFFF, s11;
	s14 =	sshll.u32 @!p0 s10, $0x9;
	s13 =	sshll.u32 @!p0 s13, $0xE  }
0x17: {  	s15 =	simm.s32 @!p0 $0x0;
	s14 =	sadd.s32 @!p0 s2, s14;
	s13 =	sand.u32 @!p0 $0x4000, s13  }
0x18: {  	[tilespmem:s13], [sflag:$0x1] =	stream.linear.gather @!p0 [hbm4b:s14+s15], $0x4000, $0x38;
	[tilespmem:$0x10000] =	vst v63  }
0x19: {  	p0 =	sge.u32 s31, s6  }
.Ltmp2:
0x1a: {  	_ = 	snop;
	(pc) =	sbr.rel @p0 .LBB1_9-.Ltmp2, $1  }
0x1b: {  	_ =	sdelay $0x3  }
0x1c: {  	s14 =	sand.u32 $0x4000, s9  }
0x1d: {  	_ =	swait.ge [sflag:s5], $0x4000;
	s15 =	sshll.u32 s11, $0xE;
	s16 =	simm.s32 $0x0  }
0x1e: {  	s13 =	sor.u32 $0x40, s14;
	[sflag:s5] =	ssyncset.done $0x0;
	s15 =	sand.u32 $0x4000, s15  }
0x1f: {  	s14 =	sor.u32 $0x8040, s14;
	[sflag:s5] =	ssyncadd.s32 $0xFFFFC000;
	s15 =	sor.u32 $0x8000, s15  }
.LBB1_3:
0x20: {  	s17 =	smov.u32 s14;
	s18 =	smov.u32 s13;
	s19 =	simm.s32 $0x0  }
.LBB1_4:
0x21: {  	v0 =	vmov s17;
	v2 =	vld [tilespmem:s18+$0x30]  }
0x22: {  	v4 =	vld [tilespmem:s18+$0xFFFFFFD0]  }
0x23: {  	v6 =	vld [tilespmem:s18+$0xFFFFFFE0]  }
0x24: {  	v7 =	vld [tilespmem:s18+$0xFFFFFFF0]  }
0x25: {  	s20 =	simm.s32 $0x0;
	v1 =	vld [tilespmem:s18+$0x0]  }
0x26: {  	v3 =	vld [tilespmem:s18+$0x10];
	[tilespmem:v0+s20+$0x30 ss:$0x1] =	vst.idx.msk $0xffff, v2  }
0x27: {  	v5 =	vld [tilespmem:s18+$0x20];
	[tilespmem:v0+s20+$0xFFFFFFD0 ss:$0x1] =	vst.idx.msk $0xffff, v4  }
0x28: {  	s21 =	sadd.s32 $0x80, s18;
	v2 =	vld [tilespmem:s18+$0xFFFFFFC0];
	[tilespmem:v0+s20+$0xFFFFFFE0 ss:$0x1] =	vst.idx.msk $0xffff, v6  }
0x29: {  	s22 =	simm.s32 $0x800;
	s23 =	simm.s32 $0x1000;
	v4 =	vld [tilespmem:s21+$0x30];
	[tilespmem:v0+s20+$0xFFFFFFF0 ss:$0x1] =	vst.idx.msk $0xffff, v7  }
.LBB1_5:
0x2a: {  	p0 =	sne.s32 s23, $0x3800;
	v6 =	vld [tilespmem:s21+$0xFFFFFFD0];
	[tilespmem:v0+s20+$0x0 ss:$0x1] =	vst.idx.msk $0xffff, v1  }
0x2b: {  	v7 =	vld [tilespmem:s21+$0xFFFFFFE0];
	[tilespmem:v0+s20+$0x10 ss:$0x1] =	vst.idx.msk $0xffff, v3  }
0x2c: {  	v8 =	vld [tilespmem:s21+$0xFFFFFFF0];
	[tilespmem:v0+s20+$0x20 ss:$0x1] =	vst.idx.msk $0xffff, v5  }
.Ltmp3:
0x2d: {  	v1 =	vld [tilespmem:s21+$0x0];
	[tilespmem:v0+s20+$0xFFFFFFC0 ss:$0x1] =	vst.idx.msk $0xffff, v2;
	s20 =	sshra.s32 s22, $0x2;
	s22 =	smov.u32 s23;
	(pc) =	sbr.rel @p0 .LBB1_5-.Ltmp3, $4  }
0x2e: {  	v3 =	vld [tilespmem:s21+$0x10];
	[tilespmem:v0+s20+$0x30 ss:$0x1] =	vst.idx.msk $0xffff, v4  }
0x2f: {  	[tilespmem:v0+s20+$0xFFFFFFD0 ss:$0x1] =	vst.idx.msk $0xffff, v6;
	v5 =	vld [tilespmem:s21+$0x20]  }
0x30: {  	v2 =	vld [tilespmem:s21+$0xFFFFFFC0];
	[tilespmem:v0+s20+$0xFFFFFFE0 ss:$0x1] =	vst.idx.msk $0xffff, v7;
	s21 =	sadd.s32 $0x80, s21  }
0x31: {  	s23 =	sadd.s32 $0x800, s23;
	v4 =	vld [tilespmem:s21+$0x30];
	[tilespmem:v0+s20+$0xFFFFFFF0 ss:$0x1] =	vst.idx.msk $0xffff, v8  }
0x32: {  	_ =	sdelay $0x3  }
0x33: {  	v6 =	vld [tilespmem:s21+$0xFFFFFFD0];
	[tilespmem:v0+s20+$0x0 ss:$0x1] =	vst.idx.msk $0xffff, v1  }
0x34: {  	v58 =	vld [tilespmem:s21+$0xFFFFFFE0];
	[tilespmem:v0+s20+$0x10 ss:$0x1] =	vst.idx.msk $0xffff, v3  }
0x35: {  	v59 =	vld [tilespmem:s21+$0xFFFFFFF0];
	[tilespmem:v0+s20+$0x20 ss:$0x1] =	vst.idx.msk $0xffff, v5  }
0x36: {  	s22 =	sshra.s32 s22, $0x2;
	v60 =	vld [tilespmem:s21+$0x0];
	[tilespmem:v0+s20+$0xFFFFFFC0 ss:$0x1] =	vst.idx.msk $0xffff, v2  }
0x37: {  	v61 =	vld [tilespmem:s21+$0x10];
	[tilespmem:v0+s22+$0x30 ss:$0x1] =	vst.idx.msk $0xffff, v4  }
0x38: {  	v62 =	vld [tilespmem:s21+$0x20];
	s19 =	sadd.s32 $0x1, s19;
	[tilespmem:v0+s22+$0xFFFFFFD0 ss:$0x1] =	vst.idx.msk $0xffff, v6  }
0x39: {  	v63 =	vld [tilespmem:s21+$0xFFFFFFC0];
	p0 =	sne.s32 s19, $0x4;
	[tilespmem:v0+s22+$0xFFFFFFE0 ss:$0x1] =	vst.idx.msk $0xffff, v58  }
.Ltmp4:
0x3a: {  	[tilespmem:v0+s22+$0xFFFFFFF0 ss:$0x1] =	vst.idx.msk $0xffff, v59;
	(pc) =	sbr.rel @p0 .LBB1_4-.Ltmp4, $4  }
0x3b: {  	[tilespmem:v0+s22+$0x0 ss:$0x1] =	vst.idx.msk $0xffff, v60  }
0x3c: {  	[tilespmem:v0+s22+$0x10 ss:$0x1] =	vst.idx.msk $0xffff, v61  }
0x3d: {  	[tilespmem:v0+s22+$0x20 ss:$0x1] =	vst.idx.msk $0xffff, v62  }
0x3e: {  	s18 =	sadd.s32 $0x400, s18;
	s17 =	sadd.s32 $0x80, s17;
	[tilespmem:v0+s22+$0xFFFFFFC0 ss:$0x1] =	vst.idx.msk $0xffff, v63  }
0x3f: {  	s16 =	sadd.s32 $0x1, s16  }
0x40: {  	p0 =	sne.s32 s16, $0x4  }
.Ltmp5:
0x41: {  	_ = 	snop;
	(pc) =	sbr.rel @p0 .LBB1_3-.Ltmp5, $2  }
0x42: {  	_ =	sdelay $0x2  }
0x43: {  	s13 =	sadd.s32 $0x1000, s13;
	s14 =	sadd.s32 $0x1000, s14  }
.Ltmp6:
0x44: {  	(pc) =	sbr.rel .LBB1_9-.Ltmp6, $4  }
0x45: {  	_ = 	snop  }
0x46: {  	s12 =	sshll.u32 s12, $0x9  }
0x47: {  	s12 =	sadd.s32 s4, s12  }
0x48: {  	[hbm4b:s12+s8] =	stream.linear.scatter [tilespmem:s15], [sflag:$0x2], $0x4000, $0x38;
	[tilespmem:$0x10000] =	vst v63  }
.LBB1_10:
0x49: {  	_ =	sfence.sel $0x180000  }
0x4a: {  	s2 =	simm.s32 $0x1;
	[bflag:$0x0] =	sbarrier.arrive $0xFFFF  }
0x4b: {  	s31 =	simm.s32 $0x2;
	[sflag:s2] =	ssyncpa.u1 $0x1  }
0x4c: {  	[sflag:s31] =	ssyncpa.u1 $0x1  }
0x4d: {  	p0 =	sne.s32 s0, $0x0;
	_ =	strace $0x90000047  }
0x4e: {  	s0 =	sadd.s32 @!p0 $0x100000, s1;
	[bflag:$0x2] =	sbarrier.arrive $0xFFFF  }
0x4f: {  	[sflag:s0] =	ssyncadd.tile.s32 @!p0 $0x1;
	_ =	shalt  }
.Lfunc_end1:
_tile_overlayer_lowered:
.L_overlay_start_2:
0x50: {  	(tag) =	ssettag $0x2  }
0x51: {  	s0 =	rddreg [dreg:$0x0];
	s2 =	stileid.u32  }
0x52: {  	s1 =	rddreg [dreg:$0x1];
	p0 =	sne.s32 s2, $0x0  }
0x53: {  	s3 =	rddreg [dreg:$0x2];
	[bflag:$0x3] =	sbarrier.arrive $0xFFFF;
	s2 =	simm.s32 @!p0 $0x1C01  }
0x54: {  	[timem:s3], [sflag:s2] =	dma.local @!p0 [hbm:s0], s1  }
0x55: {  	s0 =	simm.s32 @!p0 $0x1  }
0x56: {  	_ =	swait.ge @!p0 [sflag:s0], s1  }
0x57: {  	s1 =	ssub.s32 @!p0 $0x0, s1;
	[sflag:s0] =	ssyncset.done @!p0 $0x0  }
0x58: {  	[sflag:s0] =	ssyncadd.s32 @!p0 s1  }
0x59: {  	[bflag:$0x3] =	sbarrier.arrive $0xFFFF  }
0x5a: {  	_ =	shalt  }

</sc_bundles>
